<compile_context>
chip_gen: v7x
topology: tpu7x:2x2x1
jax: 0.10.2.dev20260603
libtpu: 0.0.44.dev20260713+nightly
codegen_flags: <defaults>
</compile_context>

<pallas_src>
import functools

import jax
import jax.numpy as jnp
from jax import lax
from jax.experimental import pallas as pl
from jax.experimental.pallas import tpu as pltpu
from jax.experimental.pallas import tpu_sc as plsc

N = 100000
E = 1600000
NPAD = 100352
SLICE = NPAD // 16
NITER = SLICE // 16
EROWS = E // 128
RPT = 784
CH = 8
CW = CH * 128
NCH_FULL = RPT // CH
NCH_LAST = 92
TAIL = EROWS - 15 * RPT - NCH_LAST * CH
DBLK = 14336


def _stats_body(xt_ref, o_ref):
    i = pl.program_id(0)
    xb = xt_ref[...]
    sb = xb.shape[1]
    mask = (jax.lax.broadcasted_iota(jnp.int32, (2, sb), 1)
            + i * sb) < N
    xb = jnp.where(mask, xb, 0.0)
    m = lax.dot_general(xb, xb, (((1,), (1,)), ((), ())),
                        precision=lax.Precision.HIGHEST,
                        preferred_element_type=jnp.float32)
    s1 = jnp.sum(xb, axis=1)
    o_ref[...] = jnp.pad(
        jnp.concatenate([m, s1[:, None]], axis=1), ((0, 6), (0, 5)))[None]


def _stats(xt):
    nblk = 8
    sb = NPAD // nblk
    return pl.pallas_call(
        _stats_body,
        grid=(nblk,),
        in_specs=[pl.BlockSpec((2, sb), lambda i: (0, i))],
        out_specs=pl.BlockSpec((1, 8, 8), lambda i: (i, 0, 0)),
        out_shape=jax.ShapeDtypeStruct((nblk, 8, 8), jnp.float32),
    )(xt)


def _dense_body(xt_ref, m_ref, w1_ref, b1_ref, gam_ref, bet_ref, pa_ref,
                w2_ref, b2_ref, wgb_ref, bgb_ref, wgf_ref, bgf_ref,
                w0_ref, b0_ref, wb_ref, bb_ref, wf_ref, fb_ref,
                sall_ref, sb_ref, sf_ref):
    m = jnp.sum(m_ref[...], axis=0)
    s1 = m[0:2, 2]
    mu_x = s1 * (1.0 / N)
    c00 = m[0, 0] / N - mu_x[0] * mu_x[0]
    c01 = m[0, 1] / N - mu_x[0] * mu_x[1]
    c11 = m[1, 1] / N - mu_x[1] * mu_x[1]
    W1 = w1_ref[...]
    mu_t = jnp.dot(mu_x, W1, precision=lax.Precision.HIGHEST) + b1_ref[...]
    var_t = (c00 * W1[0] * W1[0] + 2.0 * c01 * W1[0] * W1[1]
             + c11 * W1[1] * W1[1])
    a = gam_ref[...] * lax.rsqrt(var_t + 1e-5)
    P = W1 * a[None, :]
    q = (b1_ref[...] - mu_t) * a + bet_ref[...]
    hp = lax.Precision.HIGHEST
    U = jnp.concatenate([w0_ref[...], jnp.dot(wgb_ref[...], wb_ref[...], precision=hp),
                         jnp.dot(wgf_ref[...], wf_ref[...], precision=hp)], axis=1)
    G = jnp.pad(jnp.dot(w2_ref[...], U, precision=hp), ((0, 0), (0, 5)))
    d3 = (jnp.dot(b2_ref[...], U, precision=hp)
          + jnp.concatenate([b0_ref[...], jnp.dot(bgb_ref[...], wb_ref[...], precision=hp),
                             jnp.dot(bgf_ref[...], wf_ref[...], precision=hp)]))
    g3 = jnp.pad(d3, (0, 5))
    g3 = g3 + jnp.pad(bb_ref[...] + fb_ref[...], (0, 7))

    xb = xt_ref[...]
    hn = lax.dot_general(P, xb, (((0,), (0,)), ((), ())),
                         precision=lax.Precision.HIGHEST,
                         preferred_element_type=jnp.float32)
    hn = hn + q[:, None]
    pa = pa_ref[0]
    h = jnp.maximum(hn, 0.0) + pa * jnp.minimum(hn, 0.0)
    s3 = lax.dot_general(G, h, (((0,), (0,)), ((), ())),
                         precision=lax.Precision.HIGHEST,
                         preferred_element_type=jnp.float32)
    s3 = s3 + g3[:, None]
    sall_ref[...] = s3[0, :]
    sb_ref[...] = s3[1, :]
    sf_ref[...] = s3[2, :]


def _dense(xt, mom, W1, b1, gamma, beta, prelu_a, W2, b2,
           Wgb, bgb, Wgf, bgf, w0, b0, wb, bbias, wf, fbias):
    nblk = NPAD // DBLK
    full = lambda shp: pl.BlockSpec(shp, lambda i: tuple(0 for _ in shp))
    return pl.pallas_call(
        _dense_body,
        grid=(nblk,),
        in_specs=[
            pl.BlockSpec((2, DBLK), lambda i: (0, i)),
            full((8, 8, 8)),
            full((2, 32)), full((32,)), full((32,)), full((32,)), full((1,)),
            full((32, 32)), full((32,)),
            full((32, 32)), full((32,)),
            full((32, 32)), full((32,)),
            full((32, 1)), full((1,)),
            full((32, 1)), full((1,)),
            full((32, 1)), full((1,)),
        ],
        out_specs=[pl.BlockSpec((DBLK,), lambda i: (i,))] * 3,
        out_shape=[jax.ShapeDtypeStruct((NPAD,), jnp.float32)] * 3,
    )(xt, mom, W1, b1, gamma, beta, prelu_a.reshape(1), W2, b2,
      Wgb, bgb, Wgf, bgf, w0, b0, wb, bbias, wf, fbias)


def _rsqrt_newton(d):
    ib = lax.bitcast_convert_type(d, jnp.int32)
    ib = jnp.int32(0x5F3759DF) - (ib >> 1)
    y = lax.bitcast_convert_type(ib, jnp.float32)
    y = y * (1.5 - 0.5 * d * y * y)
    y = y * (1.5 - 0.5 * d * y * y)
    y = y * (1.5 - 0.5 * d * y * y)
    return y


def _row(buf, j):
    return buf.at[pl.ds(j * 128, 128)]


def _deg_graph(s, ei, dout, edst, edst2, ones, nc, deg_sp, sem, semd):
    nsl = pl.ds(s * SLICE, SLICE)
    nch = jnp.where(s < 15, NCH_FULL, NCH_LAST)
    eb = s * RPT * 128

    @pl.loop(0, NITER)
    def _(i):
        nc[pl.ds(i * 16, 16)] = jnp.zeros((16,), jnp.float32)

    pltpu.sync_copy(nc, deg_sp.at[nsl])

    @pl.loop(0, CW // 16)
    def _(i):
        ones[pl.ds(i * 16, 16)] = jnp.ones((16,), jnp.float32)

    plsc.subcore_barrier()

    pltpu.make_async_copy(ei.at[1, pl.ds(eb, CW)], edst, semd).start()

    @pl.loop(0, nch)
    def _(g):
        even = lax.rem(g, 2) == 0
        nxt = eb + (g + 1) * CW

        @pl.when(g + 1 < nch)
        def _():
            @pl.when(even)
            def _():
                pltpu.make_async_copy(ei.at[1, pl.ds(nxt, CW)], edst2, semd).start()

            @pl.when(jnp.logical_not(even))
            def _():
                pltpu.make_async_copy(ei.at[1, pl.ds(nxt, CW)], edst, semd).start()

        pltpu.make_async_copy(ei.at[1, pl.ds(eb, CW)], edst, semd).wait()

        @pl.when(even)
        def _():
            pltpu.async_copy(ones, deg_sp.at[edst], sem, add=True).wait()

        @pl.when(jnp.logical_not(even))
        def _():
            pltpu.async_copy(ones, deg_sp.at[edst2], sem, add=True).wait()

    @pl.when(s == 15)
    def _():
        pltpu.sync_copy(ei.at[1, pl.ds(E - TAIL * 128, TAIL * 128)],
                        edst.at[pl.ds(0, TAIL * 128)])
        pltpu.async_copy(ones.at[pl.ds(0, TAIL * 128)],
                         deg_sp.at[edst.at[pl.ds(0, TAIL * 128)]],
                         sem, add=True).wait()

    plsc.subcore_barrier()
    pltpu.sync_copy(deg_sp.at[nsl], nc)
    pltpu.sync_copy(nc, dout.at[nsl])


def _sc_deg(eib, eif):
    mesh = plsc.VectorSubcoreMesh(core_axis_name="c", subcore_axis_name="s")

    @functools.partial(
        pl.kernel,
        mesh=mesh,
        out_type=[jax.ShapeDtypeStruct((NPAD,), jnp.float32)] * 2,
        scratch_types=[
            pltpu.VMEM((CW,), jnp.int32),
            pltpu.VMEM((CW,), jnp.int32),
            pltpu.VMEM((CW,), jnp.float32),
            pltpu.VMEM((SLICE,), jnp.float32),
            pltpu.VMEM_SHARED((NPAD,), jnp.float32),
            pltpu.SemaphoreType.DMA,
            pltpu.SemaphoreType.DMA,
        ],
    )
    def k(eib_ref, eif_ref, degb_ref, degf_ref,
          edst, edst2, ones, nc, deg_sp, sem, semd):
        c = lax.axis_index("c")
        s = lax.axis_index("s")

        @pl.when(c == 0)
        def _():
            _deg_graph(s, eib_ref, degb_ref, edst, edst2, ones, nc,
                       deg_sp, sem, semd)

        @pl.when(c == 1)
        def _():
            _deg_graph(s, eif_ref, degf_ref, edst, edst2, ones, nc,
                       deg_sp, sem, semd)

    return k(eib, eif)


def _main_graph(s, ei, sv, deg, out, esrc, edst, esrc2, edst2, vals,
                na, nb, nc, table_sp, acc_sp, sem, semd):
    nsl = pl.ds(s * SLICE, SLICE)
    nch = jnp.where(s < 15, NCH_FULL, NCH_LAST)
    eb = s * RPT * 128

    @pl.loop(0, NITER)
    def _(i):
        nc[pl.ds(i * 16, 16)] = jnp.zeros((16,), jnp.float32)

    pltpu.sync_copy(nc, acc_sp.at[nsl])
    pltpu.sync_copy(deg.at[nsl], na)
    pltpu.sync_copy(sv.at[nsl], nb)

    @pl.loop(0, NITER)
    def _(i):
        sl = pl.ds(i * 16, 16)
        y = _rsqrt_newton(na[sl] + 1.0)
        sb_ = nb[sl]
        na[sl] = y
        nb[sl] = sb_ * y
        nc[sl] = sb_ * y * y

    pltpu.sync_copy(nb, table_sp.at[nsl])
    plsc.subcore_barrier()

    pltpu.make_async_copy(ei.at[0, pl.ds(eb, CW)], esrc, semd).start()
    pltpu.make_async_copy(ei.at[1, pl.ds(eb, CW)], edst, semd).start()

    @pl.loop(0, nch)
    def _(g):
        even = lax.rem(g, 2) == 0
        nxt = eb + (g + 1) * CW

        @pl.when(g + 1 < nch)
        def _():
            @pl.when(even)
            def _():
                pltpu.make_async_copy(ei.at[0, pl.ds(nxt, CW)], esrc2, semd).start()
                pltpu.make_async_copy(ei.at[1, pl.ds(nxt, CW)], edst2, semd).start()

            @pl.when(jnp.logical_not(even))
            def _():
                pltpu.make_async_copy(ei.at[0, pl.ds(nxt, CW)], esrc, semd).start()
                pltpu.make_async_copy(ei.at[1, pl.ds(nxt, CW)], edst, semd).start()

        pltpu.make_async_copy(ei.at[0, pl.ds(eb, CW)], esrc, semd).wait()
        pltpu.make_async_copy(ei.at[1, pl.ds(eb, CW)], edst, semd).wait()

        @pl.when(even)
        def _():
            pltpu.async_copy(table_sp.at[esrc], vals, sem).wait()
            pltpu.async_copy(vals, acc_sp.at[edst], sem, add=True).wait()

        @pl.when(jnp.logical_not(even))
        def _():
            pltpu.async_copy(table_sp.at[esrc2], vals, sem).wait()
            pltpu.async_copy(vals, acc_sp.at[edst2], sem, add=True).wait()

    @pl.when(s == 15)
    def _():
        pltpu.sync_copy(ei.at[0, pl.ds(E - TAIL * 128, TAIL * 128)],
                        esrc.at[pl.ds(0, TAIL * 128)])
        pltpu.sync_copy(ei.at[1, pl.ds(E - TAIL * 128, TAIL * 128)],
                        edst.at[pl.ds(0, TAIL * 128)])
        pltpu.async_copy(table_sp.at[esrc.at[pl.ds(0, TAIL * 128)]],
                         vals.at[pl.ds(0, TAIL * 128)], sem).wait()
        pltpu.async_copy(vals.at[pl.ds(0, TAIL * 128)],
                         acc_sp.at[edst.at[pl.ds(0, TAIL * 128)]],
                         sem, add=True).wait()

    plsc.subcore_barrier()

    pltpu.sync_copy(acc_sp.at[nsl], nb)

    @pl.loop(0, NITER)
    def _(i):
        sl = pl.ds(i * 16, 16)
        nb[sl] = nb[sl] * na[sl] + nc[sl]

    pltpu.sync_copy(nb, out.at[nsl])


def _sc_main(eib, eif, sbv, sfv, degb, degf):
    mesh = plsc.VectorSubcoreMesh(core_axis_name="c", subcore_axis_name="s")

    @functools.partial(
        pl.kernel,
        mesh=mesh,
        out_type=[jax.ShapeDtypeStruct((NPAD,), jnp.float32)] * 2,
        scratch_types=[
            pltpu.VMEM((CW,), jnp.int32),
            pltpu.VMEM((CW,), jnp.int32),
            pltpu.VMEM((CW,), jnp.int32),
            pltpu.VMEM((CW,), jnp.int32),
            pltpu.VMEM((CW,), jnp.float32),
            pltpu.VMEM((SLICE,), jnp.float32),
            pltpu.VMEM((SLICE,), jnp.float32),
            pltpu.VMEM((SLICE,), jnp.float32),
            pltpu.VMEM_SHARED((NPAD,), jnp.float32),
            pltpu.VMEM_SHARED((NPAD,), jnp.float32),
            pltpu.SemaphoreType.DMA,
            pltpu.SemaphoreType.DMA,
        ],
    )
    def k(eib_ref, eif_ref, sb_ref, sf_ref, degb_ref, degf_ref,
          outb_ref, outf_ref,
          esrc, edst, esrc2, edst2, vals, na, nb, nc,
          table_sp, acc_sp, sem, semd):
        c = lax.axis_index("c")
        s = lax.axis_index("s")

        @pl.when(c == 0)
        def _():
            _main_graph(s, eib_ref, sb_ref, degb_ref, outb_ref, esrc, edst,
                        esrc2, edst2, vals, na, nb, nc, table_sp, acc_sp,
                        sem, semd)

        @pl.when(c == 1)
        def _():
            _main_graph(s, eif_ref, sf_ref, degf_ref, outf_ref, esrc, edst,
                        esrc2, edst2, vals, na, nb, nc, table_sp, acc_sp,
                        sem, semd)

    return k(eib, eif, sbv, sfv, degb, degf)


def _final_body(a_ref, b_ref, c_ref, o_ref):
    o_ref[...] = a_ref[...] + b_ref[...] + c_ref[...]


def _final(sall, cb, cf):
    nblk = NPAD // DBLK
    return pl.pallas_call(
        _final_body,
        grid=(nblk,),
        in_specs=[pl.BlockSpec((DBLK,), lambda i: (i,))] * 3,
        out_specs=pl.BlockSpec((DBLK,), lambda i: (i,)),
        out_shape=jax.ShapeDtypeStruct((N,), jnp.float32),
    )(sall, cb, cf)


@jax.jit
def kernel(x, ei_body, ei_face, W1, b1, gamma, beta, prelu_a, W2, b2,
           Wgb, bgb, Wgf, bgf, w0, b0, wb, bbias, wf, fbias):
    xt = jnp.swapaxes(x, 0, 1)
    degb, degf = _sc_deg(ei_body, ei_face)
    mom = _stats(xt)
    sall, sbv, sfv = _dense(xt, mom, W1, b1, gamma, beta, prelu_a, W2, b2,
                            Wgb, bgb, Wgf, bgf, w0, b0, wb, bbias, wf, fbias)
    cb, cf = _sc_main(ei_body, ei_face, sbv, sfv, degb, degf)
    return _final(sall, cb, cf)

# --- scband reference (transcript-rebuilt; emitter-appended) ---
"""Pipeline reference for scband-sef-39376260169848 (READ-ONLY COPY).

The authoritative reference and input builder live on the scoring server;
editing this copy changes nothing except your own understanding.
"""

import jax, jax.numpy as jnp
import numpy as np


def _gcn(x, edge_index, W, b):
    # Standard GCNConv with self-loops and symmetric normalization.
    src = edge_index[0]
    dst = edge_index[1]
    N = x.shape[0]
    xW = x @ W + b
    deg = jnp.zeros((N,), dtype=x.dtype).at[dst].add(1.0) + 1.0  # +1 for self-loop
    dinv = 1.0 / jnp.sqrt(deg)
    norm = dinv[src] * dinv[dst]
    agg = jnp.zeros_like(xW).at[dst].add(xW[src] * norm[:, None])
    return agg + xW * (1.0 / deg)[:, None]


def _forward(x, W1, b1, gamma, beta, prelu_a, W2, b2, Wgb, bgb, Wgf, bgf, w0, b0, wb, bbias, wf, fbias, ei_body, ei_face):
    # encoder (aka input_mlp): Linear(2,32) -> BatchNorm1d(32) -> PReLU -> Dropout(p=0, identity) -> Linear(32,32)
    h = x @ W1 + b1
    mu = jnp.mean(h, axis=0)
    var = jnp.var(h, axis=0)
    h = (h - mu) / jnp.sqrt(var + 1e-5) * gamma + beta
    h = jnp.where(h >= 0, h, prelu_a * h)
    emb = h @ W2 + b2
    hb = _gcn(emb, ei_body, Wgb, bgb)
    hf = _gcn(emb, ei_face, Wgf, bgf)
    linear_scores = (emb @ w0 + b0)[:, 0]
    body_scores = (hb @ wb + bbias)[:, 0]
    face_scores = (hf @ wf + fbias)[:, 0]
    return linear_scores + body_scores + face_scores


def setup_inputs(seed: int = 0):
    key = jax.random.key(seed)
    ks = jax.random.split(key, 16)
    N = 100000
    E = 1600000
    x = jax.random.normal(ks[0], (N, 2), dtype=jnp.float32)
    ei_body = jax.random.randint(ks[1], (2, E), 0, N, dtype=jnp.int32)
    ei_face = jax.random.randint(ks[2], (2, E), 0, N, dtype=jnp.int32)

    def lin(k, fi, fo):
        return jax.random.normal(k, (fi, fo), dtype=jnp.float32) * (1.0 / np.sqrt(fi))

    return {
        'x': x,
        'ei_body': ei_body,
        'ei_face': ei_face,
        'W1': lin(ks[3], 2, 32), 'b1': jnp.zeros((32,), jnp.float32),
        'gamma': jnp.ones((32,), jnp.float32), 'beta': jnp.zeros((32,), jnp.float32),
        'prelu_a': jnp.asarray(0.25, dtype=jnp.float32),
        'W2': lin(ks[4], 32, 32), 'b2': jnp.zeros((32,), jnp.float32),
        'Wgb': lin(ks[5], 32, 32), 'bgb': jnp.zeros((32,), jnp.float32),
        'Wgf': lin(ks[6], 32, 32), 'bgf': jnp.zeros((32,), jnp.float32),
        'w0': lin(ks[7], 32, 1), 'b0': jnp.zeros((1,), jnp.float32),
        'wb': lin(ks[8], 32, 1), 'bbias': jnp.zeros((1,), jnp.float32),
        'wf': lin(ks[9], 32, 1), 'fbias': jnp.zeros((1,), jnp.float32),
    }


def reference(x, ei_body, ei_face, W1, b1, gamma, beta, prelu_a, W2, b2, Wgb, bgb, Wgf, bgf, w0, b0, wb, bbias, wf, fbias):
    return _forward(x, W1, b1, gamma, beta, prelu_a, W2, b2, Wgb, bgb, Wgf, bgf, w0, b0, wb, bbias, wf, fbias, ei_body, ei_face)

if __name__ == "__main__":
    import jax
    _d = setup_inputs()
    print(jax.jit(kernel)(*tuple(_d.values())))

</pallas_src>

<mosaic_0001>
#map = affine_map<(d0, d1) -> (0, 0)>
#map1 = affine_map<(d0, d1) -> (0)>
module attributes {stable_mosaic.version = 14 : i64} {
  func.func @k(%arg0: i32, %arg1: i32, %arg2: memref<2x1600000xi32, #tpu.memory_space<hbm>>, %arg3: memref<2x1600000xi32, #tpu.memory_space<hbm>>, %arg4: memref<100352xf32, #tpu.memory_space<hbm>>, %arg5: memref<100352xf32, #tpu.memory_space<hbm>>, %arg6: memref<100352xf32, #tpu.memory_space<hbm>>, %arg7: memref<100352xf32, #tpu.memory_space<hbm>>, %arg8: memref<100352xf32, #tpu.memory_space<hbm>>, %arg9: memref<100352xf32, #tpu.memory_space<hbm>>, %arg10: memref<1024xi32, #tpu.memory_space<vmem>>, %arg11: memref<1024xi32, #tpu.memory_space<vmem>>, %arg12: memref<1024xi32, #tpu.memory_space<vmem>>, %arg13: memref<1024xi32, #tpu.memory_space<vmem>>, %arg14: memref<1024xf32, #tpu.memory_space<vmem>>, %arg15: memref<6272xf32, #tpu.memory_space<vmem>>, %arg16: memref<6272xf32, #tpu.memory_space<vmem>>, %arg17: memref<6272xf32, #tpu.memory_space<vmem>>, %arg18: memref<100352xf32, #tpu.memory_space<vmem_shared>>, %arg19: memref<100352xf32, #tpu.memory_space<vmem_shared>>, %arg20: memref<!tpu.dma_semaphore, #tpu.memory_space<semaphore_mem>>, %arg21: memref<!tpu.dma_semaphore, #tpu.memory_space<semaphore_mem>>) attributes {dimension_semantics = [#tpu.dimension_semantics<core_parallel>, #tpu.dimension_semantics<subcore_parallel>], iteration_bounds = array<i64: 2, 16>, scalar_prefetch = 0 : i64, scratch_operands = 12 : i64, tpu.core_type = #tpu.core_type<sc_vector_subcore>, window_params = [{transform_indices = #map}, {transform_indices = #map}, {transform_indices = #map1}, {transform_indices = #map1}, {transform_indices = #map1}, {transform_indices = #map1}, {transform_indices = #map1}, {transform_indices = #map1}]} {
    %eq3A = arith.constant 0 : i32
    %eq3A_0 = arith.cmpi eq, %arg0, %eq3A : i32
    %convert_element_type3A = arith.extui %eq3A_0 : i1 to i32
    %cond3A = arith.constant 0 : i32
    %cond3A_1 = arith.cmpi ne, %convert_element_type3A, %cond3A : i32
    scf.if %cond3A_1 {
      %mul3A = arith.constant 6272 : i32
      %mul3A_7 = arith.muli %arg1, %mul3A : i32
      %lt3A = arith.constant 15 : i32
      %lt3A_8 = arith.cmpi slt, %arg1, %lt3A : i32
      %jit3A = arith.constant 98 : i32
      %jit3A_9 = arith.constant 92 : i32
      %select_n3A = arith.select %lt3A_8, %jit3A, %jit3A_9 : i32
      %mul3A_10 = arith.constant 784 : i32
      %mul3A_11 = arith.muli %arg1, %mul3A_10 : i32
      %mul3A_12 = arith.constant 128 : i32
      %mul3A_13 = arith.muli %mul3A_11, %mul3A_12 : i32
      %scan3A = arith.constant 0 : i32
      %scan3A_14 = arith.constant 392 : i32
      %scan3A_15 = arith.addi %scan3A, %scan3A_14 : i32
      %scan3A_16 = arith.constant 1 : i32
      scf.for %scan3A_58 = %scan3A to %scan3A_15 step %scan3A_16  : i32 {
        %mul3A_59 = arith.constant 1 : i32
        %mul3A_60 = arith.muli %scan3A_58, %mul3A_59 : i32
        %add3A_61 = arith.constant 0 : i32
        %add3A_62 = arith.addi %add3A_61, %mul3A_60 : i32
        %broadcast_in_dim3A = arith.constant 0.000000e+00 : f32
        %broadcast_in_dim3A_63 = vector.broadcast %broadcast_in_dim3A : f32 to vector<16xf32>
        %mul3A_64 = arith.constant 16 : i32
        %mul3A_65 = arith.muli %add3A_62, %mul3A_64 : i32
        %swap3A = arith.index_cast %mul3A_65 : i32 to index
        %swap3A_66 = tpu.vector_load %arg17[%swap3A] {strides = array<i32>} : memref<6272xf32, #tpu.memory_space<vmem>>, vector<16xf32>,
        %swap3A_67 = vector.shape_cast %swap3A_66 : vector<16xf32> to vector<16xf32>
        %swap3A_68 = vector.shape_cast %broadcast_in_dim3A_63 : vector<16xf32> to vector<16xf32>
        tpu.vector_store %arg17[%swap3A], %swap3A_68 {strides = array<i32>} : memref<6272xf32, #tpu.memory_space<vmem>>, vector<16xf32>,
      }
      %scan3A_17 = arith.constant 392 : i32
      "tpu.region"() ({
        %run_scoped3A = tpu.sem_alloc : memref<!tpu.dma_semaphore, #tpu.memory_space<semaphore_mem>>
        %dma_start3A_58 = tpu.memref_slice %arg19[%mul3A_7] : memref<100352xf32, #tpu.memory_space<vmem_shared>> -> memref<6272xf32, #tpu.memory_space<vmem_shared>>
        %dma_start3A_59 = tpu.memref_slice %arg19[%mul3A_7] : memref<100352xf32, #tpu.memory_space<vmem_shared>> -> memref<6272xf32, #tpu.memory_space<vmem_shared>>
        tpu.enqueue_dma source(%arg17 : memref<6272xf32, #tpu.memory_space<vmem>>) target(%dma_start3A_59 : memref<6272xf32, #tpu.memory_space<vmem_shared>>) target_semaphore(%run_scoped3A : memref<!tpu.dma_semaphore, #tpu.memory_space<semaphore_mem>>)
        %dma_wait3A = tpu.memref_slice %arg19[%mul3A_7] : memref<100352xf32, #tpu.memory_space<vmem_shared>> -> memref<6272xf32, #tpu.memory_space<vmem_shared>>
        %dma_wait3A_60 = tpu.memref_slice %arg19[%mul3A_7] : memref<100352xf32, #tpu.memory_space<vmem_shared>> -> memref<6272xf32, #tpu.memory_space<vmem_shared>>
        tpu.wait_dma2 semaphore(%run_scoped3A : memref<!tpu.dma_semaphore, #tpu.memory_space<semaphore_mem>>) src(%arg17 : memref<6272xf32, #tpu.memory_space<vmem>>) dst(%dma_wait3A_60 : memref<6272xf32, #tpu.memory_space<vmem_shared>>)
        tpu.yield
      }) : () -> ()
      "tpu.region"() ({
        %run_scoped3A = tpu.sem_alloc : memref<!tpu.dma_semaphore, #tpu.memory_space<semaphore_mem>>
        %dma_start3A_58 = tpu.memref_slice %arg6[%mul3A_7] : memref<100352xf32, #tpu.memory_space<hbm>> -> memref<6272xf32, #tpu.memory_space<hbm>>
        %dma_start3A_59 = tpu.memref_slice %arg6[%mul3A_7] : memref<100352xf32, #tpu.memory_space<hbm>> -> memref<6272xf32, #tpu.memory_space<hbm>>
        tpu.enqueue_dma source(%dma_start3A_59 : memref<6272xf32, #tpu.memory_space<hbm>>) target(%arg15 : memref<6272xf32, #tpu.memory_space<vmem>>) target_semaphore(%run_scoped3A : memref<!tpu.dma_semaphore, #tpu.memory_space<semaphore_mem>>)
        %dma_wait3A = tpu.memref_slice %arg6[%mul3A_7] : memref<100352xf32, #tpu.memory_space<hbm>> -> memref<6272xf32, #tpu.memory_space<hbm>>
        %dma_wait3A_60 = tpu.memref_slice %arg6[%mul3A_7] : memref<100352xf32, #tpu.memory_space<hbm>> -> memref<6272xf32, #tpu.memory_space<hbm>>
        tpu.wait_dma2 semaphore(%run_scoped3A : memref<!tpu.dma_semaphore, #tpu.memory_space<semaphore_mem>>) src(%dma_wait3A_60 : memref<6272xf32, #tpu.memory_space<hbm>>) dst(%arg15 : memref<6272xf32, #tpu.memory_space<vmem>>)
        tpu.yield
      }) : () -> ()
      "tpu.region"() ({
        %run_scoped3A = tpu.sem_alloc : memref<!tpu.dma_semaphore, #tpu.memory_space<semaphore_mem>>
        %dma_start3A_58 = tpu.memref_slice %arg4[%mul3A_7] : memref<100352xf32, #tpu.memory_space<hbm>> -> memref<6272xf32, #tpu.memory_space<hbm>>
        %dma_start3A_59 = tpu.memref_slice %arg4[%mul3A_7] : memref<100352xf32, #tpu.memory_space<hbm>> -> memref<6272xf32, #tpu.memory_space<hbm>>
        tpu.enqueue_dma source(%dma_start3A_59 : memref<6272xf32, #tpu.memory_space<hbm>>) target(%arg16 : memref<6272xf32, #tpu.memory_space<vmem>>) target_semaphore(%run_scoped3A : memref<!tpu.dma_semaphore, #tpu.memory_space<semaphore_mem>>)
        %dma_wait3A = tpu.memref_slice %arg4[%mul3A_7] : memref<100352xf32, #tpu.memory_space<hbm>> -> memref<6272xf32, #tpu.memory_space<hbm>>
        %dma_wait3A_60 = tpu.memref_slice %arg4[%mul3A_7] : memref<100352xf32, #tpu.memory_space<hbm>> -> memref<6272xf32, #tpu.memory_space<hbm>>
        tpu.wait_dma2 semaphore(%run_scoped3A : memref<!tpu.dma_semaphore, #tpu.memory_space<semaphore_mem>>) src(%dma_wait3A_60 : memref<6272xf32, #tpu.memory_space<hbm>>) dst(%arg16 : memref<6272xf32, #tpu.memory_space<vmem>>)
        tpu.yield
      }) : () -> ()
      %scan3A_18 = arith.constant 0 : i32
      %scan3A_19 = arith.constant 392 : i32
      %scan3A_20 = arith.addi %scan3A_18, %scan3A_19 : i32
      %scan3A_21 = arith.constant 1 : i32
      scf.for %scan3A_58 = %scan3A_18 to %scan3A_20 step %scan3A_21  : i32 {
        %mul3A_59 = arith.constant 1 : i32
        %mul3A_60 = arith.muli %scan3A_58, %mul3A_59 : i32
        %add3A_61 = arith.constant 0 : i32
        %add3A_62 = arith.addi %add3A_61, %mul3A_60 : i32
        %mul3A_63 = arith.constant 16 : i32
        %mul3A_64 = arith.muli %add3A_62, %mul3A_63 : i32
        %get3A = arith.index_cast %mul3A_64 : i32 to index
        %get3A_65 = tpu.vector_load %arg15[%get3A] {strides = array<i32>} : memref<6272xf32, #tpu.memory_space<vmem>>, vector<16xf32>,
        %get3A_66 = vector.shape_cast %get3A_65 : vector<16xf32> to vector<16xf32>
        %add3A_67 = arith.constant 1.000000e+00 : f32
        %add3A_68 = vector.broadcast %add3A_67 : f32 to vector<16xf32>
        %add3A_69 = arith.addf %get3A_66, %add3A_68 : vector<16xf32>
        %bitcast_convert_type3A = tpu.bitcast %add3A_69 : vector<16xf32> -> vector<16xi32>
        %shift_right_arithmetic3A = arith.constant 1 : i32
        %shift_right_arithmetic3A_70 = vector.broadcast %shift_right_arithmetic3A : i32 to vector<16xi32>
        %shift_right_arithmetic3A_71 = arith.shrsi %bitcast_convert_type3A, %shift_right_arithmetic3A_70 : vector<16xi32>
        %sub3A_72 = arith.constant 1597463007 : i32
        %sub3A_73 = vector.broadcast %sub3A_72 : i32 to vector<16xi32>
        %sub3A_74 = arith.subi %sub3A_73, %shift_right_arithmetic3A_71 : vector<16xi32>
        %bitcast_convert_type3A_75 = tpu.bitcast %sub3A_74 : vector<16xi32> -> vector<16xf32>
        %mul3A_76 = arith.constant 5.000000e-01 : f32
        %mul3A_77 = vector.broadcast %mul3A_76 : f32 to vector<16xf32>
        %mul3A_78 = arith.mulf %mul3A_77, %add3A_69 : vector<16xf32>
        %mul3A_79 = arith.mulf %mul3A_78, %bitcast_convert_type3A_75 : vector<16xf32>
        %mul3A_80 = arith.mulf %mul3A_79, %bitcast_convert_type3A_75 : vector<16xf32>
        %sub3A_81 = arith.constant 1.500000e+00 : f32
        %sub3A_82 = vector.broadcast %sub3A_81 : f32 to vector<16xf32>
        %sub3A_83 = arith.subf %sub3A_82, %mul3A_80 : vector<16xf32>
        %mul3A_84 = arith.mulf %bitcast_convert_type3A_75, %sub3A_83 : vector<16xf32>
        %mul3A_85 = arith.constant 5.000000e-01 : f32
        %mul3A_86 = vector.broadcast %mul3A_85 : f32 to vector<16xf32>
        %mul3A_87 = arith.mulf %mul3A_86, %add3A_69 : vector<16xf32>
        %mul3A_88 = arith.mulf %mul3A_87, %mul3A_84 : vector<16xf32>
        %mul3A_89 = arith.mulf %mul3A_88, %mul3A_84 : vector<16xf32>
        %sub3A_90 = arith.constant 1.500000e+00 : f32
        %sub3A_91 = vector.broadcast %sub3A_90 : f32 to vector<16xf32>
        %sub3A_92 = arith.subf %sub3A_91, %mul3A_89 : vector<16xf32>
        %mul3A_93 = arith.mulf %mul3A_84, %sub3A_92 : vector<16xf32>
        %mul3A_94 = arith.constant 5.000000e-01 : f32
        %mul3A_95 = vector.broadcast %mul3A_94 : f32 to vector<16xf32>
        %mul3A_96 = arith.mulf %mul3A_95, %add3A_69 : vector<16xf32>
        %mul3A_97 = arith.mulf %mul3A_96, %mul3A_93 : vector<16xf32>
        %mul3A_98 = arith.mulf %mul3A_97, %mul3A_93 : vector<16xf32>
        %sub3A_99 = arith.constant 1.500000e+00 : f32
        %sub3A_100 = vector.broadcast %sub3A_99 : f32 to vector<16xf32>
        %sub3A_101 = arith.subf %sub3A_100, %mul3A_98 : vector<16xf32>
        %mul3A_102 = arith.mulf %mul3A_93, %sub3A_101 : vector<16xf32>
        %get3A_103 = arith.index_cast %mul3A_64 : i32 to index
        %get3A_104 = tpu.vector_load %arg16[%get3A_103] {strides = array<i32>} : memref<6272xf32, #tpu.memory_space<vmem>>, vector<16xf32>,
        %get3A_105 = vector.shape_cast %get3A_104 : vector<16xf32> to vector<16xf32>
        %swap3A = arith.index_cast %mul3A_64 : i32 to index
        %swap3A_106 = tpu.vector_load %arg15[%swap3A] {strides = array<i32>} : memref<6272xf32, #tpu.memory_space<vmem>>, vector<16xf32>,
        %swap3A_107 = vector.shape_cast %swap3A_106 : vector<16xf32> to vector<16xf32>
        %swap3A_108 = vector.shape_cast %mul3A_102 : vector<16xf32> to vector<16xf32>
        tpu.vector_store %arg15[%swap3A], %swap3A_108 {strides = array<i32>} : memref<6272xf32, #tpu.memory_space<vmem>>, vector<16xf32>,
        %mul3A_109 = arith.mulf %get3A_105, %mul3A_102 : vector<16xf32>
        %swap3A_110 = arith.index_cast %mul3A_64 : i32 to index
        %swap3A_111 = tpu.vector_load %arg16[%swap3A_110] {strides = array<i32>} : memref<6272xf32, #tpu.memory_space<vmem>>, vector<16xf32>,
        %swap3A_112 = vector.shape_cast %swap3A_111 : vector<16xf32> to vector<16xf32>
        %swap3A_113 = vector.shape_cast %mul3A_109 : vector<16xf32> to vector<16xf32>
        tpu.vector_store %arg16[%swap3A_110], %swap3A_113 {strides = array<i32>} : memref<6272xf32, #tpu.memory_space<vmem>>, vector<16xf32>,
        %mul3A_114 = arith.mulf %get3A_105, %mul3A_102 : vector<16xf32>
        %mul3A_115 = arith.mulf %mul3A_114, %mul3A_102 : vector<16xf32>
        %swap3A_116 = arith.index_cast %mul3A_64 : i32 to index
        %swap3A_117 = tpu.vector_load %arg17[%swap3A_116] {strides = array<i32>} : memref<6272xf32, #tpu.memory_space<vmem>>, vector<16xf32>,
        %swap3A_118 = vector.shape_cast %swap3A_117 : vector<16xf32> to vector<16xf32>
        %swap3A_119 = vector.shape_cast %mul3A_115 : vector<16xf32> to vector<16xf32>
        tpu.vector_store %arg17[%swap3A_116], %swap3A_119 {strides = array<i32>} : memref<6272xf32, #tpu.memory_space<vmem>>, vector<16xf32>,
      }
      %scan3A_22 = arith.constant 392 : i32
      "tpu.region"() ({
        %run_scoped3A = tpu.sem_alloc : memref<!tpu.dma_semaphore, #tpu.memory_space<semaphore_mem>>
        %dma_start3A_58 = tpu.memref_slice %arg18[%mul3A_7] : memref<100352xf32, #tpu.memory_space<vmem_shared>> -> memref<6272xf32, #tpu.memory_space<vmem_shared>>
        %dma_start3A_59 = tpu.memref_slice %arg18[%mul3A_7] : memref<100352xf32, #tpu.memory_space<vmem_shared>> -> memref<6272xf32, #tpu.memory_space<vmem_shared>>
        tpu.enqueue_dma source(%arg16 : memref<6272xf32, #tpu.memory_space<vmem>>) target(%dma_start3A_59 : memref<6272xf32, #tpu.memory_space<vmem_shared>>) target_semaphore(%run_scoped3A : memref<!tpu.dma_semaphore, #tpu.memory_space<semaphore_mem>>)
        %dma_wait3A = tpu.memref_slice %arg18[%mul3A_7] : memref<100352xf32, #tpu.memory_space<vmem_shared>> -> memref<6272xf32, #tpu.memory_space<vmem_shared>>
        %dma_wait3A_60 = tpu.memref_slice %arg18[%mul3A_7] : memref<100352xf32, #tpu.memory_space<vmem_shared>> -> memref<6272xf32, #tpu.memory_space<vmem_shared>>
        tpu.wait_dma2 semaphore(%run_scoped3A : memref<!tpu.dma_semaphore, #tpu.memory_space<semaphore_mem>>) src(%arg16 : memref<6272xf32, #tpu.memory_space<vmem>>) dst(%dma_wait3A_60 : memref<6272xf32, #tpu.memory_space<vmem_shared>>)
        tpu.yield
      }) : () -> ()
      %barrier3A = arith.constant 0 : index
      tpu.barrier barrier_id(%barrier3A)
      %dma_start3A = arith.constant 0 : i32
      %dma_start3A_23 = tpu.memref_slice %arg2[%dma_start3A, %mul3A_13] : memref<2x1600000xi32, #tpu.memory_space<hbm>> -> memref<1x1024xi32, #tpu.memory_space<hbm>>
      %dma_start3A_24 = tpu.memref_squeeze %dma_start3A_23 : memref<1x1024xi32, #tpu.memory_space<hbm>> -> memref<1024xi32, #tpu.memory_space<hbm>>
      %dma_start3A_25 = tpu.memref_slice %arg2[%dma_start3A, %mul3A_13] : memref<2x1600000xi32, #tpu.memory_space<hbm>> -> memref<1x1024xi32, #tpu.memory_space<hbm>>
      %dma_start3A_26 = tpu.memref_squeeze %dma_start3A_25 : memref<1x1024xi32, #tpu.memory_space<hbm>> -> memref<1024xi32, #tpu.memory_space<hbm>>
      tpu.enqueue_dma source(%dma_start3A_26 : memref<1024xi32, #tpu.memory_space<hbm>>) target(%arg10 : memref<1024xi32, #tpu.memory_space<vmem>>) target_semaphore(%arg21 : memref<!tpu.dma_semaphore, #tpu.memory_space<semaphore_mem>>)
      %dma_start3A_27 = arith.constant 1 : i32
      %dma_start3A_28 = tpu.memref_slice %arg2[%dma_start3A_27, %mul3A_13] : memref<2x1600000xi32, #tpu.memory_space<hbm>> -> memref<1x1024xi32, #tpu.memory_space<hbm>>
      %dma_start3A_29 = tpu.memref_squeeze %dma_start3A_28 : memref<1x1024xi32, #tpu.memory_space<hbm>> -> memref<1024xi32, #tpu.memory_space<hbm>>
      %dma_start3A_30 = tpu.memref_slice %arg2[%dma_start3A_27, %mul3A_13] : memref<2x1600000xi32, #tpu.memory_space<hbm>> -> memref<1x1024xi32, #tpu.memory_space<hbm>>
      %dma_start3A_31 = tpu.memref_squeeze %dma_start3A_30 : memref<1x1024xi32, #tpu.memory_space<hbm>> -> memref<1024xi32, #tpu.memory_space<hbm>>
      tpu.enqueue_dma source(%dma_start3A_31 : memref<1024xi32, #tpu.memory_space<hbm>>) target(%arg11 : memref<1024xi32, #tpu.memory_space<vmem>>) target_semaphore(%arg21 : memref<!tpu.dma_semaphore, #tpu.memory_space<semaphore_mem>>)
      %sub3A = arith.constant 0 : i32
      %sub3A_32 = arith.subi %select_n3A, %sub3A : i32
      %sub3A_33 = arith.constant 1 : i32
      %sub3A_34 = arith.constant 1 : i32
      %sub3A_35 = arith.subi %sub3A_33, %sub3A_34 : i32
      %add3A = arith.addi %sub3A_32, %sub3A_35 : i32
      %div3A = arith.constant 1 : i32
      %div3A_36 = arith.divsi %add3A, %div3A : i32
      %while3A = arith.constant 1 : i32
      %while3A_37 = arith.constant 0 : i32
      %while3A_38 = arith.constant 0 : i32
      %while3A_39 = arith.subi %div3A_36, %while3A_38 : i32
      %while3A_40 = arith.addi %while3A_38, %while3A_39 : i32
      %while3A_41 = arith.constant 1 : i32
      %while3A_42 = arith.divsi %while3A_39, %while3A_41 : i32
      %while3A_43 = arith.muli %while3A_42, %while3A_41 : i32
      %while3A_44 = arith.addi %while3A_38, %while3A_43 : i32
      %while3A_45 = arith.constant 1 : i32
      scf.for %while3A_58 = %while3A_38 to %while3A_44 step %while3A_45  : i32 {
        %mul3A_59 = arith.muli %while3A_58, %while3A : i32
        %add3A_60 = arith.addi %while3A_37, %mul3A_59 : i32
        %rem3A = arith.constant 2 : i32
        %rem3A_61 = arith.remsi %add3A_60, %rem3A : i32
        %eq3A_62 = arith.constant 0 : i32
        %eq3A_63 = arith.cmpi eq, %rem3A_61, %eq3A_62 : i32
        %add3A_64 = arith.constant 1 : i32
        %add3A_65 = arith.addi %add3A_60, %add3A_64 : i32
        %mul3A_66 = arith.constant 1024 : i32
        %mul3A_67 = arith.muli %add3A_65, %mul3A_66 : i32
        %add3A_68 = arith.addi %mul3A_13, %mul3A_67 : i32
        %add3A_69 = arith.constant 1 : i32
        %add3A_70 = arith.addi %add3A_60, %add3A_69 : i32
        %lt3A_71 = arith.cmpi slt, %add3A_70, %select_n3A : i32
        %convert_element_type3A_72 = arith.extui %lt3A_71 : i1 to i32
        %cond3A_73 = arith.constant 0 : i32
        %cond3A_74 = arith.cmpi ne, %convert_element_type3A_72, %cond3A_73 : i32
        scf.if %cond3A_74 {
          %convert_element_type3A_91 = arith.extui %eq3A_63 : i1 to i32
          %cond3A_92 = arith.constant 0 : i32
          %cond3A_93 = arith.cmpi ne, %convert_element_type3A_91, %cond3A_92 : i32
          scf.if %cond3A_93 {
            %dma_start3A_99 = arith.constant 0 : i32
            %dma_start3A_100 = tpu.memref_slice %arg2[%dma_start3A_99, %add3A_68] : memref<2x1600000xi32, #tpu.memory_space<hbm>> -> memref<1x1024xi32, #tpu.memory_space<hbm>>
            %dma_start3A_101 = tpu.memref_squeeze %dma_start3A_100 : memref<1x1024xi32, #tpu.memory_space<hbm>> -> memref<1024xi32, #tpu.memory_space<hbm>>
            %dma_start3A_102 = tpu.memref_slice %arg2[%dma_start3A_99, %add3A_68] : memref<2x1600000xi32, #tpu.memory_space<hbm>> -> memref<1x1024xi32, #tpu.memory_space<hbm>>
            %dma_start3A_103 = tpu.memref_squeeze %dma_start3A_102 : memref<1x1024xi32, #tpu.memory_space<hbm>> -> memref<1024xi32, #tpu.memory_space<hbm>>
            tpu.enqueue_dma source(%dma_start3A_103 : memref<1024xi32, #tpu.memory_space<hbm>>) target(%arg12 : memref<1024xi32, #tpu.memory_space<vmem>>) target_semaphore(%arg21 : memref<!tpu.dma_semaphore, #tpu.memory_space<semaphore_mem>>)
            %dma_start3A_104 = arith.constant 1 : i32
            %dma_start3A_105 = tpu.memref_slice %arg2[%dma_start3A_104, %add3A_68] : memref<2x1600000xi32, #tpu.memory_space<hbm>> -> memref<1x1024xi32, #tpu.memory_space<hbm>>
            %dma_start3A_106 = tpu.memref_squeeze %dma_start3A_105 : memref<1x1024xi32, #tpu.memory_space<hbm>> -> memref<1024xi32, #tpu.memory_space<hbm>>
            %dma_start3A_107 = tpu.memref_slice %arg2[%dma_start3A_104, %add3A_68] : memref<2x1600000xi32, #tpu.memory_space<hbm>> -> memref<1x1024xi32, #tpu.memory_space<hbm>>
            %dma_start3A_108 = tpu.memref_squeeze %dma_start3A_107 : memref<1x1024xi32, #tpu.memory_space<hbm>> -> memref<1024xi32, #tpu.memory_space<hbm>>
            tpu.enqueue_dma source(%dma_start3A_108 : memref<1024xi32, #tpu.memory_space<hbm>>) target(%arg13 : memref<1024xi32, #tpu.memory_space<vmem>>) target_semaphore(%arg21 : memref<!tpu.dma_semaphore, #tpu.memory_space<semaphore_mem>>)
          } else {
          }
          %not3A_94 = arith.constant true
          %not3A_95 = arith.xori %eq3A_63, %not3A_94 : i1
          %convert_element_type3A_96 = arith.extui %not3A_95 : i1 to i32
          %cond3A_97 = arith.constant 0 : i32
          %cond3A_98 = arith.cmpi ne, %convert_element_type3A_96, %cond3A_97 : i32
          scf.if %cond3A_98 {
            %dma_start3A_99 = arith.constant 0 : i32
            %dma_start3A_100 = tpu.memref_slice %arg2[%dma_start3A_99, %add3A_68] : memref<2x1600000xi32, #tpu.memory_space<hbm>> -> memref<1x1024xi32, #tpu.memory_space<hbm>>
            %dma_start3A_101 = tpu.memref_squeeze %dma_start3A_100 : memref<1x1024xi32, #tpu.memory_space<hbm>> -> memref<1024xi32, #tpu.memory_space<hbm>>
            %dma_start3A_102 = tpu.memref_slice %arg2[%dma_start3A_99, %add3A_68] : memref<2x1600000xi32, #tpu.memory_space<hbm>> -> memref<1x1024xi32, #tpu.memory_space<hbm>>
            %dma_start3A_103 = tpu.memref_squeeze %dma_start3A_102 : memref<1x1024xi32, #tpu.memory_space<hbm>> -> memref<1024xi32, #tpu.memory_space<hbm>>
            tpu.enqueue_dma source(%dma_start3A_103 : memref<1024xi32, #tpu.memory_space<hbm>>) target(%arg10 : memref<1024xi32, #tpu.memory_space<vmem>>) target_semaphore(%arg21 : memref<!tpu.dma_semaphore, #tpu.memory_space<semaphore_mem>>)
            %dma_start3A_104 = arith.constant 1 : i32
            %dma_start3A_105 = tpu.memref_slice %arg2[%dma_start3A_104, %add3A_68] : memref<2x1600000xi32, #tpu.memory_space<hbm>> -> memref<1x1024xi32, #tpu.memory_space<hbm>>
            %dma_start3A_106 = tpu.memref_squeeze %dma_start3A_105 : memref<1x1024xi32, #tpu.memory_space<hbm>> -> memref<1024xi32, #tpu.memory_space<hbm>>
            %dma_start3A_107 = tpu.memref_slice %arg2[%dma_start3A_104, %add3A_68] : memref<2x1600000xi32, #tpu.memory_space<hbm>> -> memref<1x1024xi32, #tpu.memory_space<hbm>>
            %dma_start3A_108 = tpu.memref_squeeze %dma_start3A_107 : memref<1x1024xi32, #tpu.memory_space<hbm>> -> memref<1024xi32, #tpu.memory_space<hbm>>
            tpu.enqueue_dma source(%dma_start3A_108 : memref<1024xi32, #tpu.memory_space<hbm>>) target(%arg11 : memref<1024xi32, #tpu.memory_space<vmem>>) target_semaphore(%arg21 : memref<!tpu.dma_semaphore, #tpu.memory_space<semaphore_mem>>)
          } else {
          }
        } else {
        }
        %dma_wait3A = arith.constant 0 : i32
        %dma_wait3A_75 = tpu.memref_slice %arg2[%dma_wait3A, %mul3A_13] : memref<2x1600000xi32, #tpu.memory_space<hbm>> -> memref<1x1024xi32, #tpu.memory_space<hbm>>
        %dma_wait3A_76 = tpu.memref_squeeze %dma_wait3A_75 : memref<1x1024xi32, #tpu.memory_space<hbm>> -> memref<1024xi32, #tpu.memory_space<hbm>>
        %dma_wait3A_77 = tpu.memref_slice %arg2[%dma_wait3A, %mul3A_13] : memref<2x1600000xi32, #tpu.memory_space<hbm>> -> memref<1x1024xi32, #tpu.memory_space<hbm>>
        %dma_wait3A_78 = tpu.memref_squeeze %dma_wait3A_77 : memref<1x1024xi32, #tpu.memory_space<hbm>> -> memref<1024xi32, #tpu.memory_space<hbm>>
        tpu.wait_dma2 semaphore(%arg21 : memref<!tpu.dma_semaphore, #tpu.memory_space<semaphore_mem>>) src(%dma_wait3A_78 : memref<1024xi32, #tpu.memory_space<hbm>>) dst(%arg10 : memref<1024xi32, #tpu.memory_space<vmem>>)
        %dma_wait3A_79 = arith.constant 1 : i32
        %dma_wait3A_80 = tpu.memref_slice %arg2[%dma_wait3A_79, %mul3A_13] : memref<2x1600000xi32, #tpu.memory_space<hbm>> -> memref<1x1024xi32, #tpu.memory_space<hbm>>
        %dma_wait3A_81 = tpu.memref_squeeze %dma_wait3A_80 : memref<1x1024xi32, #tpu.memory_space<hbm>> -> memref<1024xi32, #tpu.memory_space<hbm>>
        %dma_wait3A_82 = tpu.memref_slice %arg2[%dma_wait3A_79, %mul3A_13] : memref<2x1600000xi32, #tpu.memory_space<hbm>> -> memref<1x1024xi32, #tpu.memory_space<hbm>>
        %dma_wait3A_83 = tpu.memref_squeeze %dma_wait3A_82 : memref<1x1024xi32, #tpu.memory_space<hbm>> -> memref<1024xi32, #tpu.memory_space<hbm>>
        tpu.wait_dma2 semaphore(%arg21 : memref<!tpu.dma_semaphore, #tpu.memory_space<semaphore_mem>>) src(%dma_wait3A_83 : memref<1024xi32, #tpu.memory_space<hbm>>) dst(%arg11 : memref<1024xi32, #tpu.memory_space<vmem>>)
        %convert_element_type3A_84 = arith.extui %eq3A_63 : i1 to i32
        %cond3A_85 = arith.constant 0 : i32
        %cond3A_86 = arith.cmpi ne, %convert_element_type3A_84, %cond3A_85 : i32
        scf.if %cond3A_86 {
          %dma_start3A_91 = arith.constant 0 : i32
          %dma_start3A_92 = tpu.memref_slice %arg18[%dma_start3A_91] : memref<100352xf32, #tpu.memory_space<vmem_shared>> -> memref<100352xf32, #tpu.memory_space<vmem_shared>>
          tpu.enqueue_indirect_dma source(%dma_start3A_92 : memref<100352xf32, #tpu.memory_space<vmem_shared>>) target(%arg14 : memref<1024xf32, #tpu.memory_space<vmem>>) offsets(%arg10 : memref<1024xi32, #tpu.memory_space<vmem>>) semaphore(%arg20 : memref<!tpu.dma_semaphore, #tpu.memory_space<semaphore_mem>>)
          %dma_wait3A_93 = arith.constant 0 : i32
          %dma_wait3A_94 = tpu.memref_slice %arg18[%dma_wait3A_93] : memref<100352xf32, #tpu.memory_space<vmem_shared>> -> memref<100352xf32, #tpu.memory_space<vmem_shared>>
          tpu.wait_indirect_dma semaphore(%arg20 : memref<!tpu.dma_semaphore, #tpu.memory_space<semaphore_mem>>) src(%dma_wait3A_94 : memref<100352xf32, #tpu.memory_space<vmem_shared>>) dst(%arg14 : memref<1024xf32, #tpu.memory_space<vmem>>)
          %dma_start3A_95 = arith.constant 0 : i32
          %dma_start3A_96 = tpu.memref_slice %arg19[%dma_start3A_95] : memref<100352xf32, #tpu.memory_space<vmem_shared>> -> memref<100352xf32, #tpu.memory_space<vmem_shared>>
          tpu.enqueue_indirect_dma source(%arg14 : memref<1024xf32, #tpu.memory_space<vmem>>) target(%dma_start3A_96 : memref<100352xf32, #tpu.memory_space<vmem_shared>>) offsets(%arg11 : memref<1024xi32, #tpu.memory_space<vmem>>) semaphore(%arg20 : memref<!tpu.dma_semaphore, #tpu.memory_space<semaphore_mem>>) {add = true}
          %dma_wait3A_97 = arith.constant 0 : i32
          %dma_wait3A_98 = tpu.memref_slice %arg19[%dma_wait3A_97] : memref<100352xf32, #tpu.memory_space<vmem_shared>> -> memref<100352xf32, #tpu.memory_space<vmem_shared>>
          tpu.wait_indirect_dma semaphore(%arg20 : memref<!tpu.dma_semaphore, #tpu.memory_space<semaphore_mem>>) src(%arg14 : memref<1024xf32, #tpu.memory_space<vmem>>) dst(%dma_wait3A_98 : memref<100352xf32, #tpu.memory_space<vmem_shared>>)
        } else {
        }
        %not3A = arith.constant true
        %not3A_87 = arith.xori %eq3A_63, %not3A : i1
        %convert_element_type3A_88 = arith.extui %not3A_87 : i1 to i32
        %cond3A_89 = arith.constant 0 : i32
        %cond3A_90 = arith.cmpi ne, %convert_element_type3A_88, %cond3A_89 : i32
        scf.if %cond3A_90 {
          %dma_start3A_91 = arith.constant 0 : i32
          %dma_start3A_92 = tpu.memref_slice %arg18[%dma_start3A_91] : memref<100352xf32, #tpu.memory_space<vmem_shared>> -> memref<100352xf32, #tpu.memory_space<vmem_shared>>
          tpu.enqueue_indirect_dma source(%dma_start3A_92 : memref<100352xf32, #tpu.memory_space<vmem_shared>>) target(%arg14 : memref<1024xf32, #tpu.memory_space<vmem>>) offsets(%arg12 : memref<1024xi32, #tpu.memory_space<vmem>>) semaphore(%arg20 : memref<!tpu.dma_semaphore, #tpu.memory_space<semaphore_mem>>)
          %dma_wait3A_93 = arith.constant 0 : i32
          %dma_wait3A_94 = tpu.memref_slice %arg18[%dma_wait3A_93] : memref<100352xf32, #tpu.memory_space<vmem_shared>> -> memref<100352xf32, #tpu.memory_space<vmem_shared>>
          tpu.wait_indirect_dma semaphore(%arg20 : memref<!tpu.dma_semaphore, #tpu.memory_space<semaphore_mem>>) src(%dma_wait3A_94 : memref<100352xf32, #tpu.memory_space<vmem_shared>>) dst(%arg14 : memref<1024xf32, #tpu.memory_space<vmem>>)
          %dma_start3A_95 = arith.constant 0 : i32
          %dma_start3A_96 = tpu.memref_slice %arg19[%dma_start3A_95] : memref<100352xf32, #tpu.memory_space<vmem_shared>> -> memref<100352xf32, #tpu.memory_space<vmem_shared>>
          tpu.enqueue_indirect_dma source(%arg14 : memref<1024xf32, #tpu.memory_space<vmem>>) target(%dma_start3A_96 : memref<100352xf32, #tpu.memory_space<vmem_shared>>) offsets(%arg13 : memref<1024xi32, #tpu.memory_space<vmem>>) semaphore(%arg20 : memref<!tpu.dma_semaphore, #tpu.memory_space<semaphore_mem>>) {add = true}
          %dma_wait3A_97 = arith.constant 0 : i32
          %dma_wait3A_98 = tpu.memref_slice %arg19[%dma_wait3A_97] : memref<100352xf32, #tpu.memory_space<vmem_shared>> -> memref<100352xf32, #tpu.memory_space<vmem_shared>>
          tpu.wait_indirect_dma semaphore(%arg20 : memref<!tpu.dma_semaphore, #tpu.memory_space<semaphore_mem>>) src(%arg14 : memref<1024xf32, #tpu.memory_space<vmem>>) dst(%dma_wait3A_98 : memref<100352xf32, #tpu.memory_space<vmem_shared>>)
        } else {
        }
      }
      %while3A_46 = arith.constant 1 : i32
      scf.for %while3A_58 = %while3A_44 to %while3A_40 step %while3A_46  : i32 {
        %mul3A_59 = arith.muli %while3A_58, %while3A : i32
        %add3A_60 = arith.addi %while3A_37, %mul3A_59 : i32
        %rem3A = arith.constant 2 : i32
        %rem3A_61 = arith.remsi %add3A_60, %rem3A : i32
        %eq3A_62 = arith.constant 0 : i32
        %eq3A_63 = arith.cmpi eq, %rem3A_61, %eq3A_62 : i32
        %add3A_64 = arith.constant 1 : i32
        %add3A_65 = arith.addi %add3A_60, %add3A_64 : i32
        %mul3A_66 = arith.constant 1024 : i32
        %mul3A_67 = arith.muli %add3A_65, %mul3A_66 : i32
        %add3A_68 = arith.addi %mul3A_13, %mul3A_67 : i32
        %add3A_69 = arith.constant 1 : i32
        %add3A_70 = arith.addi %add3A_60, %add3A_69 : i32
        %lt3A_71 = arith.cmpi slt, %add3A_70, %select_n3A : i32
        %convert_element_type3A_72 = arith.extui %lt3A_71 : i1 to i32
        %cond3A_73 = arith.constant 0 : i32
        %cond3A_74 = arith.cmpi ne, %convert_element_type3A_72, %cond3A_73 : i32
        scf.if %cond3A_74 {
          %convert_element_type3A_91 = arith.extui %eq3A_63 : i1 to i32
          %cond3A_92 = arith.constant 0 : i32
          %cond3A_93 = arith.cmpi ne, %convert_element_type3A_91, %cond3A_92 : i32
          scf.if %cond3A_93 {
            %dma_start3A_99 = arith.constant 0 : i32
            %dma_start3A_100 = tpu.memref_slice %arg2[%dma_start3A_99, %add3A_68] : memref<2x1600000xi32, #tpu.memory_space<hbm>> -> memref<1x1024xi32, #tpu.memory_space<hbm>>
            %dma_start3A_101 = tpu.memref_squeeze %dma_start3A_100 : memref<1x1024xi32, #tpu.memory_space<hbm>> -> memref<1024xi32, #tpu.memory_space<hbm>>
            %dma_start3A_102 = tpu.memref_slice %arg2[%dma_start3A_99, %add3A_68] : memref<2x1600000xi32, #tpu.memory_space<hbm>> -> memref<1x1024xi32, #tpu.memory_space<hbm>>
            %dma_start3A_103 = tpu.memref_squeeze %dma_start3A_102 : memref<1x1024xi32, #tpu.memory_space<hbm>> -> memref<1024xi32, #tpu.memory_space<hbm>>
            tpu.enqueue_dma source(%dma_start3A_103 : memref<1024xi32, #tpu.memory_space<hbm>>) target(%arg12 : memref<1024xi32, #tpu.memory_space<vmem>>) target_semaphore(%arg21 : memref<!tpu.dma_semaphore, #tpu.memory_space<semaphore_mem>>)
            %dma_start3A_104 = arith.constant 1 : i32
            %dma_start3A_105 = tpu.memref_slice %arg2[%dma_start3A_104, %add3A_68] : memref<2x1600000xi32, #tpu.memory_space<hbm>> -> memref<1x1024xi32, #tpu.memory_space<hbm>>
            %dma_start3A_106 = tpu.memref_squeeze %dma_start3A_105 : memref<1x1024xi32, #tpu.memory_space<hbm>> -> memref<1024xi32, #tpu.memory_space<hbm>>
            %dma_start3A_107 = tpu.memref_slice %arg2[%dma_start3A_104, %add3A_68] : memref<2x1600000xi32, #tpu.memory_space<hbm>> -> memref<1x1024xi32, #tpu.memory_space<hbm>>
            %dma_start3A_108 = tpu.memref_squeeze %dma_start3A_107 : memref<1x1024xi32, #tpu.memory_space<hbm>> -> memref<1024xi32, #tpu.memory_space<hbm>>
            tpu.enqueue_dma source(%dma_start3A_108 : memref<1024xi32, #tpu.memory_space<hbm>>) target(%arg13 : memref<1024xi32, #tpu.memory_space<vmem>>) target_semaphore(%arg21 : memref<!tpu.dma_semaphore, #tpu.memory_space<semaphore_mem>>)
          } else {
          }
          %not3A_94 = arith.constant true
          %not3A_95 = arith.xori %eq3A_63, %not3A_94 : i1
          %convert_element_type3A_96 = arith.extui %not3A_95 : i1 to i32
          %cond3A_97 = arith.constant 0 : i32
          %cond3A_98 = arith.cmpi ne, %convert_element_type3A_96, %cond3A_97 : i32
          scf.if %cond3A_98 {
            %dma_start3A_99 = arith.constant 0 : i32
            %dma_start3A_100 = tpu.memref_slice %arg2[%dma_start3A_99, %add3A_68] : memref<2x1600000xi32, #tpu.memory_space<hbm>> -> memref<1x1024xi32, #tpu.memory_space<hbm>>
            %dma_start3A_101 = tpu.memref_squeeze %dma_start3A_100 : memref<1x1024xi32, #tpu.memory_space<hbm>> -> memref<1024xi32, #tpu.memory_space<hbm>>
            %dma_start3A_102 = tpu.memref_slice %arg2[%dma_start3A_99, %add3A_68] : memref<2x1600000xi32, #tpu.memory_space<hbm>> -> memref<1x1024xi32, #tpu.memory_space<hbm>>
            %dma_start3A_103 = tpu.memref_squeeze %dma_start3A_102 : memref<1x1024xi32, #tpu.memory_space<hbm>> -> memref<1024xi32, #tpu.memory_space<hbm>>
            tpu.enqueue_dma source(%dma_start3A_103 : memref<1024xi32, #tpu.memory_space<hbm>>) target(%arg10 : memref<1024xi32, #tpu.memory_space<vmem>>) target_semaphore(%arg21 : memref<!tpu.dma_semaphore, #tpu.memory_space<semaphore_mem>>)
            %dma_start3A_104 = arith.constant 1 : i32
            %dma_start3A_105 = tpu.memref_slice %arg2[%dma_start3A_104, %add3A_68] : memref<2x1600000xi32, #tpu.memory_space<hbm>> -> memref<1x1024xi32, #tpu.memory_space<hbm>>
            %dma_start3A_106 = tpu.memref_squeeze %dma_start3A_105 : memref<1x1024xi32, #tpu.memory_space<hbm>> -> memref<1024xi32, #tpu.memory_space<hbm>>
            %dma_start3A_107 = tpu.memref_slice %arg2[%dma_start3A_104, %add3A_68] : memref<2x1600000xi32, #tpu.memory_space<hbm>> -> memref<1x1024xi32, #tpu.memory_space<hbm>>
            %dma_start3A_108 = tpu.memref_squeeze %dma_start3A_107 : memref<1x1024xi32, #tpu.memory_space<hbm>> -> memref<1024xi32, #tpu.memory_space<hbm>>
            tpu.enqueue_dma source(%dma_start3A_108 : memref<1024xi32, #tpu.memory_space<hbm>>) target(%arg11 : memref<1024xi32, #tpu.memory_space<vmem>>) target_semaphore(%arg21 : memref<!tpu.dma_semaphore, #tpu.memory_space<semaphore_mem>>)
          } else {
          }
        } else {
        }
        %dma_wait3A = arith.constant 0 : i32
        %dma_wait3A_75 = tpu.memref_slice %arg2[%dma_wait3A, %mul3A_13] : memref<2x1600000xi32, #tpu.memory_space<hbm>> -> memref<1x1024xi32, #tpu.memory_space<hbm>>
        %dma_wait3A_76 = tpu.memref_squeeze %dma_wait3A_75 : memref<1x1024xi32, #tpu.memory_space<hbm>> -> memref<1024xi32, #tpu.memory_space<hbm>>
        %dma_wait3A_77 = tpu.memref_slice %arg2[%dma_wait3A, %mul3A_13] : memref<2x1600000xi32, #tpu.memory_space<hbm>> -> memref<1x1024xi32, #tpu.memory_space<hbm>>
        %dma_wait3A_78 = tpu.memref_squeeze %dma_wait3A_77 : memref<1x1024xi32, #tpu.memory_space<hbm>> -> memref<1024xi32, #tpu.memory_space<hbm>>
        tpu.wait_dma2 semaphore(%arg21 : memref<!tpu.dma_semaphore, #tpu.memory_space<semaphore_mem>>) src(%dma_wait3A_78 : memref<1024xi32, #tpu.memory_space<hbm>>) dst(%arg10 : memref<1024xi32, #tpu.memory_space<vmem>>)
        %dma_wait3A_79 = arith.constant 1 : i32
        %dma_wait3A_80 = tpu.memref_slice %arg2[%dma_wait3A_79, %mul3A_13] : memref<2x1600000xi32, #tpu.memory_space<hbm>> -> memref<1x1024xi32, #tpu.memory_space<hbm>>
        %dma_wait3A_81 = tpu.memref_squeeze %dma_wait3A_80 : memref<1x1024xi32, #tpu.memory_space<hbm>> -> memref<1024xi32, #tpu.memory_space<hbm>>
        %dma_wait3A_82 = tpu.memref_slice %arg2[%dma_wait3A_79, %mul3A_13] : memref<2x1600000xi32, #tpu.memory_space<hbm>> -> memref<1x1024xi32, #tpu.memory_space<hbm>>
        %dma_wait3A_83 = tpu.memref_squeeze %dma_wait3A_82 : memref<1x1024xi32, #tpu.memory_space<hbm>> -> memref<1024xi32, #tpu.memory_space<hbm>>
        tpu.wait_dma2 semaphore(%arg21 : memref<!tpu.dma_semaphore, #tpu.memory_space<semaphore_mem>>) src(%dma_wait3A_83 : memref<1024xi32, #tpu.memory_space<hbm>>) dst(%arg11 : memref<1024xi32, #tpu.memory_space<vmem>>)
        %convert_element_type3A_84 = arith.extui %eq3A_63 : i1 to i32
        %cond3A_85 = arith.constant 0 : i32
        %cond3A_86 = arith.cmpi ne, %convert_element_type3A_84, %cond3A_85 : i32
        scf.if %cond3A_86 {
          %dma_start3A_91 = arith.constant 0 : i32
          %dma_start3A_92 = tpu.memref_slice %arg18[%dma_start3A_91] : memref<100352xf32, #tpu.memory_space<vmem_shared>> -> memref<100352xf32, #tpu.memory_space<vmem_shared>>
          tpu.enqueue_indirect_dma source(%dma_start3A_92 : memref<100352xf32, #tpu.memory_space<vmem_shared>>) target(%arg14 : memref<1024xf32, #tpu.memory_space<vmem>>) offsets(%arg10 : memref<1024xi32, #tpu.memory_space<vmem>>) semaphore(%arg20 : memref<!tpu.dma_semaphore, #tpu.memory_space<semaphore_mem>>)
          %dma_wait3A_93 = arith.constant 0 : i32
          %dma_wait3A_94 = tpu.memref_slice %arg18[%dma_wait3A_93] : memref<100352xf32, #tpu.memory_space<vmem_shared>> -> memref<100352xf32, #tpu.memory_space<vmem_shared>>
          tpu.wait_indirect_dma semaphore(%arg20 : memref<!tpu.dma_semaphore, #tpu.memory_space<semaphore_mem>>) src(%dma_wait3A_94 : memref<100352xf32, #tpu.memory_space<vmem_shared>>) dst(%arg14 : memref<1024xf32, #tpu.memory_space<vmem>>)
          %dma_start3A_95 = arith.constant 0 : i32
          %dma_start3A_96 = tpu.memref_slice %arg19[%dma_start3A_95] : memref<100352xf32, #tpu.memory_space<vmem_shared>> -> memref<100352xf32, #tpu.memory_space<vmem_shared>>
          tpu.enqueue_indirect_dma source(%arg14 : memref<1024xf32, #tpu.memory_space<vmem>>) target(%dma_start3A_96 : memref<100352xf32, #tpu.memory_space<vmem_shared>>) offsets(%arg11 : memref<1024xi32, #tpu.memory_space<vmem>>) semaphore(%arg20 : memref<!tpu.dma_semaphore, #tpu.memory_space<semaphore_mem>>) {add = true}
          %dma_wait3A_97 = arith.constant 0 : i32
          %dma_wait3A_98 = tpu.memref_slice %arg19[%dma_wait3A_97] : memref<100352xf32, #tpu.memory_space<vmem_shared>> -> memref<100352xf32, #tpu.memory_space<vmem_shared>>
          tpu.wait_indirect_dma semaphore(%arg20 : memref<!tpu.dma_semaphore, #tpu.memory_space<semaphore_mem>>) src(%arg14 : memref<1024xf32, #tpu.memory_space<vmem>>) dst(%dma_wait3A_98 : memref<100352xf32, #tpu.memory_space<vmem_shared>>)
        } else {
        }
        %not3A = arith.constant true
        %not3A_87 = arith.xori %eq3A_63, %not3A : i1
        %convert_element_type3A_88 = arith.extui %not3A_87 : i1 to i32
        %cond3A_89 = arith.constant 0 : i32
        %cond3A_90 = arith.cmpi ne, %convert_element_type3A_88, %cond3A_89 : i32
        scf.if %cond3A_90 {
          %dma_start3A_91 = arith.constant 0 : i32
          %dma_start3A_92 = tpu.memref_slice %arg18[%dma_start3A_91] : memref<100352xf32, #tpu.memory_space<vmem_shared>> -> memref<100352xf32, #tpu.memory_space<vmem_shared>>
          tpu.enqueue_indirect_dma source(%dma_start3A_92 : memref<100352xf32, #tpu.memory_space<vmem_shared>>) target(%arg14 : memref<1024xf32, #tpu.memory_space<vmem>>) offsets(%arg12 : memref<1024xi32, #tpu.memory_space<vmem>>) semaphore(%arg20 : memref<!tpu.dma_semaphore, #tpu.memory_space<semaphore_mem>>)
          %dma_wait3A_93 = arith.constant 0 : i32
          %dma_wait3A_94 = tpu.memref_slice %arg18[%dma_wait3A_93] : memref<100352xf32, #tpu.memory_space<vmem_shared>> -> memref<100352xf32, #tpu.memory_space<vmem_shared>>
          tpu.wait_indirect_dma semaphore(%arg20 : memref<!tpu.dma_semaphore, #tpu.memory_space<semaphore_mem>>) src(%dma_wait3A_94 : memref<100352xf32, #tpu.memory_space<vmem_shared>>) dst(%arg14 : memref<1024xf32, #tpu.memory_space<vmem>>)
          %dma_start3A_95 = arith.constant 0 : i32
          %dma_start3A_96 = tpu.memref_slice %arg19[%dma_start3A_95] : memref<100352xf32, #tpu.memory_space<vmem_shared>> -> memref<100352xf32, #tpu.memory_space<vmem_shared>>
          tpu.enqueue_indirect_dma source(%arg14 : memref<1024xf32, #tpu.memory_space<vmem>>) target(%dma_start3A_96 : memref<100352xf32, #tpu.memory_space<vmem_shared>>) offsets(%arg13 : memref<1024xi32, #tpu.memory_space<vmem>>) semaphore(%arg20 : memref<!tpu.dma_semaphore, #tpu.memory_space<semaphore_mem>>) {add = true}
          %dma_wait3A_97 = arith.constant 0 : i32
          %dma_wait3A_98 = tpu.memref_slice %arg19[%dma_wait3A_97] : memref<100352xf32, #tpu.memory_space<vmem_shared>> -> memref<100352xf32, #tpu.memory_space<vmem_shared>>
          tpu.wait_indirect_dma semaphore(%arg20 : memref<!tpu.dma_semaphore, #tpu.memory_space<semaphore_mem>>) src(%arg14 : memref<1024xf32, #tpu.memory_space<vmem>>) dst(%dma_wait3A_98 : memref<100352xf32, #tpu.memory_space<vmem_shared>>)
        } else {
        }
      }
      %eq3A_47 = arith.constant 15 : i32
      %eq3A_48 = arith.cmpi eq, %arg1, %eq3A_47 : i32
      %convert_element_type3A_49 = arith.extui %eq3A_48 : i1 to i32
      %cond3A_50 = arith.constant 0 : i32
      %cond3A_51 = arith.cmpi ne, %convert_element_type3A_49, %cond3A_50 : i32
      scf.if %cond3A_51 {
        %run_scoped3A = arith.constant 0 : i32
        "tpu.region"() ({
          %run_scoped3A_82 = tpu.sem_alloc : memref<!tpu.dma_semaphore, #tpu.memory_space<semaphore_mem>>
          %dma_start3A_83 = arith.constant 0 : i32
          %dma_start3A_84 = tpu.memref_slice %arg10[%dma_start3A_83] : memref<1024xi32, #tpu.memory_space<vmem>> -> memref<512xi32, #tpu.memory_space<vmem>>
          %dma_start3A_85 = arith.constant 1599488 : i32
          %dma_start3A_86 = tpu.memref_slice %arg2[%run_scoped3A, %dma_start3A_85] : memref<2x1600000xi32, #tpu.memory_space<hbm>> -> memref<1x512xi32, #tpu.memory_space<hbm>>
          %dma_start3A_87 = tpu.memref_squeeze %dma_start3A_86 : memref<1x512xi32, #tpu.memory_space<hbm>> -> memref<512xi32, #tpu.memory_space<hbm>>
          %dma_start3A_88 = arith.constant 0 : i32
          %dma_start3A_89 = tpu.memref_slice %arg10[%dma_start3A_88] : memref<1024xi32, #tpu.memory_space<vmem>> -> memref<512xi32, #tpu.memory_space<vmem>>
          %dma_start3A_90 = arith.constant 1599488 : i32
          %dma_start3A_91 = tpu.memref_slice %arg2[%run_scoped3A, %dma_start3A_90] : memref<2x1600000xi32, #tpu.memory_space<hbm>> -> memref<1x512xi32, #tpu.memory_space<hbm>>
          %dma_start3A_92 = tpu.memref_squeeze %dma_start3A_91 : memref<1x512xi32, #tpu.memory_space<hbm>> -> memref<512xi32, #tpu.memory_space<hbm>>
          tpu.enqueue_dma source(%dma_start3A_92 : memref<512xi32, #tpu.memory_space<hbm>>) target(%dma_start3A_89 : memref<512xi32, #tpu.memory_space<vmem>>) target_semaphore(%run_scoped3A_82 : memref<!tpu.dma_semaphore, #tpu.memory_space<semaphore_mem>>)
          %dma_wait3A_93 = arith.constant 0 : i32
          %dma_wait3A_94 = tpu.memref_slice %arg10[%dma_wait3A_93] : memref<1024xi32, #tpu.memory_space<vmem>> -> memref<512xi32, #tpu.memory_space<vmem>>
          %dma_wait3A_95 = arith.constant 1599488 : i32
          %dma_wait3A_96 = tpu.memref_slice %arg2[%run_scoped3A, %dma_wait3A_95] : memref<2x1600000xi32, #tpu.memory_space<hbm>> -> memref<1x512xi32, #tpu.memory_space<hbm>>
          %dma_wait3A_97 = tpu.memref_squeeze %dma_wait3A_96 : memref<1x512xi32, #tpu.memory_space<hbm>> -> memref<512xi32, #tpu.memory_space<hbm>>
          %dma_wait3A_98 = arith.constant 0 : i32
          %dma_wait3A_99 = tpu.memref_slice %arg10[%dma_wait3A_98] : memref<1024xi32, #tpu.memory_space<vmem>> -> memref<512xi32, #tpu.memory_space<vmem>>
          %dma_wait3A_100 = arith.constant 1599488 : i32
          %dma_wait3A_101 = tpu.memref_slice %arg2[%run_scoped3A, %dma_wait3A_100] : memref<2x1600000xi32, #tpu.memory_space<hbm>> -> memref<1x512xi32, #tpu.memory_space<hbm>>
          %dma_wait3A_102 = tpu.memref_squeeze %dma_wait3A_101 : memref<1x512xi32, #tpu.memory_space<hbm>> -> memref<512xi32, #tpu.memory_space<hbm>>
          tpu.wait_dma2 semaphore(%run_scoped3A_82 : memref<!tpu.dma_semaphore, #tpu.memory_space<semaphore_mem>>) src(%dma_wait3A_102 : memref<512xi32, #tpu.memory_space<hbm>>) dst(%dma_wait3A_99 : memref<512xi32, #tpu.memory_space<vmem>>)
          tpu.yield
        }) : () -> ()
        %run_scoped3A_58 = arith.constant 1 : i32
        "tpu.region"() ({
          %run_scoped3A_82 = tpu.sem_alloc : memref<!tpu.dma_semaphore, #tpu.memory_space<semaphore_mem>>
          %dma_start3A_83 = arith.constant 0 : i32
          %dma_start3A_84 = tpu.memref_slice %arg11[%dma_start3A_83] : memref<1024xi32, #tpu.memory_space<vmem>> -> memref<512xi32, #tpu.memory_space<vmem>>
          %dma_start3A_85 = arith.constant 1599488 : i32
          %dma_start3A_86 = tpu.memref_slice %arg2[%run_scoped3A_58, %dma_start3A_85] : memref<2x1600000xi32, #tpu.memory_space<hbm>> -> memref<1x512xi32, #tpu.memory_space<hbm>>
          %dma_start3A_87 = tpu.memref_squeeze %dma_start3A_86 : memref<1x512xi32, #tpu.memory_space<hbm>> -> memref<512xi32, #tpu.memory_space<hbm>>
          %dma_start3A_88 = arith.constant 0 : i32
          %dma_start3A_89 = tpu.memref_slice %arg11[%dma_start3A_88] : memref<1024xi32, #tpu.memory_space<vmem>> -> memref<512xi32, #tpu.memory_space<vmem>>
          %dma_start3A_90 = arith.constant 1599488 : i32
          %dma_start3A_91 = tpu.memref_slice %arg2[%run_scoped3A_58, %dma_start3A_90] : memref<2x1600000xi32, #tpu.memory_space<hbm>> -> memref<1x512xi32, #tpu.memory_space<hbm>>
          %dma_start3A_92 = tpu.memref_squeeze %dma_start3A_91 : memref<1x512xi32, #tpu.memory_space<hbm>> -> memref<512xi32, #tpu.memory_space<hbm>>
          tpu.enqueue_dma source(%dma_start3A_92 : memref<512xi32, #tpu.memory_space<hbm>>) target(%dma_start3A_89 : memref<512xi32, #tpu.memory_space<vmem>>) target_semaphore(%run_scoped3A_82 : memref<!tpu.dma_semaphore, #tpu.memory_space<semaphore_mem>>)
          %dma_wait3A_93 = arith.constant 0 : i32
          %dma_wait3A_94 = tpu.memref_slice %arg11[%dma_wait3A_93] : memref<1024xi32, #tpu.memory_space<vmem>> -> memref<512xi32, #tpu.memory_space<vmem>>
          %dma_wait3A_95 = arith.constant 1599488 : i32
          %dma_wait3A_96 = tpu.memref_slice %arg2[%run_scoped3A_58, %dma_wait3A_95] : memref<2x1600000xi32, #tpu.memory_space<hbm>> -> memref<1x512xi32, #tpu.memory_space<hbm>>
          %dma_wait3A_97 = tpu.memref_squeeze %dma_wait3A_96 : memref<1x512xi32, #tpu.memory_space<hbm>> -> memref<512xi32, #tpu.memory_space<hbm>>
          %dma_wait3A_98 = arith.constant 0 : i32
          %dma_wait3A_99 = tpu.memref_slice %arg11[%dma_wait3A_98] : memref<1024xi32, #tpu.memory_space<vmem>> -> memref<512xi32, #tpu.memory_space<vmem>>
          %dma_wait3A_100 = arith.constant 1599488 : i32
          %dma_wait3A_101 = tpu.memref_slice %arg2[%run_scoped3A_58, %dma_wait3A_100] : memref<2x1600000xi32, #tpu.memory_space<hbm>> -> memref<1x512xi32, #tpu.memory_space<hbm>>
          %dma_wait3A_102 = tpu.memref_squeeze %dma_wait3A_101 : memref<1x512xi32, #tpu.memory_space<hbm>> -> memref<512xi32, #tpu.memory_space<hbm>>
          tpu.wait_dma2 semaphore(%run_scoped3A_82 : memref<!tpu.dma_semaphore, #tpu.memory_space<semaphore_mem>>) src(%dma_wait3A_102 : memref<512xi32, #tpu.memory_space<hbm>>) dst(%dma_wait3A_99 : memref<512xi32, #tpu.memory_space<vmem>>)
          tpu.yield
        }) : () -> ()
        %dma_start3A_59 = arith.constant 0 : i32
        %dma_start3A_60 = tpu.memref_slice %arg14[%dma_start3A_59] : memref<1024xf32, #tpu.memory_space<vmem>> -> memref<512xf32, #tpu.memory_space<vmem>>
        %dma_start3A_61 = arith.constant 0 : i32
        %dma_start3A_62 = tpu.memref_slice %arg10[%dma_start3A_61] : memref<1024xi32, #tpu.memory_space<vmem>> -> memref<512xi32, #tpu.memory_space<vmem>>
        %dma_start3A_63 = arith.constant 0 : i32
        %dma_start3A_64 = tpu.memref_slice %arg18[%dma_start3A_63] : memref<100352xf32, #tpu.memory_space<vmem_shared>> -> memref<100352xf32, #tpu.memory_space<vmem_shared>>
        tpu.enqueue_indirect_dma source(%dma_start3A_64 : memref<100352xf32, #tpu.memory_space<vmem_shared>>) target(%dma_start3A_60 : memref<512xf32, #tpu.memory_space<vmem>>) offsets(%dma_start3A_62 : memref<512xi32, #tpu.memory_space<vmem>>) semaphore(%arg20 : memref<!tpu.dma_semaphore, #tpu.memory_space<semaphore_mem>>)
        %dma_wait3A = arith.constant 0 : i32
        %dma_wait3A_65 = tpu.memref_slice %arg14[%dma_wait3A] : memref<1024xf32, #tpu.memory_space<vmem>> -> memref<512xf32, #tpu.memory_space<vmem>>
        %dma_wait3A_66 = arith.constant 0 : i32
        %dma_wait3A_67 = tpu.memref_slice %arg10[%dma_wait3A_66] : memref<1024xi32, #tpu.memory_space<vmem>> -> memref<512xi32, #tpu.memory_space<vmem>>
        %dma_wait3A_68 = arith.constant 0 : i32
        %dma_wait3A_69 = tpu.memref_slice %arg18[%dma_wait3A_68] : memref<100352xf32, #tpu.memory_space<vmem_shared>> -> memref<100352xf32, #tpu.memory_space<vmem_shared>>
        tpu.wait_indirect_dma semaphore(%arg20 : memref<!tpu.dma_semaphore, #tpu.memory_space<semaphore_mem>>) src(%dma_wait3A_69 : memref<100352xf32, #tpu.memory_space<vmem_shared>>) dst(%dma_wait3A_65 : memref<512xf32, #tpu.memory_space<vmem>>)
        %dma_start3A_70 = arith.constant 0 : i32
        %dma_start3A_71 = tpu.memref_slice %arg14[%dma_start3A_70] : memref<1024xf32, #tpu.memory_space<vmem>> -> memref<512xf32, #tpu.memory_space<vmem>>
        %dma_start3A_72 = arith.constant 0 : i32
        %dma_start3A_73 = tpu.memref_slice %arg11[%dma_start3A_72] : memref<1024xi32, #tpu.memory_space<vmem>> -> memref<512xi32, #tpu.memory_space<vmem>>
        %dma_start3A_74 = arith.constant 0 : i32
        %dma_start3A_75 = tpu.memref_slice %arg19[%dma_start3A_74] : memref<100352xf32, #tpu.memory_space<vmem_shared>> -> memref<100352xf32, #tpu.memory_space<vmem_shared>>
        tpu.enqueue_indirect_dma source(%dma_start3A_71 : memref<512xf32, #tpu.memory_space<vmem>>) target(%dma_start3A_75 : memref<100352xf32, #tpu.memory_space<vmem_shared>>) offsets(%dma_start3A_73 : memref<512xi32, #tpu.memory_space<vmem>>) semaphore(%arg20 : memref<!tpu.dma_semaphore, #tpu.memory_space<semaphore_mem>>) {add = true}
        %dma_wait3A_76 = arith.constant 0 : i32
        %dma_wait3A_77 = tpu.memref_slice %arg14[%dma_wait3A_76] : memref<1024xf32, #tpu.memory_space<vmem>> -> memref<512xf32, #tpu.memory_space<vmem>>
        %dma_wait3A_78 = arith.constant 0 : i32
        %dma_wait3A_79 = tpu.memref_slice %arg11[%dma_wait3A_78] : memref<1024xi32, #tpu.memory_space<vmem>> -> memref<512xi32, #tpu.memory_space<vmem>>
        %dma_wait3A_80 = arith.constant 0 : i32
        %dma_wait3A_81 = tpu.memref_slice %arg19[%dma_wait3A_80] : memref<100352xf32, #tpu.memory_space<vmem_shared>> -> memref<100352xf32, #tpu.memory_space<vmem_shared>>
        tpu.wait_indirect_dma semaphore(%arg20 : memref<!tpu.dma_semaphore, #tpu.memory_space<semaphore_mem>>) src(%dma_wait3A_77 : memref<512xf32, #tpu.memory_space<vmem>>) dst(%dma_wait3A_81 : memref<100352xf32, #tpu.memory_space<vmem_shared>>)
      } else {
      }
      %barrier3A_52 = arith.constant 0 : index
      tpu.barrier barrier_id(%barrier3A_52)
      "tpu.region"() ({
        %run_scoped3A = tpu.sem_alloc : memref<!tpu.dma_semaphore, #tpu.memory_space<semaphore_mem>>
        %dma_start3A_58 = tpu.memref_slice %arg19[%mul3A_7] : memref<100352xf32, #tpu.memory_space<vmem_shared>> -> memref<6272xf32, #tpu.memory_space<vmem_shared>>
        %dma_start3A_59 = tpu.memref_slice %arg19[%mul3A_7] : memref<100352xf32, #tpu.memory_space<vmem_shared>> -> memref<6272xf32, #tpu.memory_space<vmem_shared>>
        tpu.enqueue_dma source(%dma_start3A_59 : memref<6272xf32, #tpu.memory_space<vmem_shared>>) target(%arg16 : memref<6272xf32, #tpu.memory_space<vmem>>) target_semaphore(%run_scoped3A : memref<!tpu.dma_semaphore, #tpu.memory_space<semaphore_mem>>)
        %dma_wait3A = tpu.memref_slice %arg19[%mul3A_7] : memref<100352xf32, #tpu.memory_space<vmem_shared>> -> memref<6272xf32, #tpu.memory_space<vmem_shared>>
        %dma_wait3A_60 = tpu.memref_slice %arg19[%mul3A_7] : memref<100352xf32, #tpu.memory_space<vmem_shared>> -> memref<6272xf32, #tpu.memory_space<vmem_shared>>
        tpu.wait_dma2 semaphore(%run_scoped3A : memref<!tpu.dma_semaphore, #tpu.memory_space<semaphore_mem>>) src(%dma_wait3A_60 : memref<6272xf32, #tpu.memory_space<vmem_shared>>) dst(%arg16 : memref<6272xf32, #tpu.memory_space<vmem>>)
        tpu.yield
      }) : () -> ()
      %scan3A_53 = arith.constant 0 : i32
      %scan3A_54 = arith.constant 392 : i32
      %scan3A_55 = arith.addi %scan3A_53, %scan3A_54 : i32
      %scan3A_56 = arith.constant 1 : i32
      scf.for %scan3A_58 = %scan3A_53 to %scan3A_55 step %scan3A_56  : i32 {
        %mul3A_59 = arith.constant 1 : i32
        %mul3A_60 = arith.muli %scan3A_58, %mul3A_59 : i32
        %add3A_61 = arith.constant 0 : i32
        %add3A_62 = arith.addi %add3A_61, %mul3A_60 : i32
        %mul3A_63 = arith.constant 16 : i32
        %mul3A_64 = arith.muli %add3A_62, %mul3A_63 : i32
        %get3A = arith.index_cast %mul3A_64 : i32 to index
        %get3A_65 = tpu.vector_load %arg16[%get3A] {strides = array<i32>} : memref<6272xf32, #tpu.memory_space<vmem>>, vector<16xf32>,
        %get3A_66 = vector.shape_cast %get3A_65 : vector<16xf32> to vector<16xf32>
        %get3A_67 = arith.index_cast %mul3A_64 : i32 to index
        %get3A_68 = tpu.vector_load %arg15[%get3A_67] {strides = array<i32>} : memref<6272xf32, #tpu.memory_space<vmem>>, vector<16xf32>,
        %get3A_69 = vector.shape_cast %get3A_68 : vector<16xf32> to vector<16xf32>
        %mul3A_70 = arith.mulf %get3A_66, %get3A_69 : vector<16xf32>
        %get3A_71 = arith.index_cast %mul3A_64 : i32 to index
        %get3A_72 = tpu.vector_load %arg17[%get3A_71] {strides = array<i32>} : memref<6272xf32, #tpu.memory_space<vmem>>, vector<16xf32>,
        %get3A_73 = vector.shape_cast %get3A_72 : vector<16xf32> to vector<16xf32>
        %add3A_74 = arith.addf %mul3A_70, %get3A_73 : vector<16xf32>
        %swap3A = arith.index_cast %mul3A_64 : i32 to index
        %swap3A_75 = tpu.vector_load %arg16[%swap3A] {strides = array<i32>} : memref<6272xf32, #tpu.memory_space<vmem>>, vector<16xf32>,
        %swap3A_76 = vector.shape_cast %swap3A_75 : vector<16xf32> to vector<16xf32>
        %swap3A_77 = vector.shape_cast %add3A_74 : vector<16xf32> to vector<16xf32>
        tpu.vector_store %arg16[%swap3A], %swap3A_77 {strides = array<i32>} : memref<6272xf32, #tpu.memory_space<vmem>>, vector<16xf32>,
      }
      %scan3A_57 = arith.constant 392 : i32
      "tpu.region"() ({
        %run_scoped3A = tpu.sem_alloc : memref<!tpu.dma_semaphore, #tpu.memory_space<semaphore_mem>>
        %dma_start3A_58 = tpu.memref_slice %arg8[%mul3A_7] : memref<100352xf32, #tpu.memory_space<hbm>> -> memref<6272xf32, #tpu.memory_space<hbm>>
        %dma_start3A_59 = tpu.memref_slice %arg8[%mul3A_7] : memref<100352xf32, #tpu.memory_space<hbm>> -> memref<6272xf32, #tpu.memory_space<hbm>>
        tpu.enqueue_dma source(%arg16 : memref<6272xf32, #tpu.memory_space<vmem>>) target(%dma_start3A_59 : memref<6272xf32, #tpu.memory_space<hbm>>) target_semaphore(%run_scoped3A : memref<!tpu.dma_semaphore, #tpu.memory_space<semaphore_mem>>)
        %dma_wait3A = tpu.memref_slice %arg8[%mul3A_7] : memref<100352xf32, #tpu.memory_space<hbm>> -> memref<6272xf32, #tpu.memory_space<hbm>>
        %dma_wait3A_60 = tpu.memref_slice %arg8[%mul3A_7] : memref<100352xf32, #tpu.memory_space<hbm>> -> memref<6272xf32, #tpu.memory_space<hbm>>
        tpu.wait_dma2 semaphore(%run_scoped3A : memref<!tpu.dma_semaphore, #tpu.memory_space<semaphore_mem>>) src(%arg16 : memref<6272xf32, #tpu.memory_space<vmem>>) dst(%dma_wait3A_60 : memref<6272xf32, #tpu.memory_space<hbm>>)
        tpu.yield
      }) : () -> ()
    } else {
    }
    %eq3A_2 = arith.constant 1 : i32
    %eq3A_3 = arith.cmpi eq, %arg0, %eq3A_2 : i32
    %convert_element_type3A_4 = arith.extui %eq3A_3 : i1 to i32
    %cond3A_5 = arith.constant 0 : i32
    %cond3A_6 = arith.cmpi ne, %convert_element_type3A_4, %cond3A_5 : i32
    scf.if %cond3A_6 {
      %mul3A = arith.constant 6272 : i32
      %mul3A_7 = arith.muli %arg1, %mul3A : i32
      %lt3A = arith.constant 15 : i32
      %lt3A_8 = arith.cmpi slt, %arg1, %lt3A : i32
      %jit3A = arith.constant 98 : i32
      %jit3A_9 = arith.constant 92 : i32
      %select_n3A = arith.select %lt3A_8, %jit3A, %jit3A_9 : i32
      %mul3A_10 = arith.constant 784 : i32
      %mul3A_11 = arith.muli %arg1, %mul3A_10 : i32
      %mul3A_12 = arith.constant 128 : i32
      %mul3A_13 = arith.muli %mul3A_11, %mul3A_12 : i32
      %scan3A = arith.constant 0 : i32
      %scan3A_14 = arith.constant 392 : i32
      %scan3A_15 = arith.addi %scan3A, %scan3A_14 : i32
      %scan3A_16 = arith.constant 1 : i32
      scf.for %scan3A_58 = %scan3A to %scan3A_15 step %scan3A_16  : i32 {
        %mul3A_59 = arith.constant 1 : i32
        %mul3A_60 = arith.muli %scan3A_58, %mul3A_59 : i32
        %add3A_61 = arith.constant 0 : i32
        %add3A_62 = arith.addi %add3A_61, %mul3A_60 : i32
        %broadcast_in_dim3A = arith.constant 0.000000e+00 : f32
        %broadcast_in_dim3A_63 = vector.broadcast %broadcast_in_dim3A : f32 to vector<16xf32>
        %mul3A_64 = arith.constant 16 : i32
        %mul3A_65 = arith.muli %add3A_62, %mul3A_64 : i32
        %swap3A = arith.index_cast %mul3A_65 : i32 to index
        %swap3A_66 = tpu.vector_load %arg17[%swap3A] {strides = array<i32>} : memref<6272xf32, #tpu.memory_space<vmem>>, vector<16xf32>,
        %swap3A_67 = vector.shape_cast %swap3A_66 : vector<16xf32> to vector<16xf32>
        %swap3A_68 = vector.shape_cast %broadcast_in_dim3A_63 : vector<16xf32> to vector<16xf32>
        tpu.vector_store %arg17[%swap3A], %swap3A_68 {strides = array<i32>} : memref<6272xf32, #tpu.memory_space<vmem>>, vector<16xf32>,
      }
      %scan3A_17 = arith.constant 392 : i32
      "tpu.region"() ({
        %run_scoped3A = tpu.sem_alloc : memref<!tpu.dma_semaphore, #tpu.memory_space<semaphore_mem>>
        %dma_start3A_58 = tpu.memref_slice %arg19[%mul3A_7] : memref<100352xf32, #tpu.memory_space<vmem_shared>> -> memref<6272xf32, #tpu.memory_space<vmem_shared>>
        %dma_start3A_59 = tpu.memref_slice %arg19[%mul3A_7] : memref<100352xf32, #tpu.memory_space<vmem_shared>> -> memref<6272xf32, #tpu.memory_space<vmem_shared>>
        tpu.enqueue_dma source(%arg17 : memref<6272xf32, #tpu.memory_space<vmem>>) target(%dma_start3A_59 : memref<6272xf32, #tpu.memory_space<vmem_shared>>) target_semaphore(%run_scoped3A : memref<!tpu.dma_semaphore, #tpu.memory_space<semaphore_mem>>)
        %dma_wait3A = tpu.memref_slice %arg19[%mul3A_7] : memref<100352xf32, #tpu.memory_space<vmem_shared>> -> memref<6272xf32, #tpu.memory_space<vmem_shared>>
        %dma_wait3A_60 = tpu.memref_slice %arg19[%mul3A_7] : memref<100352xf32, #tpu.memory_space<vmem_shared>> -> memref<6272xf32, #tpu.memory_space<vmem_shared>>
        tpu.wait_dma2 semaphore(%run_scoped3A : memref<!tpu.dma_semaphore, #tpu.memory_space<semaphore_mem>>) src(%arg17 : memref<6272xf32, #tpu.memory_space<vmem>>) dst(%dma_wait3A_60 : memref<6272xf32, #tpu.memory_space<vmem_shared>>)
        tpu.yield
      }) : () -> ()
      "tpu.region"() ({
        %run_scoped3A = tpu.sem_alloc : memref<!tpu.dma_semaphore, #tpu.memory_space<semaphore_mem>>
        %dma_start3A_58 = tpu.memref_slice %arg7[%mul3A_7] : memref<100352xf32, #tpu.memory_space<hbm>> -> memref<6272xf32, #tpu.memory_space<hbm>>
        %dma_start3A_59 = tpu.memref_slice %arg7[%mul3A_7] : memref<100352xf32, #tpu.memory_space<hbm>> -> memref<6272xf32, #tpu.memory_space<hbm>>
        tpu.enqueue_dma source(%dma_start3A_59 : memref<6272xf32, #tpu.memory_space<hbm>>) target(%arg15 : memref<6272xf32, #tpu.memory_space<vmem>>) target_semaphore(%run_scoped3A : memref<!tpu.dma_semaphore, #tpu.memory_space<semaphore_mem>>)
        %dma_wait3A = tpu.memref_slice %arg7[%mul3A_7] : memref<100352xf32, #tpu.memory_space<hbm>> -> memref<6272xf32, #tpu.memory_space<hbm>>
        %dma_wait3A_60 = tpu.memref_slice %arg7[%mul3A_7] : memref<100352xf32, #tpu.memory_space<hbm>> -> memref<6272xf32, #tpu.memory_space<hbm>>
        tpu.wait_dma2 semaphore(%run_scoped3A : memref<!tpu.dma_semaphore, #tpu.memory_space<semaphore_mem>>) src(%dma_wait3A_60 : memref<6272xf32, #tpu.memory_space<hbm>>) dst(%arg15 : memref<6272xf32, #tpu.memory_space<vmem>>)
        tpu.yield
      }) : () -> ()
      "tpu.region"() ({
        %run_scoped3A = tpu.sem_alloc : memref<!tpu.dma_semaphore, #tpu.memory_space<semaphore_mem>>
        %dma_start3A_58 = tpu.memref_slice %arg5[%mul3A_7] : memref<100352xf32, #tpu.memory_space<hbm>> -> memref<6272xf32, #tpu.memory_space<hbm>>
        %dma_start3A_59 = tpu.memref_slice %arg5[%mul3A_7] : memref<100352xf32, #tpu.memory_space<hbm>> -> memref<6272xf32, #tpu.memory_space<hbm>>
        tpu.enqueue_dma source(%dma_start3A_59 : memref<6272xf32, #tpu.memory_space<hbm>>) target(%arg16 : memref<6272xf32, #tpu.memory_space<vmem>>) target_semaphore(%run_scoped3A : memref<!tpu.dma_semaphore, #tpu.memory_space<semaphore_mem>>)
        %dma_wait3A = tpu.memref_slice %arg5[%mul3A_7] : memref<100352xf32, #tpu.memory_space<hbm>> -> memref<6272xf32, #tpu.memory_space<hbm>>
        %dma_wait3A_60 = tpu.memref_slice %arg5[%mul3A_7] : memref<100352xf32, #tpu.memory_space<hbm>> -> memref<6272xf32, #tpu.memory_space<hbm>>
        tpu.wait_dma2 semaphore(%run_scoped3A : memref<!tpu.dma_semaphore, #tpu.memory_space<semaphore_mem>>) src(%dma_wait3A_60 : memref<6272xf32, #tpu.memory_space<hbm>>) dst(%arg16 : memref<6272xf32, #tpu.memory_space<vmem>>)
        tpu.yield
      }) : () -> ()
      %scan3A_18 = arith.constant 0 : i32
      %scan3A_19 = arith.constant 392 : i32
      %scan3A_20 = arith.addi %scan3A_18, %scan3A_19 : i32
      %scan3A_21 = arith.constant 1 : i32
      scf.for %scan3A_58 = %scan3A_18 to %scan3A_20 step %scan3A_21  : i32 {
        %mul3A_59 = arith.constant 1 : i32
        %mul3A_60 = arith.muli %scan3A_58, %mul3A_59 : i32
        %add3A_61 = arith.constant 0 : i32
        %add3A_62 = arith.addi %add3A_61, %mul3A_60 : i32
        %mul3A_63 = arith.constant 16 : i32
        %mul3A_64 = arith.muli %add3A_62, %mul3A_63 : i32
        %get3A = arith.index_cast %mul3A_64 : i32 to index
        %get3A_65 = tpu.vector_load %arg15[%get3A] {strides = array<i32>} : memref<6272xf32, #tpu.memory_space<vmem>>, vector<16xf32>,
        %get3A_66 = vector.shape_cast %get3A_65 : vector<16xf32> to vector<16xf32>
        %add3A_67 = arith.constant 1.000000e+00 : f32
        %add3A_68 = vector.broadcast %add3A_67 : f32 to vector<16xf32>
        %add3A_69 = arith.addf %get3A_66, %add3A_68 : vector<16xf32>
        %bitcast_convert_type3A = tpu.bitcast %add3A_69 : vector<16xf32> -> vector<16xi32>
        %shift_right_arithmetic3A = arith.constant 1 : i32
        %shift_right_arithmetic3A_70 = vector.broadcast %shift_right_arithmetic3A : i32 to vector<16xi32>
        %shift_right_arithmetic3A_71 = arith.shrsi %bitcast_convert_type3A, %shift_right_arithmetic3A_70 : vector<16xi32>
        %sub3A_72 = arith.constant 1597463007 : i32
        %sub3A_73 = vector.broadcast %sub3A_72 : i32 to vector<16xi32>
        %sub3A_74 = arith.subi %sub3A_73, %shift_right_arithmetic3A_71 : vector<16xi32>
        %bitcast_convert_type3A_75 = tpu.bitcast %sub3A_74 : vector<16xi32> -> vector<16xf32>
        %mul3A_76 = arith.constant 5.000000e-01 : f32
        %mul3A_77 = vector.broadcast %mul3A_76 : f32 to vector<16xf32>
        %mul3A_78 = arith.mulf %mul3A_77, %add3A_69 : vector<16xf32>
        %mul3A_79 = arith.mulf %mul3A_78, %bitcast_convert_type3A_75 : vector<16xf32>
        %mul3A_80 = arith.mulf %mul3A_79, %bitcast_convert_type3A_75 : vector<16xf32>
        %sub3A_81 = arith.constant 1.500000e+00 : f32
        %sub3A_82 = vector.broadcast %sub3A_81 : f32 to vector<16xf32>
        %sub3A_83 = arith.subf %sub3A_82, %mul3A_80 : vector<16xf32>
        %mul3A_84 = arith.mulf %bitcast_convert_type3A_75, %sub3A_83 : vector<16xf32>
        %mul3A_85 = arith.constant 5.000000e-01 : f32
        %mul3A_86 = vector.broadcast %mul3A_85 : f32 to vector<16xf32>
        %mul3A_87 = arith.mulf %mul3A_86, %add3A_69 : vector<16xf32>
        %mul3A_88 = arith.mulf %mul3A_87, %mul3A_84 : vector<16xf32>
        %mul3A_89 = arith.mulf %mul3A_88, %mul3A_84 : vector<16xf32>
        %sub3A_90 = arith.constant 1.500000e+00 : f32
        %sub3A_91 = vector.broadcast %sub3A_90 : f32 to vector<16xf32>
        %sub3A_92 = arith.subf %sub3A_91, %mul3A_89 : vector<16xf32>
        %mul3A_93 = arith.mulf %mul3A_84, %sub3A_92 : vector<16xf32>
        %mul3A_94 = arith.constant 5.000000e-01 : f32
        %mul3A_95 = vector.broadcast %mul3A_94 : f32 to vector<16xf32>
        %mul3A_96 = arith.mulf %mul3A_95, %add3A_69 : vector<16xf32>
        %mul3A_97 = arith.mulf %mul3A_96, %mul3A_93 : vector<16xf32>
        %mul3A_98 = arith.mulf %mul3A_97, %mul3A_93 : vector<16xf32>
        %sub3A_99 = arith.constant 1.500000e+00 : f32
        %sub3A_100 = vector.broadcast %sub3A_99 : f32 to vector<16xf32>
        %sub3A_101 = arith.subf %sub3A_100, %mul3A_98 : vector<16xf32>
        %mul3A_102 = arith.mulf %mul3A_93, %sub3A_101 : vector<16xf32>
        %get3A_103 = arith.index_cast %mul3A_64 : i32 to index
        %get3A_104 = tpu.vector_load %arg16[%get3A_103] {strides = array<i32>} : memref<6272xf32, #tpu.memory_space<vmem>>, vector<16xf32>,
        %get3A_105 = vector.shape_cast %get3A_104 : vector<16xf32> to vector<16xf32>
        %swap3A = arith.index_cast %mul3A_64 : i32 to index
        %swap3A_106 = tpu.vector_load %arg15[%swap3A] {strides = array<i32>} : memref<6272xf32, #tpu.memory_space<vmem>>, vector<16xf32>,
        %swap3A_107 = vector.shape_cast %swap3A_106 : vector<16xf32> to vector<16xf32>
        %swap3A_108 = vector.shape_cast %mul3A_102 : vector<16xf32> to vector<16xf32>
        tpu.vector_store %arg15[%swap3A], %swap3A_108 {strides = array<i32>} : memref<6272xf32, #tpu.memory_space<vmem>>, vector<16xf32>,
        %mul3A_109 = arith.mulf %get3A_105, %mul3A_102 : vector<16xf32>
        %swap3A_110 = arith.index_cast %mul3A_64 : i32 to index
        %swap3A_111 = tpu.vector_load %arg16[%swap3A_110] {strides = array<i32>} : memref<6272xf32, #tpu.memory_space<vmem>>, vector<16xf32>,
        %swap3A_112 = vector.shape_cast %swap3A_111 : vector<16xf32> to vector<16xf32>
        %swap3A_113 = vector.shape_cast %mul3A_109 : vector<16xf32> to vector<16xf32>
        tpu.vector_store %arg16[%swap3A_110], %swap3A_113 {strides = array<i32>} : memref<6272xf32, #tpu.memory_space<vmem>>, vector<16xf32>,
        %mul3A_114 = arith.mulf %get3A_105, %mul3A_102 : vector<16xf32>
        %mul3A_115 = arith.mulf %mul3A_114, %mul3A_102 : vector<16xf32>
        %swap3A_116 = arith.index_cast %mul3A_64 : i32 to index
        %swap3A_117 = tpu.vector_load %arg17[%swap3A_116] {strides = array<i32>} : memref<6272xf32, #tpu.memory_space<vmem>>, vector<16xf32>,
        %swap3A_118 = vector.shape_cast %swap3A_117 : vector<16xf32> to vector<16xf32>
        %swap3A_119 = vector.shape_cast %mul3A_115 : vector<16xf32> to vector<16xf32>
        tpu.vector_store %arg17[%swap3A_116], %swap3A_119 {strides = array<i32>} : memref<6272xf32, #tpu.memory_space<vmem>>, vector<16xf32>,
      }
      %scan3A_22 = arith.constant 392 : i32
      "tpu.region"() ({
        %run_scoped3A = tpu.sem_alloc : memref<!tpu.dma_semaphore, #tpu.memory_space<semaphore_mem>>
        %dma_start3A_58 = tpu.memref_slice %arg18[%mul3A_7] : memref<100352xf32, #tpu.memory_space<vmem_shared>> -> memref<6272xf32, #tpu.memory_space<vmem_shared>>
        %dma_start3A_59 = tpu.memref_slice %arg18[%mul3A_7] : memref<100352xf32, #tpu.memory_space<vmem_shared>> -> memref<6272xf32, #tpu.memory_space<vmem_shared>>
        tpu.enqueue_dma source(%arg16 : memref<6272xf32, #tpu.memory_space<vmem>>) target(%dma_start3A_59 : memref<6272xf32, #tpu.memory_space<vmem_shared>>) target_semaphore(%run_scoped3A : memref<!tpu.dma_semaphore, #tpu.memory_space<semaphore_mem>>)
        %dma_wait3A = tpu.memref_slice %arg18[%mul3A_7] : memref<100352xf32, #tpu.memory_space<vmem_shared>> -> memref<6272xf32, #tpu.memory_space<vmem_shared>>
        %dma_wait3A_60 = tpu.memref_slice %arg18[%mul3A_7] : memref<100352xf32, #tpu.memory_space<vmem_shared>> -> memref<6272xf32, #tpu.memory_space<vmem_shared>>
        tpu.wait_dma2 semaphore(%run_scoped3A : memref<!tpu.dma_semaphore, #tpu.memory_space<semaphore_mem>>) src(%arg16 : memref<6272xf32, #tpu.memory_space<vmem>>) dst(%dma_wait3A_60 : memref<6272xf32, #tpu.memory_space<vmem_shared>>)
        tpu.yield
      }) : () -> ()
      %barrier3A = arith.constant 0 : index
      tpu.barrier barrier_id(%barrier3A)
      %dma_start3A = arith.constant 0 : i32
      %dma_start3A_23 = tpu.memref_slice %arg3[%dma_start3A, %mul3A_13] : memref<2x1600000xi32, #tpu.memory_space<hbm>> -> memref<1x1024xi32, #tpu.memory_space<hbm>>
      %dma_start3A_24 = tpu.memref_squeeze %dma_start3A_23 : memref<1x1024xi32, #tpu.memory_space<hbm>> -> memref<1024xi32, #tpu.memory_space<hbm>>
      %dma_start3A_25 = tpu.memref_slice %arg3[%dma_start3A, %mul3A_13] : memref<2x1600000xi32, #tpu.memory_space<hbm>> -> memref<1x1024xi32, #tpu.memory_space<hbm>>
      %dma_start3A_26 = tpu.memref_squeeze %dma_start3A_25 : memref<1x1024xi32, #tpu.memory_space<hbm>> -> memref<1024xi32, #tpu.memory_space<hbm>>
      tpu.enqueue_dma source(%dma_start3A_26 : memref<1024xi32, #tpu.memory_space<hbm>>) target(%arg10 : memref<1024xi32, #tpu.memory_space<vmem>>) target_semaphore(%arg21 : memref<!tpu.dma_semaphore, #tpu.memory_space<semaphore_mem>>)
      %dma_start3A_27 = arith.constant 1 : i32
      %dma_start3A_28 = tpu.memref_slice %arg3[%dma_start3A_27, %mul3A_13] : memref<2x1600000xi32, #tpu.memory_space<hbm>> -> memref<1x1024xi32, #tpu.memory_space<hbm>>
      %dma_start3A_29 = tpu.memref_squeeze %dma_start3A_28 : memref<1x1024xi32, #tpu.memory_space<hbm>> -> memref<1024xi32, #tpu.memory_space<hbm>>
      %dma_start3A_30 = tpu.memref_slice %arg3[%dma_start3A_27, %mul3A_13] : memref<2x1600000xi32, #tpu.memory_space<hbm>> -> memref<1x1024xi32, #tpu.memory_space<hbm>>
      %dma_start3A_31 = tpu.memref_squeeze %dma_start3A_30 : memref<1x1024xi32, #tpu.memory_space<hbm>> -> memref<1024xi32, #tpu.memory_space<hbm>>
      tpu.enqueue_dma source(%dma_start3A_31 : memref<1024xi32, #tpu.memory_space<hbm>>) target(%arg11 : memref<1024xi32, #tpu.memory_space<vmem>>) target_semaphore(%arg21 : memref<!tpu.dma_semaphore, #tpu.memory_space<semaphore_mem>>)
      %sub3A = arith.constant 0 : i32
      %sub3A_32 = arith.subi %select_n3A, %sub3A : i32
      %sub3A_33 = arith.constant 1 : i32
      %sub3A_34 = arith.constant 1 : i32
      %sub3A_35 = arith.subi %sub3A_33, %sub3A_34 : i32
      %add3A = arith.addi %sub3A_32, %sub3A_35 : i32
      %div3A = arith.constant 1 : i32
      %div3A_36 = arith.divsi %add3A, %div3A : i32
      %while3A = arith.constant 1 : i32
      %while3A_37 = arith.constant 0 : i32
      %while3A_38 = arith.constant 0 : i32
      %while3A_39 = arith.subi %div3A_36, %while3A_38 : i32
      %while3A_40 = arith.addi %while3A_38, %while3A_39 : i32
      %while3A_41 = arith.constant 1 : i32
      %while3A_42 = arith.divsi %while3A_39, %while3A_41 : i32
      %while3A_43 = arith.muli %while3A_42, %while3A_41 : i32
      %while3A_44 = arith.addi %while3A_38, %while3A_43 : i32
      %while3A_45 = arith.constant 1 : i32
      scf.for %while3A_58 = %while3A_38 to %while3A_44 step %while3A_45  : i32 {
        %mul3A_59 = arith.muli %while3A_58, %while3A : i32
        %add3A_60 = arith.addi %while3A_37, %mul3A_59 : i32
        %rem3A = arith.constant 2 : i32
        %rem3A_61 = arith.remsi %add3A_60, %rem3A : i32
        %eq3A_62 = arith.constant 0 : i32
        %eq3A_63 = arith.cmpi eq, %rem3A_61, %eq3A_62 : i32
        %add3A_64 = arith.constant 1 : i32
        %add3A_65 = arith.addi %add3A_60, %add3A_64 : i32
        %mul3A_66 = arith.constant 1024 : i32
        %mul3A_67 = arith.muli %add3A_65, %mul3A_66 : i32
        %add3A_68 = arith.addi %mul3A_13, %mul3A_67 : i32
        %add3A_69 = arith.constant 1 : i32
        %add3A_70 = arith.addi %add3A_60, %add3A_69 : i32
        %lt3A_71 = arith.cmpi slt, %add3A_70, %select_n3A : i32
        %convert_element_type3A_72 = arith.extui %lt3A_71 : i1 to i32
        %cond3A_73 = arith.constant 0 : i32
        %cond3A_74 = arith.cmpi ne, %convert_element_type3A_72, %cond3A_73 : i32
        scf.if %cond3A_74 {
          %convert_element_type3A_91 = arith.extui %eq3A_63 : i1 to i32
          %cond3A_92 = arith.constant 0 : i32
          %cond3A_93 = arith.cmpi ne, %convert_element_type3A_91, %cond3A_92 : i32
          scf.if %cond3A_93 {
            %dma_start3A_99 = arith.constant 0 : i32
            %dma_start3A_100 = tpu.memref_slice %arg3[%dma_start3A_99, %add3A_68] : memref<2x1600000xi32, #tpu.memory_space<hbm>> -> memref<1x1024xi32, #tpu.memory_space<hbm>>
            %dma_start3A_101 = tpu.memref_squeeze %dma_start3A_100 : memref<1x1024xi32, #tpu.memory_space<hbm>> -> memref<1024xi32, #tpu.memory_space<hbm>>
            %dma_start3A_102 = tpu.memref_slice %arg3[%dma_start3A_99, %add3A_68] : memref<2x1600000xi32, #tpu.memory_space<hbm>> -> memref<1x1024xi32, #tpu.memory_space<hbm>>
            %dma_start3A_103 = tpu.memref_squeeze %dma_start3A_102 : memref<1x1024xi32, #tpu.memory_space<hbm>> -> memref<1024xi32, #tpu.memory_space<hbm>>
            tpu.enqueue_dma source(%dma_start3A_103 : memref<1024xi32, #tpu.memory_space<hbm>>) target(%arg12 : memref<1024xi32, #tpu.memory_space<vmem>>) target_semaphore(%arg21 : memref<!tpu.dma_semaphore, #tpu.memory_space<semaphore_mem>>)
            %dma_start3A_104 = arith.constant 1 : i32
            %dma_start3A_105 = tpu.memref_slice %arg3[%dma_start3A_104, %add3A_68] : memref<2x1600000xi32, #tpu.memory_space<hbm>> -> memref<1x1024xi32, #tpu.memory_space<hbm>>
            %dma_start3A_106 = tpu.memref_squeeze %dma_start3A_105 : memref<1x1024xi32, #tpu.memory_space<hbm>> -> memref<1024xi32, #tpu.memory_space<hbm>>
            %dma_start3A_107 = tpu.memref_slice %arg3[%dma_start3A_104, %add3A_68] : memref<2x1600000xi32, #tpu.memory_space<hbm>> -> memref<1x1024xi32, #tpu.memory_space<hbm>>
            %dma_start3A_108 = tpu.memref_squeeze %dma_start3A_107 : memref<1x1024xi32, #tpu.memory_space<hbm>> -> memref<1024xi32, #tpu.memory_space<hbm>>
            tpu.enqueue_dma source(%dma_start3A_108 : memref<1024xi32, #tpu.memory_space<hbm>>) target(%arg13 : memref<1024xi32, #tpu.memory_space<vmem>>) target_semaphore(%arg21 : memref<!tpu.dma_semaphore, #tpu.memory_space<semaphore_mem>>)
          } else {
          }
          %not3A_94 = arith.constant true
          %not3A_95 = arith.xori %eq3A_63, %not3A_94 : i1
          %convert_element_type3A_96 = arith.extui %not3A_95 : i1 to i32
          %cond3A_97 = arith.constant 0 : i32
          %cond3A_98 = arith.cmpi ne, %convert_element_type3A_96, %cond3A_97 : i32
          scf.if %cond3A_98 {
            %dma_start3A_99 = arith.constant 0 : i32
            %dma_start3A_100 = tpu.memref_slice %arg3[%dma_start3A_99, %add3A_68] : memref<2x1600000xi32, #tpu.memory_space<hbm>> -> memref<1x1024xi32, #tpu.memory_space<hbm>>
            %dma_start3A_101 = tpu.memref_squeeze %dma_start3A_100 : memref<1x1024xi32, #tpu.memory_space<hbm>> -> memref<1024xi32, #tpu.memory_space<hbm>>
            %dma_start3A_102 = tpu.memref_slice %arg3[%dma_start3A_99, %add3A_68] : memref<2x1600000xi32, #tpu.memory_space<hbm>> -> memref<1x1024xi32, #tpu.memory_space<hbm>>
            %dma_start3A_103 = tpu.memref_squeeze %dma_start3A_102 : memref<1x1024xi32, #tpu.memory_space<hbm>> -> memref<1024xi32, #tpu.memory_space<hbm>>
            tpu.enqueue_dma source(%dma_start3A_103 : memref<1024xi32, #tpu.memory_space<hbm>>) target(%arg10 : memref<1024xi32, #tpu.memory_space<vmem>>) target_semaphore(%arg21 : memref<!tpu.dma_semaphore, #tpu.memory_space<semaphore_mem>>)
            %dma_start3A_104 = arith.constant 1 : i32
            %dma_start3A_105 = tpu.memref_slice %arg3[%dma_start3A_104, %add3A_68] : memref<2x1600000xi32, #tpu.memory_space<hbm>> -> memref<1x1024xi32, #tpu.memory_space<hbm>>
            %dma_start3A_106 = tpu.memref_squeeze %dma_start3A_105 : memref<1x1024xi32, #tpu.memory_space<hbm>> -> memref<1024xi32, #tpu.memory_space<hbm>>
            %dma_start3A_107 = tpu.memref_slice %arg3[%dma_start3A_104, %add3A_68] : memref<2x1600000xi32, #tpu.memory_space<hbm>> -> memref<1x1024xi32, #tpu.memory_space<hbm>>
            %dma_start3A_108 = tpu.memref_squeeze %dma_start3A_107 : memref<1x1024xi32, #tpu.memory_space<hbm>> -> memref<1024xi32, #tpu.memory_space<hbm>>
            tpu.enqueue_dma source(%dma_start3A_108 : memref<1024xi32, #tpu.memory_space<hbm>>) target(%arg11 : memref<1024xi32, #tpu.memory_space<vmem>>) target_semaphore(%arg21 : memref<!tpu.dma_semaphore, #tpu.memory_space<semaphore_mem>>)
          } else {
          }
        } else {
        }
        %dma_wait3A = arith.constant 0 : i32
        %dma_wait3A_75 = tpu.memref_slice %arg3[%dma_wait3A, %mul3A_13] : memref<2x1600000xi32, #tpu.memory_space<hbm>> -> memref<1x1024xi32, #tpu.memory_space<hbm>>
        %dma_wait3A_76 = tpu.memref_squeeze %dma_wait3A_75 : memref<1x1024xi32, #tpu.memory_space<hbm>> -> memref<1024xi32, #tpu.memory_space<hbm>>
        %dma_wait3A_77 = tpu.memref_slice %arg3[%dma_wait3A, %mul3A_13] : memref<2x1600000xi32, #tpu.memory_space<hbm>> -> memref<1x1024xi32, #tpu.memory_space<hbm>>
        %dma_wait3A_78 = tpu.memref_squeeze %dma_wait3A_77 : memref<1x1024xi32, #tpu.memory_space<hbm>> -> memref<1024xi32, #tpu.memory_space<hbm>>
        tpu.wait_dma2 semaphore(%arg21 : memref<!tpu.dma_semaphore, #tpu.memory_space<semaphore_mem>>) src(%dma_wait3A_78 : memref<1024xi32, #tpu.memory_space<hbm>>) dst(%arg10 : memref<1024xi32, #tpu.memory_space<vmem>>)
        %dma_wait3A_79 = arith.constant 1 : i32
        %dma_wait3A_80 = tpu.memref_slice %arg3[%dma_wait3A_79, %mul3A_13] : memref<2x1600000xi32, #tpu.memory_space<hbm>> -> memref<1x1024xi32, #tpu.memory_space<hbm>>
        %dma_wait3A_81 = tpu.memref_squeeze %dma_wait3A_80 : memref<1x1024xi32, #tpu.memory_space<hbm>> -> memref<1024xi32, #tpu.memory_space<hbm>>
        %dma_wait3A_82 = tpu.memref_slice %arg3[%dma_wait3A_79, %mul3A_13] : memref<2x1600000xi32, #tpu.memory_space<hbm>> -> memref<1x1024xi32, #tpu.memory_space<hbm>>
        %dma_wait3A_83 = tpu.memref_squeeze %dma_wait3A_82 : memref<1x1024xi32, #tpu.memory_space<hbm>> -> memref<1024xi32, #tpu.memory_space<hbm>>
        tpu.wait_dma2 semaphore(%arg21 : memref<!tpu.dma_semaphore, #tpu.memory_space<semaphore_mem>>) src(%dma_wait3A_83 : memref<1024xi32, #tpu.memory_space<hbm>>) dst(%arg11 : memref<1024xi32, #tpu.memory_space<vmem>>)
        %convert_element_type3A_84 = arith.extui %eq3A_63 : i1 to i32
        %cond3A_85 = arith.constant 0 : i32
        %cond3A_86 = arith.cmpi ne, %convert_element_type3A_84, %cond3A_85 : i32
        scf.if %cond3A_86 {
          %dma_start3A_91 = arith.constant 0 : i32
          %dma_start3A_92 = tpu.memref_slice %arg18[%dma_start3A_91] : memref<100352xf32, #tpu.memory_space<vmem_shared>> -> memref<100352xf32, #tpu.memory_space<vmem_shared>>
          tpu.enqueue_indirect_dma source(%dma_start3A_92 : memref<100352xf32, #tpu.memory_space<vmem_shared>>) target(%arg14 : memref<1024xf32, #tpu.memory_space<vmem>>) offsets(%arg10 : memref<1024xi32, #tpu.memory_space<vmem>>) semaphore(%arg20 : memref<!tpu.dma_semaphore, #tpu.memory_space<semaphore_mem>>)
          %dma_wait3A_93 = arith.constant 0 : i32
          %dma_wait3A_94 = tpu.memref_slice %arg18[%dma_wait3A_93] : memref<100352xf32, #tpu.memory_space<vmem_shared>> -> memref<100352xf32, #tpu.memory_space<vmem_shared>>
          tpu.wait_indirect_dma semaphore(%arg20 : memref<!tpu.dma_semaphore, #tpu.memory_space<semaphore_mem>>) src(%dma_wait3A_94 : memref<100352xf32, #tpu.memory_space<vmem_shared>>) dst(%arg14 : memref<1024xf32, #tpu.memory_space<vmem>>)
          %dma_start3A_95 = arith.constant 0 : i32
          %dma_start3A_96 = tpu.memref_slice %arg19[%dma_start3A_95] : memref<100352xf32, #tpu.memory_space<vmem_shared>> -> memref<100352xf32, #tpu.memory_space<vmem_shared>>
          tpu.enqueue_indirect_dma source(%arg14 : memref<1024xf32, #tpu.memory_space<vmem>>) target(%dma_start3A_96 : memref<100352xf32, #tpu.memory_space<vmem_shared>>) offsets(%arg11 : memref<1024xi32, #tpu.memory_space<vmem>>) semaphore(%arg20 : memref<!tpu.dma_semaphore, #tpu.memory_space<semaphore_mem>>) {add = true}
          %dma_wait3A_97 = arith.constant 0 : i32
          %dma_wait3A_98 = tpu.memref_slice %arg19[%dma_wait3A_97] : memref<100352xf32, #tpu.memory_space<vmem_shared>> -> memref<100352xf32, #tpu.memory_space<vmem_shared>>
          tpu.wait_indirect_dma semaphore(%arg20 : memref<!tpu.dma_semaphore, #tpu.memory_space<semaphore_mem>>) src(%arg14 : memref<1024xf32, #tpu.memory_space<vmem>>) dst(%dma_wait3A_98 : memref<100352xf32, #tpu.memory_space<vmem_shared>>)
        } else {
        }
        %not3A = arith.constant true
        %not3A_87 = arith.xori %eq3A_63, %not3A : i1
        %convert_element_type3A_88 = arith.extui %not3A_87 : i1 to i32
        %cond3A_89 = arith.constant 0 : i32
        %cond3A_90 = arith.cmpi ne, %convert_element_type3A_88, %cond3A_89 : i32
        scf.if %cond3A_90 {
          %dma_start3A_91 = arith.constant 0 : i32
          %dma_start3A_92 = tpu.memref_slice %arg18[%dma_start3A_91] : memref<100352xf32, #tpu.memory_space<vmem_shared>> -> memref<100352xf32, #tpu.memory_space<vmem_shared>>
          tpu.enqueue_indirect_dma source(%dma_start3A_92 : memref<100352xf32, #tpu.memory_space<vmem_shared>>) target(%arg14 : memref<1024xf32, #tpu.memory_space<vmem>>) offsets(%arg12 : memref<1024xi32, #tpu.memory_space<vmem>>) semaphore(%arg20 : memref<!tpu.dma_semaphore, #tpu.memory_space<semaphore_mem>>)
          %dma_wait3A_93 = arith.constant 0 : i32
          %dma_wait3A_94 = tpu.memref_slice %arg18[%dma_wait3A_93] : memref<100352xf32, #tpu.memory_space<vmem_shared>> -> memref<100352xf32, #tpu.memory_space<vmem_shared>>
          tpu.wait_indirect_dma semaphore(%arg20 : memref<!tpu.dma_semaphore, #tpu.memory_space<semaphore_mem>>) src(%dma_wait3A_94 : memref<100352xf32, #tpu.memory_space<vmem_shared>>) dst(%arg14 : memref<1024xf32, #tpu.memory_space<vmem>>)
          %dma_start3A_95 = arith.constant 0 : i32
          %dma_start3A_96 = tpu.memref_slice %arg19[%dma_start3A_95] : memref<100352xf32, #tpu.memory_space<vmem_shared>> -> memref<100352xf32, #tpu.memory_space<vmem_shared>>
          tpu.enqueue_indirect_dma source(%arg14 : memref<1024xf32, #tpu.memory_space<vmem>>) target(%dma_start3A_96 : memref<100352xf32, #tpu.memory_space<vmem_shared>>) offsets(%arg13 : memref<1024xi32, #tpu.memory_space<vmem>>) semaphore(%arg20 : memref<!tpu.dma_semaphore, #tpu.memory_space<semaphore_mem>>) {add = true}
          %dma_wait3A_97 = arith.constant 0 : i32
          %dma_wait3A_98 = tpu.memref_slice %arg19[%dma_wait3A_97] : memref<100352xf32, #tpu.memory_space<vmem_shared>> -> memref<100352xf32, #tpu.memory_space<vmem_shared>>
          tpu.wait_indirect_dma semaphore(%arg20 : memref<!tpu.dma_semaphore, #tpu.memory_space<semaphore_mem>>) src(%arg14 : memref<1024xf32, #tpu.memory_space<vmem>>) dst(%dma_wait3A_98 : memref<100352xf32, #tpu.memory_space<vmem_shared>>)
        } else {
        }
      }
      %while3A_46 = arith.constant 1 : i32
      scf.for %while3A_58 = %while3A_44 to %while3A_40 step %while3A_46  : i32 {
        %mul3A_59 = arith.muli %while3A_58, %while3A : i32
        %add3A_60 = arith.addi %while3A_37, %mul3A_59 : i32
        %rem3A = arith.constant 2 : i32
        %rem3A_61 = arith.remsi %add3A_60, %rem3A : i32
        %eq3A_62 = arith.constant 0 : i32
        %eq3A_63 = arith.cmpi eq, %rem3A_61, %eq3A_62 : i32
        %add3A_64 = arith.constant 1 : i32
        %add3A_65 = arith.addi %add3A_60, %add3A_64 : i32
        %mul3A_66 = arith.constant 1024 : i32
        %mul3A_67 = arith.muli %add3A_65, %mul3A_66 : i32
        %add3A_68 = arith.addi %mul3A_13, %mul3A_67 : i32
        %add3A_69 = arith.constant 1 : i32
        %add3A_70 = arith.addi %add3A_60, %add3A_69 : i32
        %lt3A_71 = arith.cmpi slt, %add3A_70, %select_n3A : i32
        %convert_element_type3A_72 = arith.extui %lt3A_71 : i1 to i32
        %cond3A_73 = arith.constant 0 : i32
        %cond3A_74 = arith.cmpi ne, %convert_element_type3A_72, %cond3A_73 : i32
        scf.if %cond3A_74 {
          %convert_element_type3A_91 = arith.extui %eq3A_63 : i1 to i32
          %cond3A_92 = arith.constant 0 : i32
          %cond3A_93 = arith.cmpi ne, %convert_element_type3A_91, %cond3A_92 : i32
          scf.if %cond3A_93 {
            %dma_start3A_99 = arith.constant 0 : i32
            %dma_start3A_100 = tpu.memref_slice %arg3[%dma_start3A_99, %add3A_68] : memref<2x1600000xi32, #tpu.memory_space<hbm>> -> memref<1x1024xi32, #tpu.memory_space<hbm>>
            %dma_start3A_101 = tpu.memref_squeeze %dma_start3A_100 : memref<1x1024xi32, #tpu.memory_space<hbm>> -> memref<1024xi32, #tpu.memory_space<hbm>>
            %dma_start3A_102 = tpu.memref_slice %arg3[%dma_start3A_99, %add3A_68] : memref<2x1600000xi32, #tpu.memory_space<hbm>> -> memref<1x1024xi32, #tpu.memory_space<hbm>>
            %dma_start3A_103 = tpu.memref_squeeze %dma_start3A_102 : memref<1x1024xi32, #tpu.memory_space<hbm>> -> memref<1024xi32, #tpu.memory_space<hbm>>
            tpu.enqueue_dma source(%dma_start3A_103 : memref<1024xi32, #tpu.memory_space<hbm>>) target(%arg12 : memref<1024xi32, #tpu.memory_space<vmem>>) target_semaphore(%arg21 : memref<!tpu.dma_semaphore, #tpu.memory_space<semaphore_mem>>)
            %dma_start3A_104 = arith.constant 1 : i32
            %dma_start3A_105 = tpu.memref_slice %arg3[%dma_start3A_104, %add3A_68] : memref<2x1600000xi32, #tpu.memory_space<hbm>> -> memref<1x1024xi32, #tpu.memory_space<hbm>>
            %dma_start3A_106 = tpu.memref_squeeze %dma_start3A_105 : memref<1x1024xi32, #tpu.memory_space<hbm>> -> memref<1024xi32, #tpu.memory_space<hbm>>
            %dma_start3A_107 = tpu.memref_slice %arg3[%dma_start3A_104, %add3A_68] : memref<2x1600000xi32, #tpu.memory_space<hbm>> -> memref<1x1024xi32, #tpu.memory_space<hbm>>
            %dma_start3A_108 = tpu.memref_squeeze %dma_start3A_107 : memref<1x1024xi32, #tpu.memory_space<hbm>> -> memref<1024xi32, #tpu.memory_space<hbm>>
            tpu.enqueue_dma source(%dma_start3A_108 : memref<1024xi32, #tpu.memory_space<hbm>>) target(%arg13 : memref<1024xi32, #tpu.memory_space<vmem>>) target_semaphore(%arg21 : memref<!tpu.dma_semaphore, #tpu.memory_space<semaphore_mem>>)
          } else {
          }
          %not3A_94 = arith.constant true
          %not3A_95 = arith.xori %eq3A_63, %not3A_94 : i1
          %convert_element_type3A_96 = arith.extui %not3A_95 : i1 to i32
          %cond3A_97 = arith.constant 0 : i32
          %cond3A_98 = arith.cmpi ne, %convert_element_type3A_96, %cond3A_97 : i32
          scf.if %cond3A_98 {
            %dma_start3A_99 = arith.constant 0 : i32
            %dma_start3A_100 = tpu.memref_slice %arg3[%dma_start3A_99, %add3A_68] : memref<2x1600000xi32, #tpu.memory_space<hbm>> -> memref<1x1024xi32, #tpu.memory_space<hbm>>
            %dma_start3A_101 = tpu.memref_squeeze %dma_start3A_100 : memref<1x1024xi32, #tpu.memory_space<hbm>> -> memref<1024xi32, #tpu.memory_space<hbm>>
            %dma_start3A_102 = tpu.memref_slice %arg3[%dma_start3A_99, %add3A_68] : memref<2x1600000xi32, #tpu.memory_space<hbm>> -> memref<1x1024xi32, #tpu.memory_space<hbm>>
            %dma_start3A_103 = tpu.memref_squeeze %dma_start3A_102 : memref<1x1024xi32, #tpu.memory_space<hbm>> -> memref<1024xi32, #tpu.memory_space<hbm>>
            tpu.enqueue_dma source(%dma_start3A_103 : memref<1024xi32, #tpu.memory_space<hbm>>) target(%arg10 : memref<1024xi32, #tpu.memory_space<vmem>>) target_semaphore(%arg21 : memref<!tpu.dma_semaphore, #tpu.memory_space<semaphore_mem>>)
            %dma_start3A_104 = arith.constant 1 : i32
            %dma_start3A_105 = tpu.memref_slice %arg3[%dma_start3A_104, %add3A_68] : memref<2x1600000xi32, #tpu.memory_space<hbm>> -> memref<1x1024xi32, #tpu.memory_space<hbm>>
            %dma_start3A_106 = tpu.memref_squeeze %dma_start3A_105 : memref<1x1024xi32, #tpu.memory_space<hbm>> -> memref<1024xi32, #tpu.memory_space<hbm>>
            %dma_start3A_107 = tpu.memref_slice %arg3[%dma_start3A_104, %add3A_68] : memref<2x1600000xi32, #tpu.memory_space<hbm>> -> memref<1x1024xi32, #tpu.memory_space<hbm>>
            %dma_start3A_108 = tpu.memref_squeeze %dma_start3A_107 : memref<1x1024xi32, #tpu.memory_space<hbm>> -> memref<1024xi32, #tpu.memory_space<hbm>>
            tpu.enqueue_dma source(%dma_start3A_108 : memref<1024xi32, #tpu.memory_space<hbm>>) target(%arg11 : memref<1024xi32, #tpu.memory_space<vmem>>) target_semaphore(%arg21 : memref<!tpu.dma_semaphore, #tpu.memory_space<semaphore_mem>>)
          } else {
          }
        } else {
        }
        %dma_wait3A = arith.constant 0 : i32
        %dma_wait3A_75 = tpu.memref_slice %arg3[%dma_wait3A, %mul3A_13] : memref<2x1600000xi32, #tpu.memory_space<hbm>> -> memref<1x1024xi32, #tpu.memory_space<hbm>>
        %dma_wait3A_76 = tpu.memref_squeeze %dma_wait3A_75 : memref<1x1024xi32, #tpu.memory_space<hbm>> -> memref<1024xi32, #tpu.memory_space<hbm>>
        %dma_wait3A_77 = tpu.memref_slice %arg3[%dma_wait3A, %mul3A_13] : memref<2x1600000xi32, #tpu.memory_space<hbm>> -> memref<1x1024xi32, #tpu.memory_space<hbm>>
        %dma_wait3A_78 = tpu.memref_squeeze %dma_wait3A_77 : memref<1x1024xi32, #tpu.memory_space<hbm>> -> memref<1024xi32, #tpu.memory_space<hbm>>
        tpu.wait_dma2 semaphore(%arg21 : memref<!tpu.dma_semaphore, #tpu.memory_space<semaphore_mem>>) src(%dma_wait3A_78 : memref<1024xi32, #tpu.memory_space<hbm>>) dst(%arg10 : memref<1024xi32, #tpu.memory_space<vmem>>)
        %dma_wait3A_79 = arith.constant 1 : i32
        %dma_wait3A_80 = tpu.memref_slice %arg3[%dma_wait3A_79, %mul3A_13] : memref<2x1600000xi32, #tpu.memory_space<hbm>> -> memref<1x1024xi32, #tpu.memory_space<hbm>>
        %dma_wait3A_81 = tpu.memref_squeeze %dma_wait3A_80 : memref<1x1024xi32, #tpu.memory_space<hbm>> -> memref<1024xi32, #tpu.memory_space<hbm>>
        %dma_wait3A_82 = tpu.memref_slice %arg3[%dma_wait3A_79, %mul3A_13] : memref<2x1600000xi32, #tpu.memory_space<hbm>> -> memref<1x1024xi32, #tpu.memory_space<hbm>>
        %dma_wait3A_83 = tpu.memref_squeeze %dma_wait3A_82 : memref<1x1024xi32, #tpu.memory_space<hbm>> -> memref<1024xi32, #tpu.memory_space<hbm>>
        tpu.wait_dma2 semaphore(%arg21 : memref<!tpu.dma_semaphore, #tpu.memory_space<semaphore_mem>>) src(%dma_wait3A_83 : memref<1024xi32, #tpu.memory_space<hbm>>) dst(%arg11 : memref<1024xi32, #tpu.memory_space<vmem>>)
        %convert_element_type3A_84 = arith.extui %eq3A_63 : i1 to i32
        %cond3A_85 = arith.constant 0 : i32
        %cond3A_86 = arith.cmpi ne, %convert_element_type3A_84, %cond3A_85 : i32
        scf.if %cond3A_86 {
          %dma_start3A_91 = arith.constant 0 : i32
          %dma_start3A_92 = tpu.memref_slice %arg18[%dma_start3A_91] : memref<100352xf32, #tpu.memory_space<vmem_shared>> -> memref<100352xf32, #tpu.memory_space<vmem_shared>>
          tpu.enqueue_indirect_dma source(%dma_start3A_92 : memref<100352xf32, #tpu.memory_space<vmem_shared>>) target(%arg14 : memref<1024xf32, #tpu.memory_space<vmem>>) offsets(%arg10 : memref<1024xi32, #tpu.memory_space<vmem>>) semaphore(%arg20 : memref<!tpu.dma_semaphore, #tpu.memory_space<semaphore_mem>>)
          %dma_wait3A_93 = arith.constant 0 : i32
          %dma_wait3A_94 = tpu.memref_slice %arg18[%dma_wait3A_93] : memref<100352xf32, #tpu.memory_space<vmem_shared>> -> memref<100352xf32, #tpu.memory_space<vmem_shared>>
          tpu.wait_indirect_dma semaphore(%arg20 : memref<!tpu.dma_semaphore, #tpu.memory_space<semaphore_mem>>) src(%dma_wait3A_94 : memref<100352xf32, #tpu.memory_space<vmem_shared>>) dst(%arg14 : memref<1024xf32, #tpu.memory_space<vmem>>)
          %dma_start3A_95 = arith.constant 0 : i32
          %dma_start3A_96 = tpu.memref_slice %arg19[%dma_start3A_95] : memref<100352xf32, #tpu.memory_space<vmem_shared>> -> memref<100352xf32, #tpu.memory_space<vmem_shared>>
          tpu.enqueue_indirect_dma source(%arg14 : memref<1024xf32, #tpu.memory_space<vmem>>) target(%dma_start3A_96 : memref<100352xf32, #tpu.memory_space<vmem_shared>>) offsets(%arg11 : memref<1024xi32, #tpu.memory_space<vmem>>) semaphore(%arg20 : memref<!tpu.dma_semaphore, #tpu.memory_space<semaphore_mem>>) {add = true}
          %dma_wait3A_97 = arith.constant 0 : i32
          %dma_wait3A_98 = tpu.memref_slice %arg19[%dma_wait3A_97] : memref<100352xf32, #tpu.memory_space<vmem_shared>> -> memref<100352xf32, #tpu.memory_space<vmem_shared>>
          tpu.wait_indirect_dma semaphore(%arg20 : memref<!tpu.dma_semaphore, #tpu.memory_space<semaphore_mem>>) src(%arg14 : memref<1024xf32, #tpu.memory_space<vmem>>) dst(%dma_wait3A_98 : memref<100352xf32, #tpu.memory_space<vmem_shared>>)
        } else {
        }
        %not3A = arith.constant true
        %not3A_87 = arith.xori %eq3A_63, %not3A : i1
        %convert_element_type3A_88 = arith.extui %not3A_87 : i1 to i32
        %cond3A_89 = arith.constant 0 : i32
        %cond3A_90 = arith.cmpi ne, %convert_element_type3A_88, %cond3A_89 : i32
        scf.if %cond3A_90 {
          %dma_start3A_91 = arith.constant 0 : i32
          %dma_start3A_92 = tpu.memref_slice %arg18[%dma_start3A_91] : memref<100352xf32, #tpu.memory_space<vmem_shared>> -> memref<100352xf32, #tpu.memory_space<vmem_shared>>
          tpu.enqueue_indirect_dma source(%dma_start3A_92 : memref<100352xf32, #tpu.memory_space<vmem_shared>>) target(%arg14 : memref<1024xf32, #tpu.memory_space<vmem>>) offsets(%arg12 : memref<1024xi32, #tpu.memory_space<vmem>>) semaphore(%arg20 : memref<!tpu.dma_semaphore, #tpu.memory_space<semaphore_mem>>)
          %dma_wait3A_93 = arith.constant 0 : i32
          %dma_wait3A_94 = tpu.memref_slice %arg18[%dma_wait3A_93] : memref<100352xf32, #tpu.memory_space<vmem_shared>> -> memref<100352xf32, #tpu.memory_space<vmem_shared>>
          tpu.wait_indirect_dma semaphore(%arg20 : memref<!tpu.dma_semaphore, #tpu.memory_space<semaphore_mem>>) src(%dma_wait3A_94 : memref<100352xf32, #tpu.memory_space<vmem_shared>>) dst(%arg14 : memref<1024xf32, #tpu.memory_space<vmem>>)
          %dma_start3A_95 = arith.constant 0 : i32
          %dma_start3A_96 = tpu.memref_slice %arg19[%dma_start3A_95] : memref<100352xf32, #tpu.memory_space<vmem_shared>> -> memref<100352xf32, #tpu.memory_space<vmem_shared>>
          tpu.enqueue_indirect_dma source(%arg14 : memref<1024xf32, #tpu.memory_space<vmem>>) target(%dma_start3A_96 : memref<100352xf32, #tpu.memory_space<vmem_shared>>) offsets(%arg13 : memref<1024xi32, #tpu.memory_space<vmem>>) semaphore(%arg20 : memref<!tpu.dma_semaphore, #tpu.memory_space<semaphore_mem>>) {add = true}
          %dma_wait3A_97 = arith.constant 0 : i32
          %dma_wait3A_98 = tpu.memref_slice %arg19[%dma_wait3A_97] : memref<100352xf32, #tpu.memory_space<vmem_shared>> -> memref<100352xf32, #tpu.memory_space<vmem_shared>>
          tpu.wait_indirect_dma semaphore(%arg20 : memref<!tpu.dma_semaphore, #tpu.memory_space<semaphore_mem>>) src(%arg14 : memref<1024xf32, #tpu.memory_space<vmem>>) dst(%dma_wait3A_98 : memref<100352xf32, #tpu.memory_space<vmem_shared>>)
        } else {
        }
      }
      %eq3A_47 = arith.constant 15 : i32
      %eq3A_48 = arith.cmpi eq, %arg1, %eq3A_47 : i32
      %convert_element_type3A_49 = arith.extui %eq3A_48 : i1 to i32
      %cond3A_50 = arith.constant 0 : i32
      %cond3A_51 = arith.cmpi ne, %convert_element_type3A_49, %cond3A_50 : i32
      scf.if %cond3A_51 {
        %run_scoped3A = arith.constant 0 : i32
        "tpu.region"() ({
          %run_scoped3A_82 = tpu.sem_alloc : memref<!tpu.dma_semaphore, #tpu.memory_space<semaphore_mem>>
          %dma_start3A_83 = arith.constant 0 : i32
          %dma_start3A_84 = tpu.memref_slice %arg10[%dma_start3A_83] : memref<1024xi32, #tpu.memory_space<vmem>> -> memref<512xi32, #tpu.memory_space<vmem>>
          %dma_start3A_85 = arith.constant 1599488 : i32
          %dma_start3A_86 = tpu.memref_slice %arg3[%run_scoped3A, %dma_start3A_85] : memref<2x1600000xi32, #tpu.memory_space<hbm>> -> memref<1x512xi32, #tpu.memory_space<hbm>>
          %dma_start3A_87 = tpu.memref_squeeze %dma_start3A_86 : memref<1x512xi32, #tpu.memory_space<hbm>> -> memref<512xi32, #tpu.memory_space<hbm>>
          %dma_start3A_88 = arith.constant 0 : i32
          %dma_start3A_89 = tpu.memref_slice %arg10[%dma_start3A_88] : memref<1024xi32, #tpu.memory_space<vmem>> -> memref<512xi32, #tpu.memory_space<vmem>>
          %dma_start3A_90 = arith.constant 1599488 : i32
          %dma_start3A_91 = tpu.memref_slice %arg3[%run_scoped3A, %dma_start3A_90] : memref<2x1600000xi32, #tpu.memory_space<hbm>> -> memref<1x512xi32, #tpu.memory_space<hbm>>
          %dma_start3A_92 = tpu.memref_squeeze %dma_start3A_91 : memref<1x512xi32, #tpu.memory_space<hbm>> -> memref<512xi32, #tpu.memory_space<hbm>>
          tpu.enqueue_dma source(%dma_start3A_92 : memref<512xi32, #tpu.memory_space<hbm>>) target(%dma_start3A_89 : memref<512xi32, #tpu.memory_space<vmem>>) target_semaphore(%run_scoped3A_82 : memref<!tpu.dma_semaphore, #tpu.memory_space<semaphore_mem>>)
          %dma_wait3A_93 = arith.constant 0 : i32
          %dma_wait3A_94 = tpu.memref_slice %arg10[%dma_wait3A_93] : memref<1024xi32, #tpu.memory_space<vmem>> -> memref<512xi32, #tpu.memory_space<vmem>>
          %dma_wait3A_95 = arith.constant 1599488 : i32
          %dma_wait3A_96 = tpu.memref_slice %arg3[%run_scoped3A, %dma_wait3A_95] : memref<2x1600000xi32, #tpu.memory_space<hbm>> -> memref<1x512xi32, #tpu.memory_space<hbm>>
          %dma_wait3A_97 = tpu.memref_squeeze %dma_wait3A_96 : memref<1x512xi32, #tpu.memory_space<hbm>> -> memref<512xi32, #tpu.memory_space<hbm>>
          %dma_wait3A_98 = arith.constant 0 : i32
          %dma_wait3A_99 = tpu.memref_slice %arg10[%dma_wait3A_98] : memref<1024xi32, #tpu.memory_space<vmem>> -> memref<512xi32, #tpu.memory_space<vmem>>
          %dma_wait3A_100 = arith.constant 1599488 : i32
          %dma_wait3A_101 = tpu.memref_slice %arg3[%run_scoped3A, %dma_wait3A_100] : memref<2x1600000xi32, #tpu.memory_space<hbm>> -> memref<1x512xi32, #tpu.memory_space<hbm>>
          %dma_wait3A_102 = tpu.memref_squeeze %dma_wait3A_101 : memref<1x512xi32, #tpu.memory_space<hbm>> -> memref<512xi32, #tpu.memory_space<hbm>>
          tpu.wait_dma2 semaphore(%run_scoped3A_82 : memref<!tpu.dma_semaphore, #tpu.memory_space<semaphore_mem>>) src(%dma_wait3A_102 : memref<512xi32, #tpu.memory_space<hbm>>) dst(%dma_wait3A_99 : memref<512xi32, #tpu.memory_space<vmem>>)
          tpu.yield
        }) : () -> ()
        %run_scoped3A_58 = arith.constant 1 : i32
        "tpu.region"() ({
          %run_scoped3A_82 = tpu.sem_alloc : memref<!tpu.dma_semaphore, #tpu.memory_space<semaphore_mem>>
          %dma_start3A_83 = arith.constant 0 : i32
          %dma_start3A_84 = tpu.memref_slice %arg11[%dma_start3A_83] : memref<1024xi32, #tpu.memory_space<vmem>> -> memref<512xi32, #tpu.memory_space<vmem>>
          %dma_start3A_85 = arith.constant 1599488 : i32
          %dma_start3A_86 = tpu.memref_slice %arg3[%run_scoped3A_58, %dma_start3A_85] : memref<2x1600000xi32, #tpu.memory_space<hbm>> -> memref<1x512xi32, #tpu.memory_space<hbm>>
          %dma_start3A_87 = tpu.memref_squeeze %dma_start3A_86 : memref<1x512xi32, #tpu.memory_space<hbm>> -> memref<512xi32, #tpu.memory_space<hbm>>
          %dma_start3A_88 = arith.constant 0 : i32
          %dma_start3A_89 = tpu.memref_slice %arg11[%dma_start3A_88] : memref<1024xi32, #tpu.memory_space<vmem>> -> memref<512xi32, #tpu.memory_space<vmem>>
          %dma_start3A_90 = arith.constant 1599488 : i32
          %dma_start3A_91 = tpu.memref_slice %arg3[%run_scoped3A_58, %dma_start3A_90] : memref<2x1600000xi32, #tpu.memory_space<hbm>> -> memref<1x512xi32, #tpu.memory_space<hbm>>
          %dma_start3A_92 = tpu.memref_squeeze %dma_start3A_91 : memref<1x512xi32, #tpu.memory_space<hbm>> -> memref<512xi32, #tpu.memory_space<hbm>>
          tpu.enqueue_dma source(%dma_start3A_92 : memref<512xi32, #tpu.memory_space<hbm>>) target(%dma_start3A_89 : memref<512xi32, #tpu.memory_space<vmem>>) target_semaphore(%run_scoped3A_82 : memref<!tpu.dma_semaphore, #tpu.memory_space<semaphore_mem>>)
          %dma_wait3A_93 = arith.constant 0 : i32
          %dma_wait3A_94 = tpu.memref_slice %arg11[%dma_wait3A_93] : memref<1024xi32, #tpu.memory_space<vmem>> -> memref<512xi32, #tpu.memory_space<vmem>>
          %dma_wait3A_95 = arith.constant 1599488 : i32
          %dma_wait3A_96 = tpu.memref_slice %arg3[%run_scoped3A_58, %dma_wait3A_95] : memref<2x1600000xi32, #tpu.memory_space<hbm>> -> memref<1x512xi32, #tpu.memory_space<hbm>>
          %dma_wait3A_97 = tpu.memref_squeeze %dma_wait3A_96 : memref<1x512xi32, #tpu.memory_space<hbm>> -> memref<512xi32, #tpu.memory_space<hbm>>
          %dma_wait3A_98 = arith.constant 0 : i32
          %dma_wait3A_99 = tpu.memref_slice %arg11[%dma_wait3A_98] : memref<1024xi32, #tpu.memory_space<vmem>> -> memref<512xi32, #tpu.memory_space<vmem>>
          %dma_wait3A_100 = arith.constant 1599488 : i32
          %dma_wait3A_101 = tpu.memref_slice %arg3[%run_scoped3A_58, %dma_wait3A_100] : memref<2x1600000xi32, #tpu.memory_space<hbm>> -> memref<1x512xi32, #tpu.memory_space<hbm>>
          %dma_wait3A_102 = tpu.memref_squeeze %dma_wait3A_101 : memref<1x512xi32, #tpu.memory_space<hbm>> -> memref<512xi32, #tpu.memory_space<hbm>>
          tpu.wait_dma2 semaphore(%run_scoped3A_82 : memref<!tpu.dma_semaphore, #tpu.memory_space<semaphore_mem>>) src(%dma_wait3A_102 : memref<512xi32, #tpu.memory_space<hbm>>) dst(%dma_wait3A_99 : memref<512xi32, #tpu.memory_space<vmem>>)
          tpu.yield
        }) : () -> ()
        %dma_start3A_59 = arith.constant 0 : i32
        %dma_start3A_60 = tpu.memref_slice %arg14[%dma_start3A_59] : memref<1024xf32, #tpu.memory_space<vmem>> -> memref<512xf32, #tpu.memory_space<vmem>>
        %dma_start3A_61 = arith.constant 0 : i32
        %dma_start3A_62 = tpu.memref_slice %arg10[%dma_start3A_61] : memref<1024xi32, #tpu.memory_space<vmem>> -> memref<512xi32, #tpu.memory_space<vmem>>
        %dma_start3A_63 = arith.constant 0 : i32
        %dma_start3A_64 = tpu.memref_slice %arg18[%dma_start3A_63] : memref<100352xf32, #tpu.memory_space<vmem_shared>> -> memref<100352xf32, #tpu.memory_space<vmem_shared>>
        tpu.enqueue_indirect_dma source(%dma_start3A_64 : memref<100352xf32, #tpu.memory_space<vmem_shared>>) target(%dma_start3A_60 : memref<512xf32, #tpu.memory_space<vmem>>) offsets(%dma_start3A_62 : memref<512xi32, #tpu.memory_space<vmem>>) semaphore(%arg20 : memref<!tpu.dma_semaphore, #tpu.memory_space<semaphore_mem>>)
        %dma_wait3A = arith.constant 0 : i32
        %dma_wait3A_65 = tpu.memref_slice %arg14[%dma_wait3A] : memref<1024xf32, #tpu.memory_space<vmem>> -> memref<512xf32, #tpu.memory_space<vmem>>
        %dma_wait3A_66 = arith.constant 0 : i32
        %dma_wait3A_67 = tpu.memref_slice %arg10[%dma_wait3A_66] : memref<1024xi32, #tpu.memory_space<vmem>> -> memref<512xi32, #tpu.memory_space<vmem>>
        %dma_wait3A_68 = arith.constant 0 : i32
        %dma_wait3A_69 = tpu.memref_slice %arg18[%dma_wait3A_68] : memref<100352xf32, #tpu.memory_space<vmem_shared>> -> memref<100352xf32, #tpu.memory_space<vmem_shared>>
        tpu.wait_indirect_dma semaphore(%arg20 : memref<!tpu.dma_semaphore, #tpu.memory_space<semaphore_mem>>) src(%dma_wait3A_69 : memref<100352xf32, #tpu.memory_space<vmem_shared>>) dst(%dma_wait3A_65 : memref<512xf32, #tpu.memory_space<vmem>>)
        %dma_start3A_70 = arith.constant 0 : i32
        %dma_start3A_71 = tpu.memref_slice %arg14[%dma_start3A_70] : memref<1024xf32, #tpu.memory_space<vmem>> -> memref<512xf32, #tpu.memory_space<vmem>>
        %dma_start3A_72 = arith.constant 0 : i32
        %dma_start3A_73 = tpu.memref_slice %arg11[%dma_start3A_72] : memref<1024xi32, #tpu.memory_space<vmem>> -> memref<512xi32, #tpu.memory_space<vmem>>
        %dma_start3A_74 = arith.constant 0 : i32
        %dma_start3A_75 = tpu.memref_slice %arg19[%dma_start3A_74] : memref<100352xf32, #tpu.memory_space<vmem_shared>> -> memref<100352xf32, #tpu.memory_space<vmem_shared>>
        tpu.enqueue_indirect_dma source(%dma_start3A_71 : memref<512xf32, #tpu.memory_space<vmem>>) target(%dma_start3A_75 : memref<100352xf32, #tpu.memory_space<vmem_shared>>) offsets(%dma_start3A_73 : memref<512xi32, #tpu.memory_space<vmem>>) semaphore(%arg20 : memref<!tpu.dma_semaphore, #tpu.memory_space<semaphore_mem>>) {add = true}
        %dma_wait3A_76 = arith.constant 0 : i32
        %dma_wait3A_77 = tpu.memref_slice %arg14[%dma_wait3A_76] : memref<1024xf32, #tpu.memory_space<vmem>> -> memref<512xf32, #tpu.memory_space<vmem>>
        %dma_wait3A_78 = arith.constant 0 : i32
        %dma_wait3A_79 = tpu.memref_slice %arg11[%dma_wait3A_78] : memref<1024xi32, #tpu.memory_space<vmem>> -> memref<512xi32, #tpu.memory_space<vmem>>
        %dma_wait3A_80 = arith.constant 0 : i32
        %dma_wait3A_81 = tpu.memref_slice %arg19[%dma_wait3A_80] : memref<100352xf32, #tpu.memory_space<vmem_shared>> -> memref<100352xf32, #tpu.memory_space<vmem_shared>>
        tpu.wait_indirect_dma semaphore(%arg20 : memref<!tpu.dma_semaphore, #tpu.memory_space<semaphore_mem>>) src(%dma_wait3A_77 : memref<512xf32, #tpu.memory_space<vmem>>) dst(%dma_wait3A_81 : memref<100352xf32, #tpu.memory_space<vmem_shared>>)
      } else {
      }
      %barrier3A_52 = arith.constant 0 : index
      tpu.barrier barrier_id(%barrier3A_52)
      "tpu.region"() ({
        %run_scoped3A = tpu.sem_alloc : memref<!tpu.dma_semaphore, #tpu.memory_space<semaphore_mem>>
        %dma_start3A_58 = tpu.memref_slice %arg19[%mul3A_7] : memref<100352xf32, #tpu.memory_space<vmem_shared>> -> memref<6272xf32, #tpu.memory_space<vmem_shared>>
        %dma_start3A_59 = tpu.memref_slice %arg19[%mul3A_7] : memref<100352xf32, #tpu.memory_space<vmem_shared>> -> memref<6272xf32, #tpu.memory_space<vmem_shared>>
        tpu.enqueue_dma source(%dma_start3A_59 : memref<6272xf32, #tpu.memory_space<vmem_shared>>) target(%arg16 : memref<6272xf32, #tpu.memory_space<vmem>>) target_semaphore(%run_scoped3A : memref<!tpu.dma_semaphore, #tpu.memory_space<semaphore_mem>>)
        %dma_wait3A = tpu.memref_slice %arg19[%mul3A_7] : memref<100352xf32, #tpu.memory_space<vmem_shared>> -> memref<6272xf32, #tpu.memory_space<vmem_shared>>
        %dma_wait3A_60 = tpu.memref_slice %arg19[%mul3A_7] : memref<100352xf32, #tpu.memory_space<vmem_shared>> -> memref<6272xf32, #tpu.memory_space<vmem_shared>>
        tpu.wait_dma2 semaphore(%run_scoped3A : memref<!tpu.dma_semaphore, #tpu.memory_space<semaphore_mem>>) src(%dma_wait3A_60 : memref<6272xf32, #tpu.memory_space<vmem_shared>>) dst(%arg16 : memref<6272xf32, #tpu.memory_space<vmem>>)
        tpu.yield
      }) : () -> ()
      %scan3A_53 = arith.constant 0 : i32
      %scan3A_54 = arith.constant 392 : i32
      %scan3A_55 = arith.addi %scan3A_53, %scan3A_54 : i32
      %scan3A_56 = arith.constant 1 : i32
      scf.for %scan3A_58 = %scan3A_53 to %scan3A_55 step %scan3A_56  : i32 {
        %mul3A_59 = arith.constant 1 : i32
        %mul3A_60 = arith.muli %scan3A_58, %mul3A_59 : i32
        %add3A_61 = arith.constant 0 : i32
        %add3A_62 = arith.addi %add3A_61, %mul3A_60 : i32
        %mul3A_63 = arith.constant 16 : i32
        %mul3A_64 = arith.muli %add3A_62, %mul3A_63 : i32
        %get3A = arith.index_cast %mul3A_64 : i32 to index
        %get3A_65 = tpu.vector_load %arg16[%get3A] {strides = array<i32>} : memref<6272xf32, #tpu.memory_space<vmem>>, vector<16xf32>,
        %get3A_66 = vector.shape_cast %get3A_65 : vector<16xf32> to vector<16xf32>
        %get3A_67 = arith.index_cast %mul3A_64 : i32 to index
        %get3A_68 = tpu.vector_load %arg15[%get3A_67] {strides = array<i32>} : memref<6272xf32, #tpu.memory_space<vmem>>, vector<16xf32>,
        %get3A_69 = vector.shape_cast %get3A_68 : vector<16xf32> to vector<16xf32>
        %mul3A_70 = arith.mulf %get3A_66, %get3A_69 : vector<16xf32>
        %get3A_71 = arith.index_cast %mul3A_64 : i32 to index
        %get3A_72 = tpu.vector_load %arg17[%get3A_71] {strides = array<i32>} : memref<6272xf32, #tpu.memory_space<vmem>>, vector<16xf32>,
        %get3A_73 = vector.shape_cast %get3A_72 : vector<16xf32> to vector<16xf32>
        %add3A_74 = arith.addf %mul3A_70, %get3A_73 : vector<16xf32>
        %swap3A = arith.index_cast %mul3A_64 : i32 to index
        %swap3A_75 = tpu.vector_load %arg16[%swap3A] {strides = array<i32>} : memref<6272xf32, #tpu.memory_space<vmem>>, vector<16xf32>,
        %swap3A_76 = vector.shape_cast %swap3A_75 : vector<16xf32> to vector<16xf32>
        %swap3A_77 = vector.shape_cast %add3A_74 : vector<16xf32> to vector<16xf32>
        tpu.vector_store %arg16[%swap3A], %swap3A_77 {strides = array<i32>} : memref<6272xf32, #tpu.memory_space<vmem>>, vector<16xf32>,
      }
      %scan3A_57 = arith.constant 392 : i32
      "tpu.region"() ({
        %run_scoped3A = tpu.sem_alloc : memref<!tpu.dma_semaphore, #tpu.memory_space<semaphore_mem>>
        %dma_start3A_58 = tpu.memref_slice %arg9[%mul3A_7] : memref<100352xf32, #tpu.memory_space<hbm>> -> memref<6272xf32, #tpu.memory_space<hbm>>
        %dma_start3A_59 = tpu.memref_slice %arg9[%mul3A_7] : memref<100352xf32, #tpu.memory_space<hbm>> -> memref<6272xf32, #tpu.memory_space<hbm>>
        tpu.enqueue_dma source(%arg16 : memref<6272xf32, #tpu.memory_space<vmem>>) target(%dma_start3A_59 : memref<6272xf32, #tpu.memory_space<hbm>>) target_semaphore(%run_scoped3A : memref<!tpu.dma_semaphore, #tpu.memory_space<semaphore_mem>>)
        %dma_wait3A = tpu.memref_slice %arg9[%mul3A_7] : memref<100352xf32, #tpu.memory_space<hbm>> -> memref<6272xf32, #tpu.memory_space<hbm>>
        %dma_wait3A_60 = tpu.memref_slice %arg9[%mul3A_7] : memref<100352xf32, #tpu.memory_space<hbm>> -> memref<6272xf32, #tpu.memory_space<hbm>>
        tpu.wait_dma2 semaphore(%run_scoped3A : memref<!tpu.dma_semaphore, #tpu.memory_space<semaphore_mem>>) src(%arg16 : memref<6272xf32, #tpu.memory_space<vmem>>) dst(%dma_wait3A_60 : memref<6272xf32, #tpu.memory_space<hbm>>)
        tpu.yield
      }) : () -> ()
    } else {
    }
    return
  }
}

#map = affine_map<(d0, d1) -> (0, 0)>
#map1 = affine_map<(d0, d1) -> (0)>
module attributes {stable_mosaic.version = 14 : i64} {
  func.func @k(%arg0: i32, %arg1: i32, %arg2: memref<2x1600000xi32, #tpu.memory_space<hbm>>, %arg3: memref<2x1600000xi32, #tpu.memory_space<hbm>>, %arg4: memref<100352xf32, #tpu.memory_space<hbm>>, %arg5: memref<100352xf32, #tpu.memory_space<hbm>>, %arg6: memref<1024xi32, #tpu.memory_space<vmem>>, %arg7: memref<1024xi32, #tpu.memory_space<vmem>>, %arg8: memref<1024xf32, #tpu.memory_space<vmem>>, %arg9: memref<6272xf32, #tpu.memory_space<vmem>>, %arg10: memref<100352xf32, #tpu.memory_space<vmem_shared>>, %arg11: memref<!tpu.dma_semaphore, #tpu.memory_space<semaphore_mem>>, %arg12: memref<!tpu.dma_semaphore, #tpu.memory_space<semaphore_mem>>) attributes {dimension_semantics = [#tpu.dimension_semantics<core_parallel>, #tpu.dimension_semantics<subcore_parallel>], iteration_bounds = array<i64: 2, 16>, scalar_prefetch = 0 : i64, scratch_operands = 7 : i64, tpu.core_type = #tpu.core_type<sc_vector_subcore>, window_params = [{transform_indices = #map}, {transform_indices = #map}, {transform_indices = #map1}, {transform_indices = #map1}]} {
    %eq3A = arith.constant 0 : i32
    %eq3A_0 = arith.cmpi eq, %arg0, %eq3A : i32
    %convert_element_type3A = arith.extui %eq3A_0 : i1 to i32
    %cond3A = arith.constant 0 : i32
    %cond3A_1 = arith.cmpi ne, %convert_element_type3A, %cond3A : i32
    scf.if %cond3A_1 {
      %mul3A = arith.constant 6272 : i32
      %mul3A_7 = arith.muli %arg1, %mul3A : i32
      %lt3A = arith.constant 15 : i32
      %lt3A_8 = arith.cmpi slt, %arg1, %lt3A : i32
      %jit3A = arith.constant 98 : i32
      %jit3A_9 = arith.constant 92 : i32
      %select_n3A = arith.select %lt3A_8, %jit3A, %jit3A_9 : i32
      %mul3A_10 = arith.constant 784 : i32
      %mul3A_11 = arith.muli %arg1, %mul3A_10 : i32
      %mul3A_12 = arith.constant 128 : i32
      %mul3A_13 = arith.muli %mul3A_11, %mul3A_12 : i32
      %scan3A = arith.constant 0 : i32
      %scan3A_14 = arith.constant 392 : i32
      %scan3A_15 = arith.addi %scan3A, %scan3A_14 : i32
      %scan3A_16 = arith.constant 1 : i32
      scf.for %scan3A_48 = %scan3A to %scan3A_15 step %scan3A_16  : i32 {
        %mul3A_49 = arith.constant 1 : i32
        %mul3A_50 = arith.muli %scan3A_48, %mul3A_49 : i32
        %add3A_51 = arith.constant 0 : i32
        %add3A_52 = arith.addi %add3A_51, %mul3A_50 : i32
        %broadcast_in_dim3A = arith.constant 0.000000e+00 : f32
        %broadcast_in_dim3A_53 = vector.broadcast %broadcast_in_dim3A : f32 to vector<16xf32>
        %mul3A_54 = arith.constant 16 : i32
        %mul3A_55 = arith.muli %add3A_52, %mul3A_54 : i32
        %swap3A = arith.index_cast %mul3A_55 : i32 to index
        %swap3A_56 = tpu.vector_load %arg9[%swap3A] {strides = array<i32>} : memref<6272xf32, #tpu.memory_space<vmem>>, vector<16xf32>,
        %swap3A_57 = vector.shape_cast %swap3A_56 : vector<16xf32> to vector<16xf32>
        %swap3A_58 = vector.shape_cast %broadcast_in_dim3A_53 : vector<16xf32> to vector<16xf32>
        tpu.vector_store %arg9[%swap3A], %swap3A_58 {strides = array<i32>} : memref<6272xf32, #tpu.memory_space<vmem>>, vector<16xf32>,
      }
      %scan3A_17 = arith.constant 392 : i32
      "tpu.region"() ({
        %run_scoped3A = tpu.sem_alloc : memref<!tpu.dma_semaphore, #tpu.memory_space<semaphore_mem>>
        %dma_start3A_48 = tpu.memref_slice %arg10[%mul3A_7] : memref<100352xf32, #tpu.memory_space<vmem_shared>> -> memref<6272xf32, #tpu.memory_space<vmem_shared>>
        %dma_start3A_49 = tpu.memref_slice %arg10[%mul3A_7] : memref<100352xf32, #tpu.memory_space<vmem_shared>> -> memref<6272xf32, #tpu.memory_space<vmem_shared>>
        tpu.enqueue_dma source(%arg9 : memref<6272xf32, #tpu.memory_space<vmem>>) target(%dma_start3A_49 : memref<6272xf32, #tpu.memory_space<vmem_shared>>) target_semaphore(%run_scoped3A : memref<!tpu.dma_semaphore, #tpu.memory_space<semaphore_mem>>)
        %dma_wait3A = tpu.memref_slice %arg10[%mul3A_7] : memref<100352xf32, #tpu.memory_space<vmem_shared>> -> memref<6272xf32, #tpu.memory_space<vmem_shared>>
        %dma_wait3A_50 = tpu.memref_slice %arg10[%mul3A_7] : memref<100352xf32, #tpu.memory_space<vmem_shared>> -> memref<6272xf32, #tpu.memory_space<vmem_shared>>
        tpu.wait_dma2 semaphore(%run_scoped3A : memref<!tpu.dma_semaphore, #tpu.memory_space<semaphore_mem>>) src(%arg9 : memref<6272xf32, #tpu.memory_space<vmem>>) dst(%dma_wait3A_50 : memref<6272xf32, #tpu.memory_space<vmem_shared>>)
        tpu.yield
      }) : () -> ()
      %scan3A_18 = arith.constant 0 : i32
      %scan3A_19 = arith.constant 64 : i32
      %scan3A_20 = arith.addi %scan3A_18, %scan3A_19 : i32
      %scan3A_21 = arith.constant 1 : i32
      scf.for %scan3A_48 = %scan3A_18 to %scan3A_20 step %scan3A_21  : i32 {
        %mul3A_49 = arith.constant 1 : i32
        %mul3A_50 = arith.muli %scan3A_48, %mul3A_49 : i32
        %add3A_51 = arith.constant 0 : i32
        %add3A_52 = arith.addi %add3A_51, %mul3A_50 : i32
        %broadcast_in_dim3A = arith.constant 1.000000e+00 : f32
        %broadcast_in_dim3A_53 = vector.broadcast %broadcast_in_dim3A : f32 to vector<16xf32>
        %mul3A_54 = arith.constant 16 : i32
        %mul3A_55 = arith.muli %add3A_52, %mul3A_54 : i32
        %swap3A = arith.index_cast %mul3A_55 : i32 to index
        %swap3A_56 = tpu.vector_load %arg8[%swap3A] {strides = array<i32>} : memref<1024xf32, #tpu.memory_space<vmem>>, vector<16xf32>,
        %swap3A_57 = vector.shape_cast %swap3A_56 : vector<16xf32> to vector<16xf32>
        %swap3A_58 = vector.shape_cast %broadcast_in_dim3A_53 : vector<16xf32> to vector<16xf32>
        tpu.vector_store %arg8[%swap3A], %swap3A_58 {strides = array<i32>} : memref<1024xf32, #tpu.memory_space<vmem>>, vector<16xf32>,
      }
      %scan3A_22 = arith.constant 64 : i32
      %barrier3A = arith.constant 0 : index
      tpu.barrier barrier_id(%barrier3A)
      %dma_start3A = arith.constant 1 : i32
      %dma_start3A_23 = tpu.memref_slice %arg2[%dma_start3A, %mul3A_13] : memref<2x1600000xi32, #tpu.memory_space<hbm>> -> memref<1x1024xi32, #tpu.memory_space<hbm>>
      %dma_start3A_24 = tpu.memref_squeeze %dma_start3A_23 : memref<1x1024xi32, #tpu.memory_space<hbm>> -> memref<1024xi32, #tpu.memory_space<hbm>>
      %dma_start3A_25 = tpu.memref_slice %arg2[%dma_start3A, %mul3A_13] : memref<2x1600000xi32, #tpu.memory_space<hbm>> -> memref<1x1024xi32, #tpu.memory_space<hbm>>
      %dma_start3A_26 = tpu.memref_squeeze %dma_start3A_25 : memref<1x1024xi32, #tpu.memory_space<hbm>> -> memref<1024xi32, #tpu.memory_space<hbm>>
      tpu.enqueue_dma source(%dma_start3A_26 : memref<1024xi32, #tpu.memory_space<hbm>>) target(%arg6 : memref<1024xi32, #tpu.memory_space<vmem>>) target_semaphore(%arg12 : memref<!tpu.dma_semaphore, #tpu.memory_space<semaphore_mem>>)
      %sub3A = arith.constant 0 : i32
      %sub3A_27 = arith.subi %select_n3A, %sub3A : i32
      %sub3A_28 = arith.constant 1 : i32
      %sub3A_29 = arith.constant 1 : i32
      %sub3A_30 = arith.subi %sub3A_28, %sub3A_29 : i32
      %add3A = arith.addi %sub3A_27, %sub3A_30 : i32
      %div3A = arith.constant 1 : i32
      %div3A_31 = arith.divsi %add3A, %div3A : i32
      %while3A = arith.constant 1 : i32
      %while3A_32 = arith.constant 0 : i32
      %while3A_33 = arith.constant 0 : i32
      %while3A_34 = arith.subi %div3A_31, %while3A_33 : i32
      %while3A_35 = arith.addi %while3A_33, %while3A_34 : i32
      %while3A_36 = arith.constant 1 : i32
      %while3A_37 = arith.divsi %while3A_34, %while3A_36 : i32
      %while3A_38 = arith.muli %while3A_37, %while3A_36 : i32
      %while3A_39 = arith.addi %while3A_33, %while3A_38 : i32
      %while3A_40 = arith.constant 1 : i32
      scf.for %while3A_48 = %while3A_33 to %while3A_39 step %while3A_40  : i32 {
        %mul3A_49 = arith.muli %while3A_48, %while3A : i32
        %add3A_50 = arith.addi %while3A_32, %mul3A_49 : i32
        %rem3A = arith.constant 2 : i32
        %rem3A_51 = arith.remsi %add3A_50, %rem3A : i32
        %eq3A_52 = arith.constant 0 : i32
        %eq3A_53 = arith.cmpi eq, %rem3A_51, %eq3A_52 : i32
        %add3A_54 = arith.constant 1 : i32
        %add3A_55 = arith.addi %add3A_50, %add3A_54 : i32
        %mul3A_56 = arith.constant 1024 : i32
        %mul3A_57 = arith.muli %add3A_55, %mul3A_56 : i32
        %add3A_58 = arith.addi %mul3A_13, %mul3A_57 : i32
        %add3A_59 = arith.constant 1 : i32
        %add3A_60 = arith.addi %add3A_50, %add3A_59 : i32
        %lt3A_61 = arith.cmpi slt, %add3A_60, %select_n3A : i32
        %convert_element_type3A_62 = arith.extui %lt3A_61 : i1 to i32
        %cond3A_63 = arith.constant 0 : i32
        %cond3A_64 = arith.cmpi ne, %convert_element_type3A_62, %cond3A_63 : i32
        scf.if %cond3A_64 {
          %convert_element_type3A_76 = arith.extui %eq3A_53 : i1 to i32
          %cond3A_77 = arith.constant 0 : i32
          %cond3A_78 = arith.cmpi ne, %convert_element_type3A_76, %cond3A_77 : i32
          scf.if %cond3A_78 {
            %dma_start3A_84 = arith.constant 1 : i32
            %dma_start3A_85 = tpu.memref_slice %arg2[%dma_start3A_84, %add3A_58] : memref<2x1600000xi32, #tpu.memory_space<hbm>> -> memref<1x1024xi32, #tpu.memory_space<hbm>>
            %dma_start3A_86 = tpu.memref_squeeze %dma_start3A_85 : memref<1x1024xi32, #tpu.memory_space<hbm>> -> memref<1024xi32, #tpu.memory_space<hbm>>
            %dma_start3A_87 = tpu.memref_slice %arg2[%dma_start3A_84, %add3A_58] : memref<2x1600000xi32, #tpu.memory_space<hbm>> -> memref<1x1024xi32, #tpu.memory_space<hbm>>
            %dma_start3A_88 = tpu.memref_squeeze %dma_start3A_87 : memref<1x1024xi32, #tpu.memory_space<hbm>> -> memref<1024xi32, #tpu.memory_space<hbm>>
            tpu.enqueue_dma source(%dma_start3A_88 : memref<1024xi32, #tpu.memory_space<hbm>>) target(%arg7 : memref<1024xi32, #tpu.memory_space<vmem>>) target_semaphore(%arg12 : memref<!tpu.dma_semaphore, #tpu.memory_space<semaphore_mem>>)
          } else {
          }
          %not3A_79 = arith.constant true
          %not3A_80 = arith.xori %eq3A_53, %not3A_79 : i1
          %convert_element_type3A_81 = arith.extui %not3A_80 : i1 to i32
          %cond3A_82 = arith.constant 0 : i32
          %cond3A_83 = arith.cmpi ne, %convert_element_type3A_81, %cond3A_82 : i32
          scf.if %cond3A_83 {
            %dma_start3A_84 = arith.constant 1 : i32
            %dma_start3A_85 = tpu.memref_slice %arg2[%dma_start3A_84, %add3A_58] : memref<2x1600000xi32, #tpu.memory_space<hbm>> -> memref<1x1024xi32, #tpu.memory_space<hbm>>
            %dma_start3A_86 = tpu.memref_squeeze %dma_start3A_85 : memref<1x1024xi32, #tpu.memory_space<hbm>> -> memref<1024xi32, #tpu.memory_space<hbm>>
            %dma_start3A_87 = tpu.memref_slice %arg2[%dma_start3A_84, %add3A_58] : memref<2x1600000xi32, #tpu.memory_space<hbm>> -> memref<1x1024xi32, #tpu.memory_space<hbm>>
            %dma_start3A_88 = tpu.memref_squeeze %dma_start3A_87 : memref<1x1024xi32, #tpu.memory_space<hbm>> -> memref<1024xi32, #tpu.memory_space<hbm>>
            tpu.enqueue_dma source(%dma_start3A_88 : memref<1024xi32, #tpu.memory_space<hbm>>) target(%arg6 : memref<1024xi32, #tpu.memory_space<vmem>>) target_semaphore(%arg12 : memref<!tpu.dma_semaphore, #tpu.memory_space<semaphore_mem>>)
          } else {
          }
        } else {
        }
        %dma_wait3A = arith.constant 1 : i32
        %dma_wait3A_65 = tpu.memref_slice %arg2[%dma_wait3A, %mul3A_13] : memref<2x1600000xi32, #tpu.memory_space<hbm>> -> memref<1x1024xi32, #tpu.memory_space<hbm>>
        %dma_wait3A_66 = tpu.memref_squeeze %dma_wait3A_65 : memref<1x1024xi32, #tpu.memory_space<hbm>> -> memref<1024xi32, #tpu.memory_space<hbm>>
        %dma_wait3A_67 = tpu.memref_slice %arg2[%dma_wait3A, %mul3A_13] : memref<2x1600000xi32, #tpu.memory_space<hbm>> -> memref<1x1024xi32, #tpu.memory_space<hbm>>
        %dma_wait3A_68 = tpu.memref_squeeze %dma_wait3A_67 : memref<1x1024xi32, #tpu.memory_space<hbm>> -> memref<1024xi32, #tpu.memory_space<hbm>>
        tpu.wait_dma2 semaphore(%arg12 : memref<!tpu.dma_semaphore, #tpu.memory_space<semaphore_mem>>) src(%dma_wait3A_68 : memref<1024xi32, #tpu.memory_space<hbm>>) dst(%arg6 : memref<1024xi32, #tpu.memory_space<vmem>>)
        %convert_element_type3A_69 = arith.extui %eq3A_53 : i1 to i32
        %cond3A_70 = arith.constant 0 : i32
        %cond3A_71 = arith.cmpi ne, %convert_element_type3A_69, %cond3A_70 : i32
        scf.if %cond3A_71 {
          %dma_start3A_76 = arith.constant 0 : i32
          %dma_start3A_77 = tpu.memref_slice %arg10[%dma_start3A_76] : memref<100352xf32, #tpu.memory_space<vmem_shared>> -> memref<100352xf32, #tpu.memory_space<vmem_shared>>
          tpu.enqueue_indirect_dma source(%arg8 : memref<1024xf32, #tpu.memory_space<vmem>>) target(%dma_start3A_77 : memref<100352xf32, #tpu.memory_space<vmem_shared>>) offsets(%arg6 : memref<1024xi32, #tpu.memory_space<vmem>>) semaphore(%arg11 : memref<!tpu.dma_semaphore, #tpu.memory_space<semaphore_mem>>) {add = true}
          %dma_wait3A_78 = arith.constant 0 : i32
          %dma_wait3A_79 = tpu.memref_slice %arg10[%dma_wait3A_78] : memref<100352xf32, #tpu.memory_space<vmem_shared>> -> memref<100352xf32, #tpu.memory_space<vmem_shared>>
          tpu.wait_indirect_dma semaphore(%arg11 : memref<!tpu.dma_semaphore, #tpu.memory_space<semaphore_mem>>) src(%arg8 : memref<1024xf32, #tpu.memory_space<vmem>>) dst(%dma_wait3A_79 : memref<100352xf32, #tpu.memory_space<vmem_shared>>)
        } else {
        }
        %not3A = arith.constant true
        %not3A_72 = arith.xori %eq3A_53, %not3A : i1
        %convert_element_type3A_73 = arith.extui %not3A_72 : i1 to i32
        %cond3A_74 = arith.constant 0 : i32
        %cond3A_75 = arith.cmpi ne, %convert_element_type3A_73, %cond3A_74 : i32
        scf.if %cond3A_75 {
          %dma_start3A_76 = arith.constant 0 : i32
          %dma_start3A_77 = tpu.memref_slice %arg10[%dma_start3A_76] : memref<100352xf32, #tpu.memory_space<vmem_shared>> -> memref<100352xf32, #tpu.memory_space<vmem_shared>>
          tpu.enqueue_indirect_dma source(%arg8 : memref<1024xf32, #tpu.memory_space<vmem>>) target(%dma_start3A_77 : memref<100352xf32, #tpu.memory_space<vmem_shared>>) offsets(%arg7 : memref<1024xi32, #tpu.memory_space<vmem>>) semaphore(%arg11 : memref<!tpu.dma_semaphore, #tpu.memory_space<semaphore_mem>>) {add = true}
          %dma_wait3A_78 = arith.constant 0 : i32
          %dma_wait3A_79 = tpu.memref_slice %arg10[%dma_wait3A_78] : memref<100352xf32, #tpu.memory_space<vmem_shared>> -> memref<100352xf32, #tpu.memory_space<vmem_shared>>
          tpu.wait_indirect_dma semaphore(%arg11 : memref<!tpu.dma_semaphore, #tpu.memory_space<semaphore_mem>>) src(%arg8 : memref<1024xf32, #tpu.memory_space<vmem>>) dst(%dma_wait3A_79 : memref<100352xf32, #tpu.memory_space<vmem_shared>>)
        } else {
        }
      }
      %while3A_41 = arith.constant 1 : i32
      scf.for %while3A_48 = %while3A_39 to %while3A_35 step %while3A_41  : i32 {
        %mul3A_49 = arith.muli %while3A_48, %while3A : i32
        %add3A_50 = arith.addi %while3A_32, %mul3A_49 : i32
        %rem3A = arith.constant 2 : i32
        %rem3A_51 = arith.remsi %add3A_50, %rem3A : i32
        %eq3A_52 = arith.constant 0 : i32
        %eq3A_53 = arith.cmpi eq, %rem3A_51, %eq3A_52 : i32
        %add3A_54 = arith.constant 1 : i32
        %add3A_55 = arith.addi %add3A_50, %add3A_54 : i32
        %mul3A_56 = arith.constant 1024 : i32
        %mul3A_57 = arith.muli %add3A_55, %mul3A_56 : i32
        %add3A_58 = arith.addi %mul3A_13, %mul3A_57 : i32
        %add3A_59 = arith.constant 1 : i32
        %add3A_60 = arith.addi %add3A_50, %add3A_59 : i32
        %lt3A_61 = arith.cmpi slt, %add3A_60, %select_n3A : i32
        %convert_element_type3A_62 = arith.extui %lt3A_61 : i1 to i32
        %cond3A_63 = arith.constant 0 : i32
        %cond3A_64 = arith.cmpi ne, %convert_element_type3A_62, %cond3A_63 : i32
        scf.if %cond3A_64 {
          %convert_element_type3A_76 = arith.extui %eq3A_53 : i1 to i32
          %cond3A_77 = arith.constant 0 : i32
          %cond3A_78 = arith.cmpi ne, %convert_element_type3A_76, %cond3A_77 : i32
          scf.if %cond3A_78 {
            %dma_start3A_84 = arith.constant 1 : i32
            %dma_start3A_85 = tpu.memref_slice %arg2[%dma_start3A_84, %add3A_58] : memref<2x1600000xi32, #tpu.memory_space<hbm>> -> memref<1x1024xi32, #tpu.memory_space<hbm>>
            %dma_start3A_86 = tpu.memref_squeeze %dma_start3A_85 : memref<1x1024xi32, #tpu.memory_space<hbm>> -> memref<1024xi32, #tpu.memory_space<hbm>>
            %dma_start3A_87 = tpu.memref_slice %arg2[%dma_start3A_84, %add3A_58] : memref<2x1600000xi32, #tpu.memory_space<hbm>> -> memref<1x1024xi32, #tpu.memory_space<hbm>>
            %dma_start3A_88 = tpu.memref_squeeze %dma_start3A_87 : memref<1x1024xi32, #tpu.memory_space<hbm>> -> memref<1024xi32, #tpu.memory_space<hbm>>
            tpu.enqueue_dma source(%dma_start3A_88 : memref<1024xi32, #tpu.memory_space<hbm>>) target(%arg7 : memref<1024xi32, #tpu.memory_space<vmem>>) target_semaphore(%arg12 : memref<!tpu.dma_semaphore, #tpu.memory_space<semaphore_mem>>)
          } else {
          }
          %not3A_79 = arith.constant true
          %not3A_80 = arith.xori %eq3A_53, %not3A_79 : i1
          %convert_element_type3A_81 = arith.extui %not3A_80 : i1 to i32
          %cond3A_82 = arith.constant 0 : i32
          %cond3A_83 = arith.cmpi ne, %convert_element_type3A_81, %cond3A_82 : i32
          scf.if %cond3A_83 {
            %dma_start3A_84 = arith.constant 1 : i32
            %dma_start3A_85 = tpu.memref_slice %arg2[%dma_start3A_84, %add3A_58] : memref<2x1600000xi32, #tpu.memory_space<hbm>> -> memref<1x1024xi32, #tpu.memory_space<hbm>>
            %dma_start3A_86 = tpu.memref_squeeze %dma_start3A_85 : memref<1x1024xi32, #tpu.memory_space<hbm>> -> memref<1024xi32, #tpu.memory_space<hbm>>
            %dma_start3A_87 = tpu.memref_slice %arg2[%dma_start3A_84, %add3A_58] : memref<2x1600000xi32, #tpu.memory_space<hbm>> -> memref<1x1024xi32, #tpu.memory_space<hbm>>
            %dma_start3A_88 = tpu.memref_squeeze %dma_start3A_87 : memref<1x1024xi32, #tpu.memory_space<hbm>> -> memref<1024xi32, #tpu.memory_space<hbm>>
            tpu.enqueue_dma source(%dma_start3A_88 : memref<1024xi32, #tpu.memory_space<hbm>>) target(%arg6 : memref<1024xi32, #tpu.memory_space<vmem>>) target_semaphore(%arg12 : memref<!tpu.dma_semaphore, #tpu.memory_space<semaphore_mem>>)
          } else {
          }
        } else {
        }
        %dma_wait3A = arith.constant 1 : i32
        %dma_wait3A_65 = tpu.memref_slice %arg2[%dma_wait3A, %mul3A_13] : memref<2x1600000xi32, #tpu.memory_space<hbm>> -> memref<1x1024xi32, #tpu.memory_space<hbm>>
        %dma_wait3A_66 = tpu.memref_squeeze %dma_wait3A_65 : memref<1x1024xi32, #tpu.memory_space<hbm>> -> memref<1024xi32, #tpu.memory_space<hbm>>
        %dma_wait3A_67 = tpu.memref_slice %arg2[%dma_wait3A, %mul3A_13] : memref<2x1600000xi32, #tpu.memory_space<hbm>> -> memref<1x1024xi32, #tpu.memory_space<hbm>>
        %dma_wait3A_68 = tpu.memref_squeeze %dma_wait3A_67 : memref<1x1024xi32, #tpu.memory_space<hbm>> -> memref<1024xi32, #tpu.memory_space<hbm>>
        tpu.wait_dma2 semaphore(%arg12 : memref<!tpu.dma_semaphore, #tpu.memory_space<semaphore_mem>>) src(%dma_wait3A_68 : memref<1024xi32, #tpu.memory_space<hbm>>) dst(%arg6 : memref<1024xi32, #tpu.memory_space<vmem>>)
        %convert_element_type3A_69 = arith.extui %eq3A_53 : i1 to i32
        %cond3A_70 = arith.constant 0 : i32
        %cond3A_71 = arith.cmpi ne, %convert_element_type3A_69, %cond3A_70 : i32
        scf.if %cond3A_71 {
          %dma_start3A_76 = arith.constant 0 : i32
          %dma_start3A_77 = tpu.memref_slice %arg10[%dma_start3A_76] : memref<100352xf32, #tpu.memory_space<vmem_shared>> -> memref<100352xf32, #tpu.memory_space<vmem_shared>>
          tpu.enqueue_indirect_dma source(%arg8 : memref<1024xf32, #tpu.memory_space<vmem>>) target(%dma_start3A_77 : memref<100352xf32, #tpu.memory_space<vmem_shared>>) offsets(%arg6 : memref<1024xi32, #tpu.memory_space<vmem>>) semaphore(%arg11 : memref<!tpu.dma_semaphore, #tpu.memory_space<semaphore_mem>>) {add = true}
          %dma_wait3A_78 = arith.constant 0 : i32
          %dma_wait3A_79 = tpu.memref_slice %arg10[%dma_wait3A_78] : memref<100352xf32, #tpu.memory_space<vmem_shared>> -> memref<100352xf32, #tpu.memory_space<vmem_shared>>
          tpu.wait_indirect_dma semaphore(%arg11 : memref<!tpu.dma_semaphore, #tpu.memory_space<semaphore_mem>>) src(%arg8 : memref<1024xf32, #tpu.memory_space<vmem>>) dst(%dma_wait3A_79 : memref<100352xf32, #tpu.memory_space<vmem_shared>>)
        } else {
        }
        %not3A = arith.constant true
        %not3A_72 = arith.xori %eq3A_53, %not3A : i1
        %convert_element_type3A_73 = arith.extui %not3A_72 : i1 to i32
        %cond3A_74 = arith.constant 0 : i32
        %cond3A_75 = arith.cmpi ne, %convert_element_type3A_73, %cond3A_74 : i32
        scf.if %cond3A_75 {
          %dma_start3A_76 = arith.constant 0 : i32
          %dma_start3A_77 = tpu.memref_slice %arg10[%dma_start3A_76] : memref<100352xf32, #tpu.memory_space<vmem_shared>> -> memref<100352xf32, #tpu.memory_space<vmem_shared>>
          tpu.enqueue_indirect_dma source(%arg8 : memref<1024xf32, #tpu.memory_space<vmem>>) target(%dma_start3A_77 : memref<100352xf32, #tpu.memory_space<vmem_shared>>) offsets(%arg7 : memref<1024xi32, #tpu.memory_space<vmem>>) semaphore(%arg11 : memref<!tpu.dma_semaphore, #tpu.memory_space<semaphore_mem>>) {add = true}
          %dma_wait3A_78 = arith.constant 0 : i32
          %dma_wait3A_79 = tpu.memref_slice %arg10[%dma_wait3A_78] : memref<100352xf32, #tpu.memory_space<vmem_shared>> -> memref<100352xf32, #tpu.memory_space<vmem_shared>>
          tpu.wait_indirect_dma semaphore(%arg11 : memref<!tpu.dma_semaphore, #tpu.memory_space<semaphore_mem>>) src(%arg8 : memref<1024xf32, #tpu.memory_space<vmem>>) dst(%dma_wait3A_79 : memref<100352xf32, #tpu.memory_space<vmem_shared>>)
        } else {
        }
      }
      %eq3A_42 = arith.constant 15 : i32
      %eq3A_43 = arith.cmpi eq, %arg1, %eq3A_42 : i32
      %convert_element_type3A_44 = arith.extui %eq3A_43 : i1 to i32
      %cond3A_45 = arith.constant 0 : i32
      %cond3A_46 = arith.cmpi ne, %convert_element_type3A_44, %cond3A_45 : i32
      scf.if %cond3A_46 {
        %run_scoped3A = arith.constant 1 : i32
        "tpu.region"() ({
          %run_scoped3A_59 = tpu.sem_alloc : memref<!tpu.dma_semaphore, #tpu.memory_space<semaphore_mem>>
          %dma_start3A_60 = arith.constant 0 : i32
          %dma_start3A_61 = tpu.memref_slice %arg6[%dma_start3A_60] : memref<1024xi32, #tpu.memory_space<vmem>> -> memref<512xi32, #tpu.memory_space<vmem>>
          %dma_start3A_62 = arith.constant 1599488 : i32
          %dma_start3A_63 = tpu.memref_slice %arg2[%run_scoped3A, %dma_start3A_62] : memref<2x1600000xi32, #tpu.memory_space<hbm>> -> memref<1x512xi32, #tpu.memory_space<hbm>>
          %dma_start3A_64 = tpu.memref_squeeze %dma_start3A_63 : memref<1x512xi32, #tpu.memory_space<hbm>> -> memref<512xi32, #tpu.memory_space<hbm>>
          %dma_start3A_65 = arith.constant 0 : i32
          %dma_start3A_66 = tpu.memref_slice %arg6[%dma_start3A_65] : memref<1024xi32, #tpu.memory_space<vmem>> -> memref<512xi32, #tpu.memory_space<vmem>>
          %dma_start3A_67 = arith.constant 1599488 : i32
          %dma_start3A_68 = tpu.memref_slice %arg2[%run_scoped3A, %dma_start3A_67] : memref<2x1600000xi32, #tpu.memory_space<hbm>> -> memref<1x512xi32, #tpu.memory_space<hbm>>
          %dma_start3A_69 = tpu.memref_squeeze %dma_start3A_68 : memref<1x512xi32, #tpu.memory_space<hbm>> -> memref<512xi32, #tpu.memory_space<hbm>>
          tpu.enqueue_dma source(%dma_start3A_69 : memref<512xi32, #tpu.memory_space<hbm>>) target(%dma_start3A_66 : memref<512xi32, #tpu.memory_space<vmem>>) target_semaphore(%run_scoped3A_59 : memref<!tpu.dma_semaphore, #tpu.memory_space<semaphore_mem>>)
          %dma_wait3A_70 = arith.constant 0 : i32
          %dma_wait3A_71 = tpu.memref_slice %arg6[%dma_wait3A_70] : memref<1024xi32, #tpu.memory_space<vmem>> -> memref<512xi32, #tpu.memory_space<vmem>>
          %dma_wait3A_72 = arith.constant 1599488 : i32
          %dma_wait3A_73 = tpu.memref_slice %arg2[%run_scoped3A, %dma_wait3A_72] : memref<2x1600000xi32, #tpu.memory_space<hbm>> -> memref<1x512xi32, #tpu.memory_space<hbm>>
          %dma_wait3A_74 = tpu.memref_squeeze %dma_wait3A_73 : memref<1x512xi32, #tpu.memory_space<hbm>> -> memref<512xi32, #tpu.memory_space<hbm>>
          %dma_wait3A_75 = arith.constant 0 : i32
          %dma_wait3A_76 = tpu.memref_slice %arg6[%dma_wait3A_75] : memref<1024xi32, #tpu.memory_space<vmem>> -> memref<512xi32, #tpu.memory_space<vmem>>
          %dma_wait3A_77 = arith.constant 1599488 : i32
          %dma_wait3A_78 = tpu.memref_slice %arg2[%run_scoped3A, %dma_wait3A_77] : memref<2x1600000xi32, #tpu.memory_space<hbm>> -> memref<1x512xi32, #tpu.memory_space<hbm>>
          %dma_wait3A_79 = tpu.memref_squeeze %dma_wait3A_78 : memref<1x512xi32, #tpu.memory_space<hbm>> -> memref<512xi32, #tpu.memory_space<hbm>>
          tpu.wait_dma2 semaphore(%run_scoped3A_59 : memref<!tpu.dma_semaphore, #tpu.memory_space<semaphore_mem>>) src(%dma_wait3A_79 : memref<512xi32, #tpu.memory_space<hbm>>) dst(%dma_wait3A_76 : memref<512xi32, #tpu.memory_space<vmem>>)
          tpu.yield
        }) : () -> ()
        %dma_start3A_48 = arith.constant 0 : i32
        %dma_start3A_49 = tpu.memref_slice %arg8[%dma_start3A_48] : memref<1024xf32, #tpu.memory_space<vmem>> -> memref<512xf32, #tpu.memory_space<vmem>>
        %dma_start3A_50 = arith.constant 0 : i32
        %dma_start3A_51 = tpu.memref_slice %arg6[%dma_start3A_50] : memref<1024xi32, #tpu.memory_space<vmem>> -> memref<512xi32, #tpu.memory_space<vmem>>
        %dma_start3A_52 = arith.constant 0 : i32
        %dma_start3A_53 = tpu.memref_slice %arg10[%dma_start3A_52] : memref<100352xf32, #tpu.memory_space<vmem_shared>> -> memref<100352xf32, #tpu.memory_space<vmem_shared>>
        tpu.enqueue_indirect_dma source(%dma_start3A_49 : memref<512xf32, #tpu.memory_space<vmem>>) target(%dma_start3A_53 : memref<100352xf32, #tpu.memory_space<vmem_shared>>) offsets(%dma_start3A_51 : memref<512xi32, #tpu.memory_space<vmem>>) semaphore(%arg11 : memref<!tpu.dma_semaphore, #tpu.memory_space<semaphore_mem>>) {add = true}
        %dma_wait3A = arith.constant 0 : i32
        %dma_wait3A_54 = tpu.memref_slice %arg8[%dma_wait3A] : memref<1024xf32, #tpu.memory_space<vmem>> -> memref<512xf32, #tpu.memory_space<vmem>>
        %dma_wait3A_55 = arith.constant 0 : i32
        %dma_wait3A_56 = tpu.memref_slice %arg6[%dma_wait3A_55] : memref<1024xi32, #tpu.memory_space<vmem>> -> memref<512xi32, #tpu.memory_space<vmem>>
        %dma_wait3A_57 = arith.constant 0 : i32
        %dma_wait3A_58 = tpu.memref_slice %arg10[%dma_wait3A_57] : memref<100352xf32, #tpu.memory_space<vmem_shared>> -> memref<100352xf32, #tpu.memory_space<vmem_shared>>
        tpu.wait_indirect_dma semaphore(%arg11 : memref<!tpu.dma_semaphore, #tpu.memory_space<semaphore_mem>>) src(%dma_wait3A_54 : memref<512xf32, #tpu.memory_space<vmem>>) dst(%dma_wait3A_58 : memref<100352xf32, #tpu.memory_space<vmem_shared>>)
      } else {
      }
      %barrier3A_47 = arith.constant 0 : index
      tpu.barrier barrier_id(%barrier3A_47)
      "tpu.region"() ({
        %run_scoped3A = tpu.sem_alloc : memref<!tpu.dma_semaphore, #tpu.memory_space<semaphore_mem>>
        %dma_start3A_48 = tpu.memref_slice %arg10[%mul3A_7] : memref<100352xf32, #tpu.memory_space<vmem_shared>> -> memref<6272xf32, #tpu.memory_space<vmem_shared>>
        %dma_start3A_49 = tpu.memref_slice %arg10[%mul3A_7] : memref<100352xf32, #tpu.memory_space<vmem_shared>> -> memref<6272xf32, #tpu.memory_space<vmem_shared>>
        tpu.enqueue_dma source(%dma_start3A_49 : memref<6272xf32, #tpu.memory_space<vmem_shared>>) target(%arg9 : memref<6272xf32, #tpu.memory_space<vmem>>) target_semaphore(%run_scoped3A : memref<!tpu.dma_semaphore, #tpu.memory_space<semaphore_mem>>)
        %dma_wait3A = tpu.memref_slice %arg10[%mul3A_7] : memref<100352xf32, #tpu.memory_space<vmem_shared>> -> memref<6272xf32, #tpu.memory_space<vmem_shared>>
        %dma_wait3A_50 = tpu.memref_slice %arg10[%mul3A_7] : memref<100352xf32, #tpu.memory_space<vmem_shared>> -> memref<6272xf32, #tpu.memory_space<vmem_shared>>
        tpu.wait_dma2 semaphore(%run_scoped3A : memref<!tpu.dma_semaphore, #tpu.memory_space<semaphore_mem>>) src(%dma_wait3A_50 : memref<6272xf32, #tpu.memory_space<vmem_shared>>) dst(%arg9 : memref<6272xf32, #tpu.memory_space<vmem>>)
        tpu.yield
      }) : () -> ()
      "tpu.region"() ({
        %run_scoped3A = tpu.sem_alloc : memref<!tpu.dma_semaphore, #tpu.memory_space<semaphore_mem>>
        %dma_start3A_48 = tpu.memref_slice %arg4[%mul3A_7] : memref<100352xf32, #tpu.memory_space<hbm>> -> memref<6272xf32, #tpu.memory_space<hbm>>
        %dma_start3A_49 = tpu.memref_slice %arg4[%mul3A_7] : memref<100352xf32, #tpu.memory_space<hbm>> -> memref<6272xf32, #tpu.memory_space<hbm>>
        tpu.enqueue_dma source(%arg9 : memref<6272xf32, #tpu.memory_space<vmem>>) target(%dma_start3A_49 : memref<6272xf32, #tpu.memory_space<hbm>>) target_semaphore(%run_scoped3A : memref<!tpu.dma_semaphore, #tpu.memory_space<semaphore_mem>>)
        %dma_wait3A = tpu.memref_slice %arg4[%mul3A_7] : memref<100352xf32, #tpu.memory_space<hbm>> -> memref<6272xf32, #tpu.memory_space<hbm>>
        %dma_wait3A_50 = tpu.memref_slice %arg4[%mul3A_7] : memref<100352xf32, #tpu.memory_space<hbm>> -> memref<6272xf32, #tpu.memory_space<hbm>>
        tpu.wait_dma2 semaphore(%run_scoped3A : memref<!tpu.dma_semaphore, #tpu.memory_space<semaphore_mem>>) src(%arg9 : memref<6272xf32, #tpu.memory_space<vmem>>) dst(%dma_wait3A_50 : memref<6272xf32, #tpu.memory_space<hbm>>)
        tpu.yield
      }) : () -> ()
    } else {
    }
    %eq3A_2 = arith.constant 1 : i32
    %eq3A_3 = arith.cmpi eq, %arg0, %eq3A_2 : i32
    %convert_element_type3A_4 = arith.extui %eq3A_3 : i1 to i32
    %cond3A_5 = arith.constant 0 : i32
    %cond3A_6 = arith.cmpi ne, %convert_element_type3A_4, %cond3A_5 : i32
    scf.if %cond3A_6 {
      %mul3A = arith.constant 6272 : i32
      %mul3A_7 = arith.muli %arg1, %mul3A : i32
      %lt3A = arith.constant 15 : i32
      %lt3A_8 = arith.cmpi slt, %arg1, %lt3A : i32
      %jit3A = arith.constant 98 : i32
      %jit3A_9 = arith.constant 92 : i32
      %select_n3A = arith.select %lt3A_8, %jit3A, %jit3A_9 : i32
      %mul3A_10 = arith.constant 784 : i32
      %mul3A_11 = arith.muli %arg1, %mul3A_10 : i32
      %mul3A_12 = arith.constant 128 : i32
      %mul3A_13 = arith.muli %mul3A_11, %mul3A_12 : i32
      %scan3A = arith.constant 0 : i32
      %scan3A_14 = arith.constant 392 : i32
      %scan3A_15 = arith.addi %scan3A, %scan3A_14 : i32
      %scan3A_16 = arith.constant 1 : i32
      scf.for %scan3A_48 = %scan3A to %scan3A_15 step %scan3A_16  : i32 {
        %mul3A_49 = arith.constant 1 : i32
        %mul3A_50 = arith.muli %scan3A_48, %mul3A_49 : i32
        %add3A_51 = arith.constant 0 : i32
        %add3A_52 = arith.addi %add3A_51, %mul3A_50 : i32
        %broadcast_in_dim3A = arith.constant 0.000000e+00 : f32
        %broadcast_in_dim3A_53 = vector.broadcast %broadcast_in_dim3A : f32 to vector<16xf32>
        %mul3A_54 = arith.constant 16 : i32
        %mul3A_55 = arith.muli %add3A_52, %mul3A_54 : i32
        %swap3A = arith.index_cast %mul3A_55 : i32 to index
        %swap3A_56 = tpu.vector_load %arg9[%swap3A] {strides = array<i32>} : memref<6272xf32, #tpu.memory_space<vmem>>, vector<16xf32>,
        %swap3A_57 = vector.shape_cast %swap3A_56 : vector<16xf32> to vector<16xf32>
        %swap3A_58 = vector.shape_cast %broadcast_in_dim3A_53 : vector<16xf32> to vector<16xf32>
        tpu.vector_store %arg9[%swap3A], %swap3A_58 {strides = array<i32>} : memref<6272xf32, #tpu.memory_space<vmem>>, vector<16xf32>,
      }
      %scan3A_17 = arith.constant 392 : i32
      "tpu.region"() ({
        %run_scoped3A = tpu.sem_alloc : memref<!tpu.dma_semaphore, #tpu.memory_space<semaphore_mem>>
        %dma_start3A_48 = tpu.memref_slice %arg10[%mul3A_7] : memref<100352xf32, #tpu.memory_space<vmem_shared>> -> memref<6272xf32, #tpu.memory_space<vmem_shared>>
        %dma_start3A_49 = tpu.memref_slice %arg10[%mul3A_7] : memref<100352xf32, #tpu.memory_space<vmem_shared>> -> memref<6272xf32, #tpu.memory_space<vmem_shared>>
        tpu.enqueue_dma source(%arg9 : memref<6272xf32, #tpu.memory_space<vmem>>) target(%dma_start3A_49 : memref<6272xf32, #tpu.memory_space<vmem_shared>>) target_semaphore(%run_scoped3A : memref<!tpu.dma_semaphore, #tpu.memory_space<semaphore_mem>>)
        %dma_wait3A = tpu.memref_slice %arg10[%mul3A_7] : memref<100352xf32, #tpu.memory_space<vmem_shared>> -> memref<6272xf32, #tpu.memory_space<vmem_shared>>
        %dma_wait3A_50 = tpu.memref_slice %arg10[%mul3A_7] : memref<100352xf32, #tpu.memory_space<vmem_shared>> -> memref<6272xf32, #tpu.memory_space<vmem_shared>>
        tpu.wait_dma2 semaphore(%run_scoped3A : memref<!tpu.dma_semaphore, #tpu.memory_space<semaphore_mem>>) src(%arg9 : memref<6272xf32, #tpu.memory_space<vmem>>) dst(%dma_wait3A_50 : memref<6272xf32, #tpu.memory_space<vmem_shared>>)
        tpu.yield
      }) : () -> ()
      %scan3A_18 = arith.constant 0 : i32
      %scan3A_19 = arith.constant 64 : i32
      %scan3A_20 = arith.addi %scan3A_18, %scan3A_19 : i32
      %scan3A_21 = arith.constant 1 : i32
      scf.for %scan3A_48 = %scan3A_18 to %scan3A_20 step %scan3A_21  : i32 {
        %mul3A_49 = arith.constant 1 : i32
        %mul3A_50 = arith.muli %scan3A_48, %mul3A_49 : i32
        %add3A_51 = arith.constant 0 : i32
        %add3A_52 = arith.addi %add3A_51, %mul3A_50 : i32
        %broadcast_in_dim3A = arith.constant 1.000000e+00 : f32
        %broadcast_in_dim3A_53 = vector.broadcast %broadcast_in_dim3A : f32 to vector<16xf32>
        %mul3A_54 = arith.constant 16 : i32
        %mul3A_55 = arith.muli %add3A_52, %mul3A_54 : i32
        %swap3A = arith.index_cast %mul3A_55 : i32 to index
        %swap3A_56 = tpu.vector_load %arg8[%swap3A] {strides = array<i32>} : memref<1024xf32, #tpu.memory_space<vmem>>, vector<16xf32>,
        %swap3A_57 = vector.shape_cast %swap3A_56 : vector<16xf32> to vector<16xf32>
        %swap3A_58 = vector.shape_cast %broadcast_in_dim3A_53 : vector<16xf32> to vector<16xf32>
        tpu.vector_store %arg8[%swap3A], %swap3A_58 {strides = array<i32>} : memref<1024xf32, #tpu.memory_space<vmem>>, vector<16xf32>,
      }
      %scan3A_22 = arith.constant 64 : i32
      %barrier3A = arith.constant 0 : index
      tpu.barrier barrier_id(%barrier3A)
      %dma_start3A = arith.constant 1 : i32
      %dma_start3A_23 = tpu.memref_slice %arg3[%dma_start3A, %mul3A_13] : memref<2x1600000xi32, #tpu.memory_space<hbm>> -> memref<1x1024xi32, #tpu.memory_space<hbm>>
      %dma_start3A_24 = tpu.memref_squeeze %dma_start3A_23 : memref<1x1024xi32, #tpu.memory_space<hbm>> -> memref<1024xi32, #tpu.memory_space<hbm>>
      %dma_start3A_25 = tpu.memref_slice %arg3[%dma_start3A, %mul3A_13] : memref<2x1600000xi32, #tpu.memory_space<hbm>> -> memref<1x1024xi32, #tpu.memory_space<hbm>>
      %dma_start3A_26 = tpu.memref_squeeze %dma_start3A_25 : memref<1x1024xi32, #tpu.memory_space<hbm>> -> memref<1024xi32, #tpu.memory_space<hbm>>
      tpu.enqueue_dma source(%dma_start3A_26 : memref<1024xi32, #tpu.memory_space<hbm>>) target(%arg6 : memref<1024xi32, #tpu.memory_space<vmem>>) target_semaphore(%arg12 : memref<!tpu.dma_semaphore, #tpu.memory_space<semaphore_mem>>)
      %sub3A = arith.constant 0 : i32
      %sub3A_27 = arith.subi %select_n3A, %sub3A : i32
      %sub3A_28 = arith.constant 1 : i32
      %sub3A_29 = arith.constant 1 : i32
      %sub3A_30 = arith.subi %sub3A_28, %sub3A_29 : i32
      %add3A = arith.addi %sub3A_27, %sub3A_30 : i32
      %div3A = arith.constant 1 : i32
      %div3A_31 = arith.divsi %add3A, %div3A : i32
      %while3A = arith.constant 1 : i32
      %while3A_32 = arith.constant 0 : i32
      %while3A_33 = arith.constant 0 : i32
      %while3A_34 = arith.subi %div3A_31, %while3A_33 : i32
      %while3A_35 = arith.addi %while3A_33, %while3A_34 : i32
      %while3A_36 = arith.constant 1 : i32
      %while3A_37 = arith.divsi %while3A_34, %while3A_36 : i32
      %while3A_38 = arith.muli %while3A_37, %while3A_36 : i32
      %while3A_39 = arith.addi %while3A_33, %while3A_38 : i32
      %while3A_40 = arith.constant 1 : i32
      scf.for %while3A_48 = %while3A_33 to %while3A_39 step %while3A_40  : i32 {
        %mul3A_49 = arith.muli %while3A_48, %while3A : i32
        %add3A_50 = arith.addi %while3A_32, %mul3A_49 : i32
        %rem3A = arith.constant 2 : i32
        %rem3A_51 = arith.remsi %add3A_50, %rem3A : i32
        %eq3A_52 = arith.constant 0 : i32
        %eq3A_53 = arith.cmpi eq, %rem3A_51, %eq3A_52 : i32
        %add3A_54 = arith.constant 1 : i32
        %add3A_55 = arith.addi %add3A_50, %add3A_54 : i32
        %mul3A_56 = arith.constant 1024 : i32
        %mul3A_57 = arith.muli %add3A_55, %mul3A_56 : i32
        %add3A_58 = arith.addi %mul3A_13, %mul3A_57 : i32
        %add3A_59 = arith.constant 1 : i32
        %add3A_60 = arith.addi %add3A_50, %add3A_59 : i32
        %lt3A_61 = arith.cmpi slt, %add3A_60, %select_n3A : i32
        %convert_element_type3A_62 = arith.extui %lt3A_61 : i1 to i32
        %cond3A_63 = arith.constant 0 : i32
        %cond3A_64 = arith.cmpi ne, %convert_element_type3A_62, %cond3A_63 : i32
        scf.if %cond3A_64 {
          %convert_element_type3A_76 = arith.extui %eq3A_53 : i1 to i32
          %cond3A_77 = arith.constant 0 : i32
          %cond3A_78 = arith.cmpi ne, %convert_element_type3A_76, %cond3A_77 : i32
          scf.if %cond3A_78 {
            %dma_start3A_84 = arith.constant 1 : i32
            %dma_start3A_85 = tpu.memref_slice %arg3[%dma_start3A_84, %add3A_58] : memref<2x1600000xi32, #tpu.memory_space<hbm>> -> memref<1x1024xi32, #tpu.memory_space<hbm>>
            %dma_start3A_86 = tpu.memref_squeeze %dma_start3A_85 : memref<1x1024xi32, #tpu.memory_space<hbm>> -> memref<1024xi32, #tpu.memory_space<hbm>>
            %dma_start3A_87 = tpu.memref_slice %arg3[%dma_start3A_84, %add3A_58] : memref<2x1600000xi32, #tpu.memory_space<hbm>> -> memref<1x1024xi32, #tpu.memory_space<hbm>>
            %dma_start3A_88 = tpu.memref_squeeze %dma_start3A_87 : memref<1x1024xi32, #tpu.memory_space<hbm>> -> memref<1024xi32, #tpu.memory_space<hbm>>
            tpu.enqueue_dma source(%dma_start3A_88 : memref<1024xi32, #tpu.memory_space<hbm>>) target(%arg7 : memref<1024xi32, #tpu.memory_space<vmem>>) target_semaphore(%arg12 : memref<!tpu.dma_semaphore, #tpu.memory_space<semaphore_mem>>)
          } else {
          }
          %not3A_79 = arith.constant true
          %not3A_80 = arith.xori %eq3A_53, %not3A_79 : i1
          %convert_element_type3A_81 = arith.extui %not3A_80 : i1 to i32
          %cond3A_82 = arith.constant 0 : i32
          %cond3A_83 = arith.cmpi ne, %convert_element_type3A_81, %cond3A_82 : i32
          scf.if %cond3A_83 {
            %dma_start3A_84 = arith.constant 1 : i32
            %dma_start3A_85 = tpu.memref_slice %arg3[%dma_start3A_84, %add3A_58] : memref<2x1600000xi32, #tpu.memory_space<hbm>> -> memref<1x1024xi32, #tpu.memory_space<hbm>>
            %dma_start3A_86 = tpu.memref_squeeze %dma_start3A_85 : memref<1x1024xi32, #tpu.memory_space<hbm>> -> memref<1024xi32, #tpu.memory_space<hbm>>
            %dma_start3A_87 = tpu.memref_slice %arg3[%dma_start3A_84, %add3A_58] : memref<2x1600000xi32, #tpu.memory_space<hbm>> -> memref<1x1024xi32, #tpu.memory_space<hbm>>
            %dma_start3A_88 = tpu.memref_squeeze %dma_start3A_87 : memref<1x1024xi32, #tpu.memory_space<hbm>> -> memref<1024xi32, #tpu.memory_space<hbm>>
            tpu.enqueue_dma source(%dma_start3A_88 : memref<1024xi32, #tpu.memory_space<hbm>>) target(%arg6 : memref<1024xi32, #tpu.memory_space<vmem>>) target_semaphore(%arg12 : memref<!tpu.dma_semaphore, #tpu.memory_space<semaphore_mem>>)
          } else {
          }
        } else {
        }
        %dma_wait3A = arith.constant 1 : i32
        %dma_wait3A_65 = tpu.memref_slice %arg3[%dma_wait3A, %mul3A_13] : memref<2x1600000xi32, #tpu.memory_space<hbm>> -> memref<1x1024xi32, #tpu.memory_space<hbm>>
        %dma_wait3A_66 = tpu.memref_squeeze %dma_wait3A_65 : memref<1x1024xi32, #tpu.memory_space<hbm>> -> memref<1024xi32, #tpu.memory_space<hbm>>
        %dma_wait3A_67 = tpu.memref_slice %arg3[%dma_wait3A, %mul3A_13] : memref<2x1600000xi32, #tpu.memory_space<hbm>> -> memref<1x1024xi32, #tpu.memory_space<hbm>>
        %dma_wait3A_68 = tpu.memref_squeeze %dma_wait3A_67 : memref<1x1024xi32, #tpu.memory_space<hbm>> -> memref<1024xi32, #tpu.memory_space<hbm>>
        tpu.wait_dma2 semaphore(%arg12 : memref<!tpu.dma_semaphore, #tpu.memory_space<semaphore_mem>>) src(%dma_wait3A_68 : memref<1024xi32, #tpu.memory_space<hbm>>) dst(%arg6 : memref<1024xi32, #tpu.memory_space<vmem>>)
        %convert_element_type3A_69 = arith.extui %eq3A_53 : i1 to i32
        %cond3A_70 = arith.constant 0 : i32
        %cond3A_71 = arith.cmpi ne, %convert_element_type3A_69, %cond3A_70 : i32
        scf.if %cond3A_71 {
          %dma_start3A_76 = arith.constant 0 : i32
          %dma_start3A_77 = tpu.memref_slice %arg10[%dma_start3A_76] : memref<100352xf32, #tpu.memory_space<vmem_shared>> -> memref<100352xf32, #tpu.memory_space<vmem_shared>>
          tpu.enqueue_indirect_dma source(%arg8 : memref<1024xf32, #tpu.memory_space<vmem>>) target(%dma_start3A_77 : memref<100352xf32, #tpu.memory_space<vmem_shared>>) offsets(%arg6 : memref<1024xi32, #tpu.memory_space<vmem>>) semaphore(%arg11 : memref<!tpu.dma_semaphore, #tpu.memory_space<semaphore_mem>>) {add = true}
          %dma_wait3A_78 = arith.constant 0 : i32
          %dma_wait3A_79 = tpu.memref_slice %arg10[%dma_wait3A_78] : memref<100352xf32, #tpu.memory_space<vmem_shared>> -> memref<100352xf32, #tpu.memory_space<vmem_shared>>
          tpu.wait_indirect_dma semaphore(%arg11 : memref<!tpu.dma_semaphore, #tpu.memory_space<semaphore_mem>>) src(%arg8 : memref<1024xf32, #tpu.memory_space<vmem>>) dst(%dma_wait3A_79 : memref<100352xf32, #tpu.memory_space<vmem_shared>>)
        } else {
        }
        %not3A = arith.constant true
        %not3A_72 = arith.xori %eq3A_53, %not3A : i1
        %convert_element_type3A_73 = arith.extui %not3A_72 : i1 to i32
        %cond3A_74 = arith.constant 0 : i32
        %cond3A_75 = arith.cmpi ne, %convert_element_type3A_73, %cond3A_74 : i32
        scf.if %cond3A_75 {
          %dma_start3A_76 = arith.constant 0 : i32
          %dma_start3A_77 = tpu.memref_slice %arg10[%dma_start3A_76] : memref<100352xf32, #tpu.memory_space<vmem_shared>> -> memref<100352xf32, #tpu.memory_space<vmem_shared>>
          tpu.enqueue_indirect_dma source(%arg8 : memref<1024xf32, #tpu.memory_space<vmem>>) target(%dma_start3A_77 : memref<100352xf32, #tpu.memory_space<vmem_shared>>) offsets(%arg7 : memref<1024xi32, #tpu.memory_space<vmem>>) semaphore(%arg11 : memref<!tpu.dma_semaphore, #tpu.memory_space<semaphore_mem>>) {add = true}
          %dma_wait3A_78 = arith.constant 0 : i32
          %dma_wait3A_79 = tpu.memref_slice %arg10[%dma_wait3A_78] : memref<100352xf32, #tpu.memory_space<vmem_shared>> -> memref<100352xf32, #tpu.memory_space<vmem_shared>>
          tpu.wait_indirect_dma semaphore(%arg11 : memref<!tpu.dma_semaphore, #tpu.memory_space<semaphore_mem>>) src(%arg8 : memref<1024xf32, #tpu.memory_space<vmem>>) dst(%dma_wait3A_79 : memref<100352xf32, #tpu.memory_space<vmem_shared>>)
        } else {
        }
      }
      %while3A_41 = arith.constant 1 : i32
      scf.for %while3A_48 = %while3A_39 to %while3A_35 step %while3A_41  : i32 {
        %mul3A_49 = arith.muli %while3A_48, %while3A : i32
        %add3A_50 = arith.addi %while3A_32, %mul3A_49 : i32
        %rem3A = arith.constant 2 : i32
        %rem3A_51 = arith.remsi %add3A_50, %rem3A : i32
        %eq3A_52 = arith.constant 0 : i32
        %eq3A_53 = arith.cmpi eq, %rem3A_51, %eq3A_52 : i32
        %add3A_54 = arith.constant 1 : i32
        %add3A_55 = arith.addi %add3A_50, %add3A_54 : i32
        %mul3A_56 = arith.constant 1024 : i32
        %mul3A_57 = arith.muli %add3A_55, %mul3A_56 : i32
        %add3A_58 = arith.addi %mul3A_13, %mul3A_57 : i32
        %add3A_59 = arith.constant 1 : i32
        %add3A_60 = arith.addi %add3A_50, %add3A_59 : i32
        %lt3A_61 = arith.cmpi slt, %add3A_60, %select_n3A : i32
        %convert_element_type3A_62 = arith.extui %lt3A_61 : i1 to i32
        %cond3A_63 = arith.constant 0 : i32
        %cond3A_64 = arith.cmpi ne, %convert_element_type3A_62, %cond3A_63 : i32
        scf.if %cond3A_64 {
          %convert_element_type3A_76 = arith.extui %eq3A_53 : i1 to i32
          %cond3A_77 = arith.constant 0 : i32
          %cond3A_78 = arith.cmpi ne, %convert_element_type3A_76, %cond3A_77 : i32
          scf.if %cond3A_78 {
            %dma_start3A_84 = arith.constant 1 : i32
            %dma_start3A_85 = tpu.memref_slice %arg3[%dma_start3A_84, %add3A_58] : memref<2x1600000xi32, #tpu.memory_space<hbm>> -> memref<1x1024xi32, #tpu.memory_space<hbm>>
            %dma_start3A_86 = tpu.memref_squeeze %dma_start3A_85 : memref<1x1024xi32, #tpu.memory_space<hbm>> -> memref<1024xi32, #tpu.memory_space<hbm>>
            %dma_start3A_87 = tpu.memref_slice %arg3[%dma_start3A_84, %add3A_58] : memref<2x1600000xi32, #tpu.memory_space<hbm>> -> memref<1x1024xi32, #tpu.memory_space<hbm>>
            %dma_start3A_88 = tpu.memref_squeeze %dma_start3A_87 : memref<1x1024xi32, #tpu.memory_space<hbm>> -> memref<1024xi32, #tpu.memory_space<hbm>>
            tpu.enqueue_dma source(%dma_start3A_88 : memref<1024xi32, #tpu.memory_space<hbm>>) target(%arg7 : memref<1024xi32, #tpu.memory_space<vmem>>) target_semaphore(%arg12 : memref<!tpu.dma_semaphore, #tpu.memory_space<semaphore_mem>>)
          } else {
          }
          %not3A_79 = arith.constant true
          %not3A_80 = arith.xori %eq3A_53, %not3A_79 : i1
          %convert_element_type3A_81 = arith.extui %not3A_80 : i1 to i32
          %cond3A_82 = arith.constant 0 : i32
          %cond3A_83 = arith.cmpi ne, %convert_element_type3A_81, %cond3A_82 : i32
          scf.if %cond3A_83 {
            %dma_start3A_84 = arith.constant 1 : i32
            %dma_start3A_85 = tpu.memref_slice %arg3[%dma_start3A_84, %add3A_58] : memref<2x1600000xi32, #tpu.memory_space<hbm>> -> memref<1x1024xi32, #tpu.memory_space<hbm>>
            %dma_start3A_86 = tpu.memref_squeeze %dma_start3A_85 : memref<1x1024xi32, #tpu.memory_space<hbm>> -> memref<1024xi32, #tpu.memory_space<hbm>>
            %dma_start3A_87 = tpu.memref_slice %arg3[%dma_start3A_84, %add3A_58] : memref<2x1600000xi32, #tpu.memory_space<hbm>> -> memref<1x1024xi32, #tpu.memory_space<hbm>>
            %dma_start3A_88 = tpu.memref_squeeze %dma_start3A_87 : memref<1x1024xi32, #tpu.memory_space<hbm>> -> memref<1024xi32, #tpu.memory_space<hbm>>
            tpu.enqueue_dma source(%dma_start3A_88 : memref<1024xi32, #tpu.memory_space<hbm>>) target(%arg6 : memref<1024xi32, #tpu.memory_space<vmem>>) target_semaphore(%arg12 : memref<!tpu.dma_semaphore, #tpu.memory_space<semaphore_mem>>)
          } else {
          }
        } else {
        }
        %dma_wait3A = arith.constant 1 : i32
        %dma_wait3A_65 = tpu.memref_slice %arg3[%dma_wait3A, %mul3A_13] : memref<2x1600000xi32, #tpu.memory_space<hbm>> -> memref<1x1024xi32, #tpu.memory_space<hbm>>
        %dma_wait3A_66 = tpu.memref_squeeze %dma_wait3A_65 : memref<1x1024xi32, #tpu.memory_space<hbm>> -> memref<1024xi32, #tpu.memory_space<hbm>>
        %dma_wait3A_67 = tpu.memref_slice %arg3[%dma_wait3A, %mul3A_13] : memref<2x1600000xi32, #tpu.memory_space<hbm>> -> memref<1x1024xi32, #tpu.memory_space<hbm>>
        %dma_wait3A_68 = tpu.memref_squeeze %dma_wait3A_67 : memref<1x1024xi32, #tpu.memory_space<hbm>> -> memref<1024xi32, #tpu.memory_space<hbm>>
        tpu.wait_dma2 semaphore(%arg12 : memref<!tpu.dma_semaphore, #tpu.memory_space<semaphore_mem>>) src(%dma_wait3A_68 : memref<1024xi32, #tpu.memory_space<hbm>>) dst(%arg6 : memref<1024xi32, #tpu.memory_space<vmem>>)
        %convert_element_type3A_69 = arith.extui %eq3A_53 : i1 to i32
        %cond3A_70 = arith.constant 0 : i32
        %cond3A_71 = arith.cmpi ne, %convert_element_type3A_69, %cond3A_70 : i32
        scf.if %cond3A_71 {
          %dma_start3A_76 = arith.constant 0 : i32
          %dma_start3A_77 = tpu.memref_slice %arg10[%dma_start3A_76] : memref<100352xf32, #tpu.memory_space<vmem_shared>> -> memref<100352xf32, #tpu.memory_space<vmem_shared>>
          tpu.enqueue_indirect_dma source(%arg8 : memref<1024xf32, #tpu.memory_space<vmem>>) target(%dma_start3A_77 : memref<100352xf32, #tpu.memory_space<vmem_shared>>) offsets(%arg6 : memref<1024xi32, #tpu.memory_space<vmem>>) semaphore(%arg11 : memref<!tpu.dma_semaphore, #tpu.memory_space<semaphore_mem>>) {add = true}
          %dma_wait3A_78 = arith.constant 0 : i32
          %dma_wait3A_79 = tpu.memref_slice %arg10[%dma_wait3A_78] : memref<100352xf32, #tpu.memory_space<vmem_shared>> -> memref<100352xf32, #tpu.memory_space<vmem_shared>>
          tpu.wait_indirect_dma semaphore(%arg11 : memref<!tpu.dma_semaphore, #tpu.memory_space<semaphore_mem>>) src(%arg8 : memref<1024xf32, #tpu.memory_space<vmem>>) dst(%dma_wait3A_79 : memref<100352xf32, #tpu.memory_space<vmem_shared>>)
        } else {
        }
        %not3A = arith.constant true
        %not3A_72 = arith.xori %eq3A_53, %not3A : i1
        %convert_element_type3A_73 = arith.extui %not3A_72 : i1 to i32
        %cond3A_74 = arith.constant 0 : i32
        %cond3A_75 = arith.cmpi ne, %convert_element_type3A_73, %cond3A_74 : i32
        scf.if %cond3A_75 {
          %dma_start3A_76 = arith.constant 0 : i32
          %dma_start3A_77 = tpu.memref_slice %arg10[%dma_start3A_76] : memref<100352xf32, #tpu.memory_space<vmem_shared>> -> memref<100352xf32, #tpu.memory_space<vmem_shared>>
          tpu.enqueue_indirect_dma source(%arg8 : memref<1024xf32, #tpu.memory_space<vmem>>) target(%dma_start3A_77 : memref<100352xf32, #tpu.memory_space<vmem_shared>>) offsets(%arg7 : memref<1024xi32, #tpu.memory_space<vmem>>) semaphore(%arg11 : memref<!tpu.dma_semaphore, #tpu.memory_space<semaphore_mem>>) {add = true}
          %dma_wait3A_78 = arith.constant 0 : i32
          %dma_wait3A_79 = tpu.memref_slice %arg10[%dma_wait3A_78] : memref<100352xf32, #tpu.memory_space<vmem_shared>> -> memref<100352xf32, #tpu.memory_space<vmem_shared>>
          tpu.wait_indirect_dma semaphore(%arg11 : memref<!tpu.dma_semaphore, #tpu.memory_space<semaphore_mem>>) src(%arg8 : memref<1024xf32, #tpu.memory_space<vmem>>) dst(%dma_wait3A_79 : memref<100352xf32, #tpu.memory_space<vmem_shared>>)
        } else {
        }
      }
      %eq3A_42 = arith.constant 15 : i32
      %eq3A_43 = arith.cmpi eq, %arg1, %eq3A_42 : i32
      %convert_element_type3A_44 = arith.extui %eq3A_43 : i1 to i32
      %cond3A_45 = arith.constant 0 : i32
      %cond3A_46 = arith.cmpi ne, %convert_element_type3A_44, %cond3A_45 : i32
      scf.if %cond3A_46 {
        %run_scoped3A = arith.constant 1 : i32
        "tpu.region"() ({
          %run_scoped3A_59 = tpu.sem_alloc : memref<!tpu.dma_semaphore, #tpu.memory_space<semaphore_mem>>
          %dma_start3A_60 = arith.constant 0 : i32
          %dma_start3A_61 = tpu.memref_slice %arg6[%dma_start3A_60] : memref<1024xi32, #tpu.memory_space<vmem>> -> memref<512xi32, #tpu.memory_space<vmem>>
          %dma_start3A_62 = arith.constant 1599488 : i32
          %dma_start3A_63 = tpu.memref_slice %arg3[%run_scoped3A, %dma_start3A_62] : memref<2x1600000xi32, #tpu.memory_space<hbm>> -> memref<1x512xi32, #tpu.memory_space<hbm>>
          %dma_start3A_64 = tpu.memref_squeeze %dma_start3A_63 : memref<1x512xi32, #tpu.memory_space<hbm>> -> memref<512xi32, #tpu.memory_space<hbm>>
          %dma_start3A_65 = arith.constant 0 : i32
          %dma_start3A_66 = tpu.memref_slice %arg6[%dma_start3A_65] : memref<1024xi32, #tpu.memory_space<vmem>> -> memref<512xi32, #tpu.memory_space<vmem>>
          %dma_start3A_67 = arith.constant 1599488 : i32
          %dma_start3A_68 = tpu.memref_slice %arg3[%run_scoped3A, %dma_start3A_67] : memref<2x1600000xi32, #tpu.memory_space<hbm>> -> memref<1x512xi32, #tpu.memory_space<hbm>>
          %dma_start3A_69 = tpu.memref_squeeze %dma_start3A_68 : memref<1x512xi32, #tpu.memory_space<hbm>> -> memref<512xi32, #tpu.memory_space<hbm>>
          tpu.enqueue_dma source(%dma_start3A_69 : memref<512xi32, #tpu.memory_space<hbm>>) target(%dma_start3A_66 : memref<512xi32, #tpu.memory_space<vmem>>) target_semaphore(%run_scoped3A_59 : memref<!tpu.dma_semaphore, #tpu.memory_space<semaphore_mem>>)
          %dma_wait3A_70 = arith.constant 0 : i32
          %dma_wait3A_71 = tpu.memref_slice %arg6[%dma_wait3A_70] : memref<1024xi32, #tpu.memory_space<vmem>> -> memref<512xi32, #tpu.memory_space<vmem>>
          %dma_wait3A_72 = arith.constant 1599488 : i32
          %dma_wait3A_73 = tpu.memref_slice %arg3[%run_scoped3A, %dma_wait3A_72] : memref<2x1600000xi32, #tpu.memory_space<hbm>> -> memref<1x512xi32, #tpu.memory_space<hbm>>
          %dma_wait3A_74 = tpu.memref_squeeze %dma_wait3A_73 : memref<1x512xi32, #tpu.memory_space<hbm>> -> memref<512xi32, #tpu.memory_space<hbm>>
          %dma_wait3A_75 = arith.constant 0 : i32
          %dma_wait3A_76 = tpu.memref_slice %arg6[%dma_wait3A_75] : memref<1024xi32, #tpu.memory_space<vmem>> -> memref<512xi32, #tpu.memory_space<vmem>>
          %dma_wait3A_77 = arith.constant 1599488 : i32
          %dma_wait3A_78 = tpu.memref_slice %arg3[%run_scoped3A, %dma_wait3A_77] : memref<2x1600000xi32, #tpu.memory_space<hbm>> -> memref<1x512xi32, #tpu.memory_space<hbm>>
          %dma_wait3A_79 = tpu.memref_squeeze %dma_wait3A_78 : memref<1x512xi32, #tpu.memory_space<hbm>> -> memref<512xi32, #tpu.memory_space<hbm>>
          tpu.wait_dma2 semaphore(%run_scoped3A_59 : memref<!tpu.dma_semaphore, #tpu.memory_space<semaphore_mem>>) src(%dma_wait3A_79 : memref<512xi32, #tpu.memory_space<hbm>>) dst(%dma_wait3A_76 : memref<512xi32, #tpu.memory_space<vmem>>)
          tpu.yield
        }) : () -> ()
        %dma_start3A_48 = arith.constant 0 : i32
        %dma_start3A_49 = tpu.memref_slice %arg8[%dma_start3A_48] : memref<1024xf32, #tpu.memory_space<vmem>> -> memref<512xf32, #tpu.memory_space<vmem>>
        %dma_start3A_50 = arith.constant 0 : i32
        %dma_start3A_51 = tpu.memref_slice %arg6[%dma_start3A_50] : memref<1024xi32, #tpu.memory_space<vmem>> -> memref<512xi32, #tpu.memory_space<vmem>>
        %dma_start3A_52 = arith.constant 0 : i32
        %dma_start3A_53 = tpu.memref_slice %arg10[%dma_start3A_52] : memref<100352xf32, #tpu.memory_space<vmem_shared>> -> memref<100352xf32, #tpu.memory_space<vmem_shared>>
        tpu.enqueue_indirect_dma source(%dma_start3A_49 : memref<512xf32, #tpu.memory_space<vmem>>) target(%dma_start3A_53 : memref<100352xf32, #tpu.memory_space<vmem_shared>>) offsets(%dma_start3A_51 : memref<512xi32, #tpu.memory_space<vmem>>) semaphore(%arg11 : memref<!tpu.dma_semaphore, #tpu.memory_space<semaphore_mem>>) {add = true}
        %dma_wait3A = arith.constant 0 : i32
        %dma_wait3A_54 = tpu.memref_slice %arg8[%dma_wait3A] : memref<1024xf32, #tpu.memory_space<vmem>> -> memref<512xf32, #tpu.memory_space<vmem>>
        %dma_wait3A_55 = arith.constant 0 : i32
        %dma_wait3A_56 = tpu.memref_slice %arg6[%dma_wait3A_55] : memref<1024xi32, #tpu.memory_space<vmem>> -> memref<512xi32, #tpu.memory_space<vmem>>
        %dma_wait3A_57 = arith.constant 0 : i32
        %dma_wait3A_58 = tpu.memref_slice %arg10[%dma_wait3A_57] : memref<100352xf32, #tpu.memory_space<vmem_shared>> -> memref<100352xf32, #tpu.memory_space<vmem_shared>>
        tpu.wait_indirect_dma semaphore(%arg11 : memref<!tpu.dma_semaphore, #tpu.memory_space<semaphore_mem>>) src(%dma_wait3A_54 : memref<512xf32, #tpu.memory_space<vmem>>) dst(%dma_wait3A_58 : memref<100352xf32, #tpu.memory_space<vmem_shared>>)
      } else {
      }
      %barrier3A_47 = arith.constant 0 : index
      tpu.barrier barrier_id(%barrier3A_47)
      "tpu.region"() ({
        %run_scoped3A = tpu.sem_alloc : memref<!tpu.dma_semaphore, #tpu.memory_space<semaphore_mem>>
        %dma_start3A_48 = tpu.memref_slice %arg10[%mul3A_7] : memref<100352xf32, #tpu.memory_space<vmem_shared>> -> memref<6272xf32, #tpu.memory_space<vmem_shared>>
        %dma_start3A_49 = tpu.memref_slice %arg10[%mul3A_7] : memref<100352xf32, #tpu.memory_space<vmem_shared>> -> memref<6272xf32, #tpu.memory_space<vmem_shared>>
        tpu.enqueue_dma source(%dma_start3A_49 : memref<6272xf32, #tpu.memory_space<vmem_shared>>) target(%arg9 : memref<6272xf32, #tpu.memory_space<vmem>>) target_semaphore(%run_scoped3A : memref<!tpu.dma_semaphore, #tpu.memory_space<semaphore_mem>>)
        %dma_wait3A = tpu.memref_slice %arg10[%mul3A_7] : memref<100352xf32, #tpu.memory_space<vmem_shared>> -> memref<6272xf32, #tpu.memory_space<vmem_shared>>
        %dma_wait3A_50 = tpu.memref_slice %arg10[%mul3A_7] : memref<100352xf32, #tpu.memory_space<vmem_shared>> -> memref<6272xf32, #tpu.memory_space<vmem_shared>>
        tpu.wait_dma2 semaphore(%run_scoped3A : memref<!tpu.dma_semaphore, #tpu.memory_space<semaphore_mem>>) src(%dma_wait3A_50 : memref<6272xf32, #tpu.memory_space<vmem_shared>>) dst(%arg9 : memref<6272xf32, #tpu.memory_space<vmem>>)
        tpu.yield
      }) : () -> ()
      "tpu.region"() ({
        %run_scoped3A = tpu.sem_alloc : memref<!tpu.dma_semaphore, #tpu.memory_space<semaphore_mem>>
        %dma_start3A_48 = tpu.memref_slice %arg5[%mul3A_7] : memref<100352xf32, #tpu.memory_space<hbm>> -> memref<6272xf32, #tpu.memory_space<hbm>>
        %dma_start3A_49 = tpu.memref_slice %arg5[%mul3A_7] : memref<100352xf32, #tpu.memory_space<hbm>> -> memref<6272xf32, #tpu.memory_space<hbm>>
        tpu.enqueue_dma source(%arg9 : memref<6272xf32, #tpu.memory_space<vmem>>) target(%dma_start3A_49 : memref<6272xf32, #tpu.memory_space<hbm>>) target_semaphore(%run_scoped3A : memref<!tpu.dma_semaphore, #tpu.memory_space<semaphore_mem>>)
        %dma_wait3A = tpu.memref_slice %arg5[%mul3A_7] : memref<100352xf32, #tpu.memory_space<hbm>> -> memref<6272xf32, #tpu.memory_space<hbm>>
        %dma_wait3A_50 = tpu.memref_slice %arg5[%mul3A_7] : memref<100352xf32, #tpu.memory_space<hbm>> -> memref<6272xf32, #tpu.memory_space<hbm>>
        tpu.wait_dma2 semaphore(%run_scoped3A : memref<!tpu.dma_semaphore, #tpu.memory_space<semaphore_mem>>) src(%arg9 : memref<6272xf32, #tpu.memory_space<vmem>>) dst(%dma_wait3A_50 : memref<6272xf32, #tpu.memory_space<hbm>>)
        tpu.yield
      }) : () -> ()
    } else {
    }
    return
  }
}

module attributes {stable_mosaic.version = 14 : i64} {
  func.func @_stats_body(%arg0: i32, %arg1: memref<2x12544xf32, #tpu.memory_space<vmem>>, %arg2: memref<1x8x8xf32, #tpu.memory_space<vmem>>) attributes {dimension_semantics = [#tpu.dimension_semantics<arbitrary>], iteration_bounds = array<i64: 8>, scalar_prefetch = 0 : i64, scratch_operands = 0 : i64, tpu.core_type = #tpu.core_type<tc>, window_params = [{transform_indices = @transform_0, window_bounds = array<i64: 2, 12544>}, {transform_indices = @transform_1, window_bounds = array<i64: 1, 8, 8>}]} {
    %get3A = arith.constant 0 : index
    %get3A_0 = arith.constant 0 : index
    %get3A_1 = vector.load %arg1[%get3A, %get3A_0] : memref<2x12544xf32, #tpu.memory_space<vmem>>, vector<2x12544xf32>
    %iota3A = tpu.iota {dimensions = array<i32: 1>} : vector<2x12544xi32>
    %mul3A = arith.constant 12544 : i32
    %mul3A_2 = arith.muli %arg0, %mul3A : i32
    %add3A = vector.broadcast %mul3A_2 : i32 to vector<2x12544xi32>
    %add3A_3 = arith.addi %iota3A, %add3A : vector<2x12544xi32>
    %lt3A = arith.constant 100000 : i32
    %lt3A_4 = vector.broadcast %lt3A : i32 to vector<2x12544xi32>
    %lt3A_5 = arith.cmpi slt, %add3A_3, %lt3A_4 : vector<2x12544xi32>
    %jit3A = arith.constant 0.000000e+00 : f32
    %broadcast_in_dim3A = vector.broadcast %jit3A : f32 to vector<2x12544xf32>
    %select_n3A = arith.select %lt3A_5, %get3A_1, %broadcast_in_dim3A : vector<2x12544xi1>, vector<2x12544xf32>
    %dot_general3A = arith.constant dense<0.000000e+00> : vector<2x2xf32>
    %dot_general3A_6 = tpu.matmul %select_n3A, %select_n3A, %dot_general3A {dimension_numbers = #tpu.dot_dimension_numbers<[1], [1], [0], [0], [0, 0, 1, 0], [], []>, precision = #tpu.contract_precision<fp32>, transpose_lhs_hint = false} : vector<2x12544xf32>, vector<2x12544xf32>, vector<2x2xf32> -> vector<2x2xf32>
    %reduce_sum3A = arith.constant dense<0.000000e+00> : vector<2xf32>
    %reduce_sum3A_7 = vector.multi_reduction <add>, %select_n3A, %reduce_sum3A [1] : vector<2x12544xf32> to vector<2xf32>
    %broadcast_in_dim3A_8 = vector.shape_cast %reduce_sum3A_7 : vector<2xf32> to vector<2x1xf32>
    %concatenate3A = tpu.concatenate %dot_general3A_6, %broadcast_in_dim3A_8 in 1 : vector<2x2xf32>, vector<2x1xf32> -> vector<2x3xf32>
    %jit3A_9 = arith.constant 0 : i32
    %convert_element_type3A = arith.sitofp %jit3A_9 : i32 to f32
    %pad3A = vector.broadcast %convert_element_type3A : f32 to vector<6x3xf32>
    %pad3A_10 = tpu.concatenate %concatenate3A, %pad3A in 0 : vector<2x3xf32>, vector<6x3xf32> -> vector<8x3xf32>
    %pad3A_11 = vector.broadcast %convert_element_type3A : f32 to vector<8x5xf32>
    %pad3A_12 = tpu.concatenate %pad3A_10, %pad3A_11 in 1 : vector<8x3xf32>, vector<8x5xf32> -> vector<8x8xf32>
    %broadcast_in_dim3A_13 = vector.shape_cast %pad3A_12 : vector<8x8xf32> to vector<1x8x8xf32>
    %swap3A = arith.constant 0 : index
    %swap3A_14 = arith.constant 0 : index
    %swap3A_15 = arith.constant 0 : index
    %swap3A_16 = vector.load %arg2[%swap3A, %swap3A_14, %swap3A_15] : memref<1x8x8xf32, #tpu.memory_space<vmem>>, vector<1x8x8xf32>
    tpu.vector_store %arg2[%swap3A, %swap3A_14, %swap3A_15], %broadcast_in_dim3A_13 {strides = array<i32>} : memref<1x8x8xf32, #tpu.memory_space<vmem>>, vector<1x8x8xf32>,
    return
  }
  func.func @transform_0(%arg0: i32) -> (i32, i32) {
    %c0_i32 = arith.constant 0 : i32
    %c0_i32_0 = arith.constant 0 : i32
    return %c0_i32, %arg0 : i32, i32
  }
  func.func @transform_1(%arg0: i32) -> (i32, i32, i32) {
    %c0_i32 = arith.constant 0 : i32
    %c0_i32_0 = arith.constant 0 : i32
    %c0_i32_1 = arith.constant 0 : i32
    return %arg0, %c0_i32, %c0_i32_0 : i32, i32, i32
  }
}

module attributes {stable_mosaic.version = 14 : i64} {
  func.func @_dense_body(%arg0: i32, %arg1: memref<2x14336xf32, #tpu.memory_space<vmem>>, %arg2: memref<8x8x8xf32, #tpu.memory_space<vmem>>, %arg3: memref<2x32xf32, #tpu.memory_space<vmem>>, %arg4: memref<32xf32, #tpu.memory_space<vmem>>, %arg5: memref<32xf32, #tpu.memory_space<vmem>>, %arg6: memref<32xf32, #tpu.memory_space<vmem>>, %arg7: memref<1xf32, #tpu.memory_space<vmem>>, %arg8: memref<32x32xf32, #tpu.memory_space<vmem>>, %arg9: memref<32xf32, #tpu.memory_space<vmem>>, %arg10: memref<32x32xf32, #tpu.memory_space<vmem>>, %arg11: memref<32xf32, #tpu.memory_space<vmem>>, %arg12: memref<32x32xf32, #tpu.memory_space<vmem>>, %arg13: memref<32xf32, #tpu.memory_space<vmem>>, %arg14: memref<32x1xf32, #tpu.memory_space<vmem>>, %arg15: memref<1xf32, #tpu.memory_space<vmem>>, %arg16: memref<32x1xf32, #tpu.memory_space<vmem>>, %arg17: memref<1xf32, #tpu.memory_space<vmem>>, %arg18: memref<32x1xf32, #tpu.memory_space<vmem>>, %arg19: memref<1xf32, #tpu.memory_space<vmem>>, %arg20: memref<14336xf32, #tpu.memory_space<vmem>>, %arg21: memref<14336xf32, #tpu.memory_space<vmem>>, %arg22: memref<14336xf32, #tpu.memory_space<vmem>>) attributes {dimension_semantics = [#tpu.dimension_semantics<arbitrary>], iteration_bounds = array<i64: 7>, scalar_prefetch = 0 : i64, scratch_operands = 0 : i64, tpu.core_type = #tpu.core_type<tc>, window_params = [{transform_indices = @transform_0, window_bounds = array<i64: 2, 14336>}, {pipeline_mode = #tpu.pipeline_mode<synchronous>, transform_indices = @transform_1, window_bounds = array<i64: 8, 8, 8>}, {pipeline_mode = #tpu.pipeline_mode<synchronous>, transform_indices = @transform_2, window_bounds = array<i64: 2, 32>}, {pipeline_mode = #tpu.pipeline_mode<synchronous>, transform_indices = @transform_3, window_bounds = array<i64: 32>}, {pipeline_mode = #tpu.pipeline_mode<synchronous>, transform_indices = @transform_4, window_bounds = array<i64: 32>}, {pipeline_mode = #tpu.pipeline_mode<synchronous>, transform_indices = @transform_5, window_bounds = array<i64: 32>}, {pipeline_mode = #tpu.pipeline_mode<synchronous>, transform_indices = @transform_6, window_bounds = array<i64: 1>}, {pipeline_mode = #tpu.pipeline_mode<synchronous>, transform_indices = @transform_7, window_bounds = array<i64: 32, 32>}, {pipeline_mode = #tpu.pipeline_mode<synchronous>, transform_indices = @transform_8, window_bounds = array<i64: 32>}, {pipeline_mode = #tpu.pipeline_mode<synchronous>, transform_indices = @transform_9, window_bounds = array<i64: 32, 32>}, {pipeline_mode = #tpu.pipeline_mode<synchronous>, transform_indices = @transform_10, window_bounds = array<i64: 32>}, {pipeline_mode = #tpu.pipeline_mode<synchronous>, transform_indices = @transform_11, window_bounds = array<i64: 32, 32>}, {pipeline_mode = #tpu.pipeline_mode<synchronous>, transform_indices = @transform_12, window_bounds = array<i64: 32>}, {pipeline_mode = #tpu.pipeline_mode<synchronous>, transform_indices = @transform_13, window_bounds = array<i64: 32, 1>}, {pipeline_mode = #tpu.pipeline_mode<synchronous>, transform_indices = @transform_14, window_bounds = array<i64: 1>}, {pipeline_mode = #tpu.pipeline_mode<synchronous>, transform_indices = @transform_15, window_bounds = array<i64: 32, 1>}, {pipeline_mode = #tpu.pipeline_mode<synchronous>, transform_indices = @transform_16, window_bounds = array<i64: 1>}, {pipeline_mode = #tpu.pipeline_mode<synchronous>, transform_indices = @transform_17, window_bounds = array<i64: 32, 1>}, {pipeline_mode = #tpu.pipeline_mode<synchronous>, transform_indices = @transform_18, window_bounds = array<i64: 1>}, {transform_indices = @transform_19, window_bounds = array<i64: 14336>}, {transform_indices = @transform_20, window_bounds = array<i64: 14336>}, {transform_indices = @transform_21, window_bounds = array<i64: 14336>}]} {
    %get3A = arith.constant 0 : index
    %get3A_0 = arith.constant 0 : index
    %get3A_1 = arith.constant 0 : index
    %get3A_2 = vector.load %arg2[%get3A, %get3A_0, %get3A_1] : memref<8x8x8xf32, #tpu.memory_space<vmem>>, vector<8x8x8xf32>
    %reduce_sum3A = arith.constant dense<0.000000e+00> : vector<8x8xf32>
    %reduce_sum3A_3 = vector.multi_reduction <add>, %get3A_2, %reduce_sum3A [0] : vector<8x8x8xf32> to vector<8x8xf32>
    %slice3A = vector.extract_strided_slice %reduce_sum3A_3 {offsets = [0, 2], sizes = [2, 1], strides = [1, 1]} : vector<8x8xf32> to vector<2x1xf32>
    %squeeze3A = vector.shape_cast %slice3A : vector<2x1xf32> to vector<2xf32>
    %mul3A = arith.constant 9.99999974E-6 : f32
    %mul3A_4 = vector.broadcast %mul3A : f32 to vector<2xf32>
    %mul3A_5 = arith.mulf %squeeze3A, %mul3A_4 : vector<2xf32>
    %slice3A_6 = vector.extract_strided_slice %reduce_sum3A_3 {offsets = [0, 0], sizes = [1, 1], strides = [1, 1]} : vector<8x8xf32> to vector<1x1xf32>
    %squeeze3A_7 = vector.extract %slice3A_6[0, 0] : f32 from vector<1x1xf32>
    %div3A = arith.constant 1.000000e+05 : f32
    %div3A_8 = arith.divf %squeeze3A_7, %div3A : f32
    %slice3A_9 = vector.extract_strided_slice %mul3A_5 {offsets = [0], sizes = [1], strides = [1]} : vector<2xf32> to vector<1xf32>
    %squeeze3A_10 = vector.extract %slice3A_9[0] : f32 from vector<1xf32>
    %slice3A_11 = vector.extract_strided_slice %mul3A_5 {offsets = [0], sizes = [1], strides = [1]} : vector<2xf32> to vector<1xf32>
    %squeeze3A_12 = vector.extract %slice3A_11[0] : f32 from vector<1xf32>
    %mul3A_13 = arith.mulf %squeeze3A_10, %squeeze3A_12 : f32
    %sub3A = arith.subf %div3A_8, %mul3A_13 : f32
    %slice3A_14 = vector.extract_strided_slice %reduce_sum3A_3 {offsets = [0, 1], sizes = [1, 1], strides = [1, 1]} : vector<8x8xf32> to vector<1x1xf32>
    %squeeze3A_15 = vector.extract %slice3A_14[0, 0] : f32 from vector<1x1xf32>
    %div3A_16 = arith.constant 1.000000e+05 : f32
    %div3A_17 = arith.divf %squeeze3A_15, %div3A_16 : f32
    %slice3A_18 = vector.extract_strided_slice %mul3A_5 {offsets = [0], sizes = [1], strides = [1]} : vector<2xf32> to vector<1xf32>
    %squeeze3A_19 = vector.extract %slice3A_18[0] : f32 from vector<1xf32>
    %slice3A_20 = vector.extract_strided_slice %mul3A_5 {offsets = [1], sizes = [1], strides = [1]} : vector<2xf32> to vector<1xf32>
    %squeeze3A_21 = vector.extract %slice3A_20[0] : f32 from vector<1xf32>
    %mul3A_22 = arith.mulf %squeeze3A_19, %squeeze3A_21 : f32
    %sub3A_23 = arith.subf %div3A_17, %mul3A_22 : f32
    %slice3A_24 = vector.extract_strided_slice %reduce_sum3A_3 {offsets = [1, 1], sizes = [1, 1], strides = [1, 1]} : vector<8x8xf32> to vector<1x1xf32>
    %squeeze3A_25 = vector.extract %slice3A_24[0, 0] : f32 from vector<1x1xf32>
    %div3A_26 = arith.constant 1.000000e+05 : f32
    %div3A_27 = arith.divf %squeeze3A_25, %div3A_26 : f32
    %slice3A_28 = vector.extract_strided_slice %mul3A_5 {offsets = [1], sizes = [1], strides = [1]} : vector<2xf32> to vector<1xf32>
    %squeeze3A_29 = vector.extract %slice3A_28[0] : f32 from vector<1xf32>
    %slice3A_30 = vector.extract_strided_slice %mul3A_5 {offsets = [1], sizes = [1], strides = [1]} : vector<2xf32> to vector<1xf32>
    %squeeze3A_31 = vector.extract %slice3A_30[0] : f32 from vector<1xf32>
    %mul3A_32 = arith.mulf %squeeze3A_29, %squeeze3A_31 : f32
    %sub3A_33 = arith.subf %div3A_27, %mul3A_32 : f32
    %get3A_34 = arith.constant 0 : index
    %get3A_35 = arith.constant 0 : index
    %get3A_36 = vector.load %arg3[%get3A_34, %get3A_35] : memref<2x32xf32, #tpu.memory_space<vmem>>, vector<2x32xf32>
    %dot_general3A = arith.constant dense<0.000000e+00> : vector<32xf32>
    %dot_general3A_37 = tpu.matmul %mul3A_5, %get3A_36, %dot_general3A {dimension_numbers = #tpu.dot_dimension_numbers<[0], [0], [], [1], [1, 1], [], []>, precision = #tpu.contract_precision<fp32>, transpose_lhs_hint = false} : vector<2xf32>, vector<2x32xf32>, vector<32xf32> -> vector<32xf32>
    %get3A_38 = arith.constant 0 : index
    %get3A_39 = vector.load %arg4[%get3A_38] : memref<32xf32, #tpu.memory_space<vmem>>, vector<32xf32>
    %add3A = arith.addf %dot_general3A_37, %get3A_39 : vector<32xf32>
    %slice3A_40 = vector.extract_strided_slice %get3A_36 {offsets = [0, 0], sizes = [1, 32], strides = [1, 1]} : vector<2x32xf32> to vector<1x32xf32>
    %squeeze3A_41 = vector.shape_cast %slice3A_40 : vector<1x32xf32> to vector<32xf32>
    %mul3A_42 = vector.broadcast %sub3A : f32 to vector<32xf32>
    %mul3A_43 = arith.mulf %mul3A_42, %squeeze3A_41 : vector<32xf32>
    %slice3A_44 = vector.extract_strided_slice %get3A_36 {offsets = [0, 0], sizes = [1, 32], strides = [1, 1]} : vector<2x32xf32> to vector<1x32xf32>
    %squeeze3A_45 = vector.shape_cast %slice3A_44 : vector<1x32xf32> to vector<32xf32>
    %mul3A_46 = arith.mulf %mul3A_43, %squeeze3A_45 : vector<32xf32>
    %mul3A_47 = arith.constant 2.000000e+00 : f32
    %mul3A_48 = arith.mulf %mul3A_47, %sub3A_23 : f32
    %slice3A_49 = vector.extract_strided_slice %get3A_36 {offsets = [0, 0], sizes = [1, 32], strides = [1, 1]} : vector<2x32xf32> to vector<1x32xf32>
    %squeeze3A_50 = vector.shape_cast %slice3A_49 : vector<1x32xf32> to vector<32xf32>
    %mul3A_51 = vector.broadcast %mul3A_48 : f32 to vector<32xf32>
    %mul3A_52 = arith.mulf %mul3A_51, %squeeze3A_50 : vector<32xf32>
    %slice3A_53 = vector.extract_strided_slice %get3A_36 {offsets = [1, 0], sizes = [1, 32], strides = [1, 1]} : vector<2x32xf32> to vector<1x32xf32>
    %squeeze3A_54 = vector.shape_cast %slice3A_53 : vector<1x32xf32> to vector<32xf32>
    %mul3A_55 = arith.mulf %mul3A_52, %squeeze3A_54 : vector<32xf32>
    %add3A_56 = arith.addf %mul3A_46, %mul3A_55 : vector<32xf32>
    %slice3A_57 = vector.extract_strided_slice %get3A_36 {offsets = [1, 0], sizes = [1, 32], strides = [1, 1]} : vector<2x32xf32> to vector<1x32xf32>
    %squeeze3A_58 = vector.shape_cast %slice3A_57 : vector<1x32xf32> to vector<32xf32>
    %mul3A_59 = vector.broadcast %sub3A_33 : f32 to vector<32xf32>
    %mul3A_60 = arith.mulf %mul3A_59, %squeeze3A_58 : vector<32xf32>
    %slice3A_61 = vector.extract_strided_slice %get3A_36 {offsets = [1, 0], sizes = [1, 32], strides = [1, 1]} : vector<2x32xf32> to vector<1x32xf32>
    %squeeze3A_62 = vector.shape_cast %slice3A_61 : vector<1x32xf32> to vector<32xf32>
    %mul3A_63 = arith.mulf %mul3A_60, %squeeze3A_62 : vector<32xf32>
    %add3A_64 = arith.addf %add3A_56, %mul3A_63 : vector<32xf32>
    %get3A_65 = arith.constant 0 : index
    %get3A_66 = vector.load %arg5[%get3A_65] : memref<32xf32, #tpu.memory_space<vmem>>, vector<32xf32>
    %add3A_67 = arith.constant 9.99999974E-6 : f32
    %add3A_68 = vector.broadcast %add3A_67 : f32 to vector<32xf32>
    %add3A_69 = arith.addf %add3A_64, %add3A_68 : vector<32xf32>
    %rsqrt3A = math.rsqrt %add3A_69 : vector<32xf32>
    %mul3A_70 = arith.mulf %get3A_66, %rsqrt3A : vector<32xf32>
    %broadcast_in_dim3A = vector.shape_cast %mul3A_70 : vector<32xf32> to vector<1x32xf32>
    %mul3A_71 = vector.broadcast %broadcast_in_dim3A : vector<1x32xf32> to vector<2x32xf32>
    %mul3A_72 = arith.mulf %get3A_36, %mul3A_71 : vector<2x32xf32>
    %get3A_73 = arith.constant 0 : index
    %get3A_74 = vector.load %arg4[%get3A_73] : memref<32xf32, #tpu.memory_space<vmem>>, vector<32xf32>
    %sub3A_75 = arith.subf %get3A_74, %add3A : vector<32xf32>
    %mul3A_76 = arith.mulf %sub3A_75, %mul3A_70 : vector<32xf32>
    %get3A_77 = arith.constant 0 : index
    %get3A_78 = vector.load %arg6[%get3A_77] : memref<32xf32, #tpu.memory_space<vmem>>, vector<32xf32>
    %add3A_79 = arith.addf %mul3A_76, %get3A_78 : vector<32xf32>
    %get3A_80 = arith.constant 0 : index
    %get3A_81 = arith.constant 0 : index
    %get3A_82 = vector.load %arg14[%get3A_80, %get3A_81] : memref<32x1xf32, #tpu.memory_space<vmem>>, vector<32x1xf32>
    %get3A_83 = arith.constant 0 : index
    %get3A_84 = arith.constant 0 : index
    %get3A_85 = vector.load %arg10[%get3A_83, %get3A_84] : memref<32x32xf32, #tpu.memory_space<vmem>>, vector<32x32xf32>
    %get3A_86 = arith.constant 0 : index
    %get3A_87 = arith.constant 0 : index
    %get3A_88 = vector.load %arg16[%get3A_86, %get3A_87] : memref<32x1xf32, #tpu.memory_space<vmem>>, vector<32x1xf32>
    %dot_general3A_89 = arith.constant dense<0.000000e+00> : vector<32x1xf32>
    %dot_general3A_90 = tpu.matmul %get3A_85, %get3A_88, %dot_general3A_89 {dimension_numbers = #tpu.dot_dimension_numbers<[1], [0], [0], [1], [0, 0, 1, 1], [], []>, precision = #tpu.contract_precision<fp32>, transpose_lhs_hint = false} : vector<32x32xf32>, vector<32x1xf32>, vector<32x1xf32> -> vector<32x1xf32>
    %get3A_91 = arith.constant 0 : index
    %get3A_92 = arith.constant 0 : index
    %get3A_93 = vector.load %arg12[%get3A_91, %get3A_92] : memref<32x32xf32, #tpu.memory_space<vmem>>, vector<32x32xf32>
    %get3A_94 = arith.constant 0 : index
    %get3A_95 = arith.constant 0 : index
    %get3A_96 = vector.load %arg18[%get3A_94, %get3A_95] : memref<32x1xf32, #tpu.memory_space<vmem>>, vector<32x1xf32>
    %dot_general3A_97 = arith.constant dense<0.000000e+00> : vector<32x1xf32>
    %dot_general3A_98 = tpu.matmul %get3A_93, %get3A_96, %dot_general3A_97 {dimension_numbers = #tpu.dot_dimension_numbers<[1], [0], [0], [1], [0, 0, 1, 1], [], []>, precision = #tpu.contract_precision<fp32>, transpose_lhs_hint = false} : vector<32x32xf32>, vector<32x1xf32>, vector<32x1xf32> -> vector<32x1xf32>
    %concatenate3A = tpu.concatenate %get3A_82, %dot_general3A_90, %dot_general3A_98 in 1 : vector<32x1xf32>, vector<32x1xf32>, vector<32x1xf32> -> vector<32x3xf32>
    %get3A_99 = arith.constant 0 : index
    %get3A_100 = arith.constant 0 : index
    %get3A_101 = vector.load %arg8[%get3A_99, %get3A_100] : memref<32x32xf32, #tpu.memory_space<vmem>>, vector<32x32xf32>
    %dot_general3A_102 = arith.constant dense<0.000000e+00> : vector<32x3xf32>
    %dot_general3A_103 = tpu.matmul %get3A_101, %concatenate3A, %dot_general3A_102 {dimension_numbers = #tpu.dot_dimension_numbers<[1], [0], [0], [1], [0, 0, 1, 1], [], []>, precision = #tpu.contract_precision<fp32>, transpose_lhs_hint = false} : vector<32x32xf32>, vector<32x3xf32>, vector<32x3xf32> -> vector<32x3xf32>
    %jit3A = arith.constant 0 : i32
    %convert_element_type3A = arith.sitofp %jit3A : i32 to f32
    %pad3A = vector.broadcast %convert_element_type3A : f32 to vector<32x5xf32>
    %pad3A_104 = tpu.concatenate %dot_general3A_103, %pad3A in 1 : vector<32x3xf32>, vector<32x5xf32> -> vector<32x8xf32>
    %get3A_105 = arith.constant 0 : index
    %get3A_106 = vector.load %arg9[%get3A_105] : memref<32xf32, #tpu.memory_space<vmem>>, vector<32xf32>
    %dot_general3A_107 = arith.constant dense<0.000000e+00> : vector<3xf32>
    %dot_general3A_108 = tpu.matmul %get3A_106, %concatenate3A, %dot_general3A_107 {dimension_numbers = #tpu.dot_dimension_numbers<[0], [0], [], [1], [1, 1], [], []>, precision = #tpu.contract_precision<fp32>, transpose_lhs_hint = false} : vector<32xf32>, vector<32x3xf32>, vector<3xf32> -> vector<3xf32>
    %get3A_109 = arith.constant 0 : index
    %get3A_110 = vector.load %arg15[%get3A_109] : memref<1xf32, #tpu.memory_space<vmem>>, vector<1xf32>
    %get3A_111 = arith.constant 0 : index
    %get3A_112 = vector.load %arg11[%get3A_111] : memref<32xf32, #tpu.memory_space<vmem>>, vector<32xf32>
    %get3A_113 = arith.constant 0 : index
    %get3A_114 = arith.constant 0 : index
    %get3A_115 = vector.load %arg16[%get3A_113, %get3A_114] : memref<32x1xf32, #tpu.memory_space<vmem>>, vector<32x1xf32>
    %dot_general3A_116 = arith.constant dense<0.000000e+00> : vector<1xf32>
    %dot_general3A_117 = tpu.matmul %get3A_112, %get3A_115, %dot_general3A_116 {dimension_numbers = #tpu.dot_dimension_numbers<[0], [0], [], [1], [1, 1], [], []>, precision = #tpu.contract_precision<fp32>, transpose_lhs_hint = false} : vector<32xf32>, vector<32x1xf32>, vector<1xf32> -> vector<1xf32>
    %get3A_118 = arith.constant 0 : index
    %get3A_119 = vector.load %arg13[%get3A_118] : memref<32xf32, #tpu.memory_space<vmem>>, vector<32xf32>
    %get3A_120 = arith.constant 0 : index
    %get3A_121 = arith.constant 0 : index
    %get3A_122 = vector.load %arg18[%get3A_120, %get3A_121] : memref<32x1xf32, #tpu.memory_space<vmem>>, vector<32x1xf32>
    %dot_general3A_123 = arith.constant dense<0.000000e+00> : vector<1xf32>
    %dot_general3A_124 = tpu.matmul %get3A_119, %get3A_122, %dot_general3A_123 {dimension_numbers = #tpu.dot_dimension_numbers<[0], [0], [], [1], [1, 1], [], []>, precision = #tpu.contract_precision<fp32>, transpose_lhs_hint = false} : vector<32xf32>, vector<32x1xf32>, vector<1xf32> -> vector<1xf32>
    %concatenate3A_125 = tpu.concatenate %get3A_110, %dot_general3A_117, %dot_general3A_124 in 0 : vector<1xf32>, vector<1xf32>, vector<1xf32> -> vector<3xf32>
    %add3A_126 = arith.addf %dot_general3A_108, %concatenate3A_125 : vector<3xf32>
    %jit3A_127 = arith.constant 0 : i32
    %convert_element_type3A_128 = arith.sitofp %jit3A_127 : i32 to f32
    %pad3A_129 = vector.broadcast %convert_element_type3A_128 : f32 to vector<5xf32>
    %pad3A_130 = tpu.concatenate %add3A_126, %pad3A_129 in 0 : vector<3xf32>, vector<5xf32> -> vector<8xf32>
    %get3A_131 = arith.constant 0 : index
    %get3A_132 = vector.load %arg17[%get3A_131] : memref<1xf32, #tpu.memory_space<vmem>>, vector<1xf32>
    %get3A_133 = arith.constant 0 : index
    %get3A_134 = vector.load %arg19[%get3A_133] : memref<1xf32, #tpu.memory_space<vmem>>, vector<1xf32>
    %add3A_135 = arith.addf %get3A_132, %get3A_134 : vector<1xf32>
    %jit3A_136 = arith.constant 0 : i32
    %convert_element_type3A_137 = arith.sitofp %jit3A_136 : i32 to f32
    %pad3A_138 = vector.broadcast %convert_element_type3A_137 : f32 to vector<7xf32>
    %pad3A_139 = tpu.concatenate %add3A_135, %pad3A_138 in 0 : vector<1xf32>, vector<7xf32> -> vector<8xf32>
    %add3A_140 = arith.addf %pad3A_130, %pad3A_139 : vector<8xf32>
    %get3A_141 = arith.constant 0 : index
    %get3A_142 = arith.constant 0 : index
    %get3A_143 = vector.load %arg1[%get3A_141, %get3A_142] : memref<2x14336xf32, #tpu.memory_space<vmem>>, vector<2x14336xf32>
    %dot_general3A_144 = arith.constant dense<0.000000e+00> : vector<32x14336xf32>
    %dot_general3A_145 = tpu.matmul %mul3A_72, %get3A_143, %dot_general3A_144 {dimension_numbers = #tpu.dot_dimension_numbers<[0], [0], [1], [1], [0, 1, 1, 1], [], []>, precision = #tpu.contract_precision<fp32>, transpose_lhs_hint = false} : vector<2x32xf32>, vector<2x14336xf32>, vector<32x14336xf32> -> vector<32x14336xf32>
    %broadcast_in_dim3A_146 = vector.shape_cast %add3A_79 : vector<32xf32> to vector<32x1xf32>
    %add3A_147 = vector.broadcast %broadcast_in_dim3A_146 : vector<32x1xf32> to vector<32x14336xf32>
    %add3A_148 = arith.addf %dot_general3A_145, %add3A_147 : vector<32x14336xf32>
    %get3A_149 = arith.constant 0 : index
    %get3A_150 = vector.load %arg7[%get3A_149] : memref<1xf32, #tpu.memory_space<vmem>>, vector<1xf32>
    %get3A_151 = vector.extract %get3A_150[0] : f32 from vector<1xf32>
    %max3A = arith.constant 0.000000e+00 : f32
    %max3A_152 = vector.broadcast %max3A : f32 to vector<32x14336xf32>
    %max3A_153 = arith.maximumf %add3A_148, %max3A_152 : vector<32x14336xf32>
    %min3A = arith.constant 0.000000e+00 : f32
    %min3A_154 = vector.broadcast %min3A : f32 to vector<32x14336xf32>
    %min3A_155 = arith.minimumf %add3A_148, %min3A_154 : vector<32x14336xf32>
    %mul3A_156 = vector.broadcast %get3A_151 : f32 to vector<32x14336xf32>
    %mul3A_157 = arith.mulf %mul3A_156, %min3A_155 : vector<32x14336xf32>
    %add3A_158 = arith.addf %max3A_153, %mul3A_157 : vector<32x14336xf32>
    %dot_general3A_159 = arith.constant dense<0.000000e+00> : vector<8x14336xf32>
    %dot_general3A_160 = tpu.matmul %pad3A_104, %add3A_158, %dot_general3A_159 {dimension_numbers = #tpu.dot_dimension_numbers<[0], [0], [1], [1], [0, 1, 1, 1], [], []>, precision = #tpu.contract_precision<fp32>, transpose_lhs_hint = false} : vector<32x8xf32>, vector<32x14336xf32>, vector<8x14336xf32> -> vector<8x14336xf32>
    %broadcast_in_dim3A_161 = vector.shape_cast %add3A_140 : vector<8xf32> to vector<8x1xf32>
    %add3A_162 = vector.broadcast %broadcast_in_dim3A_161 : vector<8x1xf32> to vector<8x14336xf32>
    %add3A_163 = arith.addf %dot_general3A_160, %add3A_162 : vector<8x14336xf32>
    %slice3A_164 = vector.extract_strided_slice %add3A_163 {offsets = [0, 0], sizes = [1, 14336], strides = [1, 1]} : vector<8x14336xf32> to vector<1x14336xf32>
    %squeeze3A_165 = vector.shape_cast %slice3A_164 : vector<1x14336xf32> to vector<14336xf32>
    %swap3A = arith.constant 0 : index
    %swap3A_166 = vector.load %arg20[%swap3A] : memref<14336xf32, #tpu.memory_space<vmem>>, vector<14336xf32>
    tpu.vector_store %arg20[%swap3A], %squeeze3A_165 {strides = array<i32>} : memref<14336xf32, #tpu.memory_space<vmem>>, vector<14336xf32>,
    %slice3A_167 = vector.extract_strided_slice %add3A_163 {offsets = [1, 0], sizes = [1, 14336], strides = [1, 1]} : vector<8x14336xf32> to vector<1x14336xf32>
    %squeeze3A_168 = vector.shape_cast %slice3A_167 : vector<1x14336xf32> to vector<14336xf32>
    %swap3A_169 = arith.constant 0 : index
    %swap3A_170 = vector.load %arg21[%swap3A_169] : memref<14336xf32, #tpu.memory_space<vmem>>, vector<14336xf32>
    tpu.vector_store %arg21[%swap3A_169], %squeeze3A_168 {strides = array<i32>} : memref<14336xf32, #tpu.memory_space<vmem>>, vector<14336xf32>,
    %slice3A_171 = vector.extract_strided_slice %add3A_163 {offsets = [2, 0], sizes = [1, 14336], strides = [1, 1]} : vector<8x14336xf32> to vector<1x14336xf32>
    %squeeze3A_172 = vector.shape_cast %slice3A_171 : vector<1x14336xf32> to vector<14336xf32>
    %swap3A_173 = arith.constant 0 : index
    %swap3A_174 = vector.load %arg22[%swap3A_173] : memref<14336xf32, #tpu.memory_space<vmem>>, vector<14336xf32>
    tpu.vector_store %arg22[%swap3A_173], %squeeze3A_172 {strides = array<i32>} : memref<14336xf32, #tpu.memory_space<vmem>>, vector<14336xf32>,
    return
  }
  func.func @transform_0(%arg0: i32) -> (i32, i32) {
    %c0_i32 = arith.constant 0 : i32
    %c0_i32_0 = arith.constant 0 : i32
    return %c0_i32, %arg0 : i32, i32
  }
  func.func @transform_1(%arg0: i32) -> (i32, i32, i32) {
    %c0_i32 = arith.constant 0 : i32
    %c0_i32_0 = arith.constant 0 : i32
    %c0_i32_1 = arith.constant 0 : i32
    %c0_i32_2 = arith.constant 0 : i32
    return %c0_i32, %c0_i32_0, %c0_i32_1 : i32, i32, i32
  }
  func.func @transform_2(%arg0: i32) -> (i32, i32) {
    %c0_i32 = arith.constant 0 : i32
    %c0_i32_0 = arith.constant 0 : i32
    %c0_i32_1 = arith.constant 0 : i32
    return %c0_i32, %c0_i32_0 : i32, i32
  }
  func.func @transform_3(%arg0: i32) -> i32 {
    %c0_i32 = arith.constant 0 : i32
    %c0_i32_0 = arith.constant 0 : i32
    return %c0_i32 : i32
  }
  func.func @transform_4(%arg0: i32) -> i32 {
    %c0_i32 = arith.constant 0 : i32
    %c0_i32_0 = arith.constant 0 : i32
    return %c0_i32 : i32
  }
  func.func @transform_5(%arg0: i32) -> i32 {
    %c0_i32 = arith.constant 0 : i32
    %c0_i32_0 = arith.constant 0 : i32
    return %c0_i32 : i32
  }
  func.func @transform_6(%arg0: i32) -> i32 {
    %c0_i32 = arith.constant 0 : i32
    %c0_i32_0 = arith.constant 0 : i32
    return %c0_i32 : i32
  }
  func.func @transform_7(%arg0: i32) -> (i32, i32) {
    %c0_i32 = arith.constant 0 : i32
    %c0_i32_0 = arith.constant 0 : i32
    %c0_i32_1 = arith.constant 0 : i32
    return %c0_i32, %c0_i32_0 : i32, i32
  }
  func.func @transform_8(%arg0: i32) -> i32 {
    %c0_i32 = arith.constant 0 : i32
    %c0_i32_0 = arith.constant 0 : i32
    return %c0_i32 : i32
  }
  func.func @transform_9(%arg0: i32) -> (i32, i32) {
    %c0_i32 = arith.constant 0 : i32
    %c0_i32_0 = arith.constant 0 : i32
    %c0_i32_1 = arith.constant 0 : i32
    return %c0_i32, %c0_i32_0 : i32, i32
  }
  func.func @transform_10(%arg0: i32) -> i32 {
    %c0_i32 = arith.constant 0 : i32
    %c0_i32_0 = arith.constant 0 : i32
    return %c0_i32 : i32
  }
  func.func @transform_11(%arg0: i32) -> (i32, i32) {
    %c0_i32 = arith.constant 0 : i32
    %c0_i32_0 = arith.constant 0 : i32
    %c0_i32_1 = arith.constant 0 : i32
    return %c0_i32, %c0_i32_0 : i32, i32
  }
  func.func @transform_12(%arg0: i32) -> i32 {
    %c0_i32 = arith.constant 0 : i32
    %c0_i32_0 = arith.constant 0 : i32
    return %c0_i32 : i32
  }
  func.func @transform_13(%arg0: i32) -> (i32, i32) {
    %c0_i32 = arith.constant 0 : i32
    %c0_i32_0 = arith.constant 0 : i32
    %c0_i32_1 = arith.constant 0 : i32
    return %c0_i32, %c0_i32_0 : i32, i32
  }
  func.func @transform_14(%arg0: i32) -> i32 {
    %c0_i32 = arith.constant 0 : i32
    %c0_i32_0 = arith.constant 0 : i32
    return %c0_i32 : i32
  }
  func.func @transform_15(%arg0: i32) -> (i32, i32) {
    %c0_i32 = arith.constant 0 : i32
    %c0_i32_0 = arith.constant 0 : i32
    %c0_i32_1 = arith.constant 0 : i32
    return %c0_i32, %c0_i32_0 : i32, i32
  }
  func.func @transform_16(%arg0: i32) -> i32 {
    %c0_i32 = arith.constant 0 : i32
    %c0_i32_0 = arith.constant 0 : i32
    return %c0_i32 : i32
  }
  func.func @transform_17(%arg0: i32) -> (i32, i32) {
    %c0_i32 = arith.constant 0 : i32
    %c0_i32_0 = arith.constant 0 : i32
    %c0_i32_1 = arith.constant 0 : i32
    return %c0_i32, %c0_i32_0 : i32, i32
  }
  func.func @transform_18(%arg0: i32) -> i32 {
    %c0_i32 = arith.constant 0 : i32
    %c0_i32_0 = arith.constant 0 : i32
    return %c0_i32 : i32
  }
  func.func @transform_19(%arg0: i32) -> i32 {
    %c0_i32 = arith.constant 0 : i32
    return %arg0 : i32
  }
  func.func @transform_20(%arg0: i32) -> i32 {
    %c0_i32 = arith.constant 0 : i32
    return %arg0 : i32
  }
  func.func @transform_21(%arg0: i32) -> i32 {
    %c0_i32 = arith.constant 0 : i32
    return %arg0 : i32
  }
}

module attributes {stable_mosaic.version = 14 : i64} {
  func.func @_final_body(%arg0: i32, %arg1: memref<14336xf32, #tpu.memory_space<vmem>>, %arg2: memref<14336xf32, #tpu.memory_space<vmem>>, %arg3: memref<14336xf32, #tpu.memory_space<vmem>>, %arg4: memref<14336xf32, #tpu.memory_space<vmem>>) attributes {dimension_semantics = [#tpu.dimension_semantics<arbitrary>], iteration_bounds = array<i64: 7>, scalar_prefetch = 0 : i64, scratch_operands = 0 : i64, tpu.core_type = #tpu.core_type<tc>, window_params = [{transform_indices = @transform_0, window_bounds = array<i64: 14336>}, {transform_indices = @transform_1, window_bounds = array<i64: 14336>}, {transform_indices = @transform_2, window_bounds = array<i64: 14336>}, {transform_indices = @transform_3, window_bounds = array<i64: 14336>}]} {
    %get3A = arith.constant 0 : index
    %get3A_0 = vector.load %arg1[%get3A] : memref<14336xf32, #tpu.memory_space<vmem>>, vector<14336xf32>
    %get3A_1 = arith.constant 0 : index
    %get3A_2 = vector.load %arg2[%get3A_1] : memref<14336xf32, #tpu.memory_space<vmem>>, vector<14336xf32>
    %add3A = arith.addf %get3A_0, %get3A_2 : vector<14336xf32>
    %get3A_3 = arith.constant 0 : index
    %get3A_4 = vector.load %arg3[%get3A_3] : memref<14336xf32, #tpu.memory_space<vmem>>, vector<14336xf32>
    %add3A_5 = arith.addf %add3A, %get3A_4 : vector<14336xf32>
    %swap3A = arith.constant 0 : index
    %swap3A_6 = vector.load %arg4[%swap3A] : memref<14336xf32, #tpu.memory_space<vmem>>, vector<14336xf32>
    tpu.vector_store %arg4[%swap3A], %add3A_5 {strides = array<i32>} : memref<14336xf32, #tpu.memory_space<vmem>>, vector<14336xf32>,
    return
  }
  func.func @transform_0(%arg0: i32) -> i32 {
    %c0_i32 = arith.constant 0 : i32
    return %arg0 : i32
  }
  func.func @transform_1(%arg0: i32) -> i32 {
    %c0_i32 = arith.constant 0 : i32
    return %arg0 : i32
  }
  func.func @transform_2(%arg0: i32) -> i32 {
    %c0_i32 = arith.constant 0 : i32
    return %arg0 : i32
  }
  func.func @transform_3(%arg0: i32) -> i32 {
    %c0_i32 = arith.constant 0 : i32
    return %arg0 : i32
  }
}

</mosaic_0001>

<sc_bundles>
// kernel: kernel.10.cloned.1.call-start
scs
__scs_entry_jumppad:
0x0: {  	(pc) =	sbr.rel $0x88, $3  }
0x1: {  	(tag) =	ssettag $0x0;
	lr =	simm.s32 $0x1  }
0x2: {  	[smem:$0x3F8D] =	sst lr;
	_ =	strace $0xD0000000  }
0x3: {  	_ = 	snop  }
0x4: {  	_ = 	snop  }
0x5: {  	_ = 	snop  }
0x6: {  	_ = 	snop  }
0x7: {  	_ = 	snop  }
__scs_overlays_trampoline_lowered:
0x8: {  	[smem:$0x3F9C] =	sst s0  }
0x9: {  	[smem:$0x3F9D] =	sst s1  }
0xa: {  	[smem:$0x3F9E] =	sst s2  }
0xb: {  	[smem:$0x3F9F] =	sst s3  }
0xc: {  	[smem:$0x3FA0] =	sst s4  }
0xd: {  	[smem:$0x3FA1] =	sst s5  }
0xe: {  	[smem:$0x3FA2] =	sst s6  }
0xf: {  	[smem:$0x3FA3] =	sst s7  }
0x10: {  	[smem:$0x3FA4] =	sst s8  }
0x11: {  	[smem:$0x3FA5] =	sst s9;
	s0 =	simm.s32 @!p0 $0x0  }
0x12: {  	s1 =	sld [smem:$0x3F8B];
	s0 =	simm.s32 @p0 $0x1  }
0x13: {  	[smem:$0x3FA6] =	sst s0;
	s0 =	simm.s32 @!p1 $0x0  }
0x14: {  	s2 =	sld [smem:$0x3F8A];
	s0 =	simm.s32 @p1 $0x1  }
0x15: {  	[smem:$0x3FA7] =	sst s0;
	s0 =	simm.s32 @!p2 $0x0  }
0x16: {  	s3 =	sld [smem:$0x3FDB];
	s0 =	simm.s32 @p2 $0x1  }
0x17: {  	s4 =	simm.s32 $0x1BF5;
	[smem:$0x3FA9] =	sst s0  }
0x18: {  	s0 =	sld [smem:$0x3F8C];
	_ =	swait.ge [sflag:s4], $0x0  }
0x19: {  	s7 =	sld [smem:$0x3F8D]  }
0x1a: {  	s8 =	sadd.s32 $0xFFFFE003, lr  }
0x1b: {  	s9 =	sadd.s32 $0xFFFFFEF7, lr;
	s5 =	simm.s32 $0xFFFFFFFF;
	p2 =	slt.u32 s8, $0xFFFFF086  }
0x1c: {  	p1 =	slt.u32 s9, $0xF7A;
	s5 =	simm.s32 @!p2 $0x0  }
0x1d: {  	s5 =	simm.s32 @p1 $0x1;
	p0 =	seq.s32 s7, s2  }
0x1e: {  	s7 =	smul.u32 @!p0 $0xF7A, s2;
	p2 =	seq.s32 @!p0 s5, $0x0  }
0x1f: {  	s9 =	smul.u32 $0xF7A, s1;
	s8 =	simm.s32 @!p0 $0x1BF5;
	p2 =	por !p2, p0  }
0x20: {  	[sflag:s8] =	ssyncset.s32 @!p0 $0xFFFFF086;
	s6 =	sadd.s32 @!p0 s3, s7;
	s7 =	simm.s32 @!p0 $0x108  }
0x21: {  	s3 =	sadd.s32 s3, s9;
	s6 =	sadd.s32 @!p0 $0x88, s6;
	s7 =	simm.s32 @p2 $0x1082  }
0x22: {  	[simem:s7], [sflag:s8] =	dma.local @!p0 [hbm:s6], $0xF7A  }
0x23: {  	s9 =	sor.u32 $0xD0000000, s2;
	s6 =	simm.s32 $0x108;
	_ =	swait.ge @!p0 [sflag:s8], $0x0  }
0x24: {  	s3 =	sadd.s32 $0x88, s3;
	s6 =	simm.s32 @!p1 $0x1082;
	[sflag:s4] =	ssyncset.s32 $0xFFFFF086  }
0x25: {  	[simem:s6], [sflag:s4] =	dma.local [hbm:s3], $0xF7A  }
0x26: {  	[smem:$0x3F8D] =	sst s1;
	(tag) =	ssettag s2;
	_ =	strace s9  }
0x27: {  	s1 =	sld [smem:$0x3F9D]  }
0x28: {  	s2 =	sld [smem:$0x3F9E]  }
0x29: {  	s4 =	sld [smem:$0x3FA0]  }
0x2a: {  	p0 =	seq.s32 s5, $0x0;
	s5 =	sld [smem:$0x3FA1]  }
0x2b: {  	s6 =	sld [smem:$0x3FA2]  }
0x2c: {  	s7 =	sld [smem:$0x3FA3]  }
0x2d: {  	s3 =	simm.s32 $0x108;
	s8 =	sld [smem:$0x3FA4]  }
0x2e: {  	s3 =	simm.s32 @!p0 $0x1082;
	s9 =	sld [smem:$0x3FA5]  }
0x2f: {  	lr =	sadd.s32 s0, s3;
	s0 =	sld [smem:$0x3F9C]  }
0x30: {  	s3 =	sld [smem:$0x3F9F]  }
0x31: {  	[smem:$0x3FA8] =	sst s10  }
0x32: {  	s10 =	sld [smem:$0x3FA6];
	_ =	sdelay $0x3  }
0x33: {  	p0 =	seq.s32 s10, $0x1;
	s10 =	sld [smem:$0x3FA8];
	_ =	sdelay $0x3  }
0x34: {  	[smem:$0x3FA8] =	sst s10  }
0x35: {  	s10 =	sld [smem:$0x3FA7];
	_ =	sdelay $0x3  }
0x36: {  	p1 =	seq.s32 s10, $0x1;
	s10 =	sld [smem:$0x3FA8];
	_ =	sdelay $0x3  }
0x37: {  	[smem:$0x3FA8] =	sst s10  }
0x38: {  	s10 =	sld [smem:$0x3FA9]  }
0x39: {  	_ = 	snop;
	(pc) =	sbr.ind lr, $3  }
0x3a: {  	_ = 	snop  }
0x3b: {  	_ = 	snop  }
0x3c: {  	p2 =	seq.s32 s10, $0x1;
	s10 =	sld [smem:$0x3FA8]  }
0x3d: {  	_ =	shalt  }
0x3e: {  	_ =	shalt  }
0x3f: {  	_ =	shalt  }
0x40: {  	_ =	shalt  }
0x41: {  	_ =	shalt  }
0x42: {  	_ =	shalt  }
0x43: {  	_ =	shalt  }
0x44: {  	_ =	shalt  }
0x45: {  	_ =	shalt  }
0x46: {  	_ =	shalt  }
0x47: {  	_ =	shalt  }
0x48: {  	_ =	shalt  }
0x49: {  	_ =	shalt  }
0x4a: {  	_ =	shalt  }
0x4b: {  	_ =	shalt  }
0x4c: {  	_ =	shalt  }
0x4d: {  	_ =	shalt  }
0x4e: {  	_ =	shalt  }
0x4f: {  	_ =	shalt  }
0x50: {  	_ =	shalt  }
0x51: {  	_ =	shalt  }
0x52: {  	_ =	shalt  }
0x53: {  	_ =	shalt  }
0x54: {  	_ =	shalt  }
0x55: {  	_ =	shalt  }
0x56: {  	_ =	shalt  }
0x57: {  	_ =	shalt  }
0x58: {  	_ =	shalt  }
0x59: {  	_ =	shalt  }
0x5a: {  	_ =	shalt  }
0x5b: {  	_ =	shalt  }
0x5c: {  	_ =	shalt  }
0x5d: {  	_ =	shalt  }
0x5e: {  	_ =	shalt  }
0x5f: {  	_ =	shalt  }
0x60: {  	_ =	shalt  }
0x61: {  	_ =	shalt  }
0x62: {  	_ =	shalt  }
0x63: {  	_ =	shalt  }
0x64: {  	_ =	shalt  }
0x65: {  	_ =	shalt  }
0x66: {  	_ =	shalt  }
0x67: {  	_ =	shalt  }
0x68: {  	_ =	shalt  }
0x69: {  	_ =	shalt  }
0x6a: {  	_ =	shalt  }
0x6b: {  	_ =	shalt  }
0x6c: {  	_ =	shalt  }
0x6d: {  	_ =	shalt  }
0x6e: {  	_ =	shalt  }
0x6f: {  	_ =	shalt  }
0x70: {  	_ =	shalt  }
0x71: {  	_ =	shalt  }
0x72: {  	_ =	shalt  }
0x73: {  	_ =	shalt  }
0x74: {  	_ =	shalt  }
0x75: {  	_ =	shalt  }
0x76: {  	_ =	shalt  }
0x77: {  	_ =	shalt  }
0x78: {  	_ =	shalt  }
0x79: {  	_ =	shalt  }
0x7a: {  	_ =	shalt  }
0x7b: {  	_ =	shalt  }
0x7c: {  	_ =	shalt  }
0x7d: {  	_ =	shalt  }
0x7e: {  	_ =	shalt  }
0x7f: {  	_ =	shalt  }
0x80: {  	_ =	shalt  }
0x81: {  	_ =	shalt  }
0x82: {  	_ =	shalt  }
0x83: {  	_ =	shalt  }
0x84: {  	_ =	shalt  }
0x85: {  	_ =	shalt  }
0x86: {  	_ =	shalt  }
0x87: {  	_ =	shalt  }
.Lfunc_end0:
.L_simem_size_0:
called_computation.1_lowered:
.L_overlay_start_0:
0x88: {  	s2 =	sld [smem:$0x3FD9]  }
0x89: {  	s3 =	sld [smem:$0x3FFE];
	_ =	sdelay $0x1  }
0x8a: {  	s1 =	srdreg.scid  }
0x8b: {  	s0 =	sand.u32 $0x1, s1  }
0x8c: {  	s17 =	sshll.u32 s0, $0xA;
	s2 =	sadd.s32 s3, s2  }
0x8d: {  	s2 =	sadd.s32 s2, s17  }
0x8e: {  	[smem:$0x3FB4] =	sst s2  }
0x8f: {  	_ = 	snop  }
0x90: {  	s2 =	sld [smem:$0x3FC8]  }
0x91: {  	s18 =	sld [smem:$0x3FC7]  }
0x92: {  	s4 =	sld [smem:$0x3FD0];
	(tm) =	ssettm $0x1  }
0x93: {  	s5 =	sld [smem:$0x3FFB];
	_ =	sdelay $0x3  }
0x94: {  	_ =	strace s5  }
0x95: {  	s5 =	sld [smem:$0x3FFC];
	_ =	sdelay $0x3  }
0x96: {  	_ =	strace s5  }
0x97: {  	s5 =	sld [smem:$0x3FFD];
	_ =	sdelay $0x3  }
0x98: {  	_ =	strace s5  }
0x99: {  	_ =	strace $0x8FFFFFFF  }
0x9a: {  	s19 =	sld [smem:$0x3FDB];
	_ =	sdelay $0x1  }
0x9b: {  	s6 =	simm.s32 $_scs_section_size  }
0x9c: {  	s7 =	simm.s32 $_size__tile_overlayer_lowered;
	s8 =	simm.s32 $_tile_overlayer_lowered  }
0x9d: {  	s22 =	simm.s32 $0x1BFF;
	s21 =	sshll.u32 s8, $0x1;
	s5 =	sadd.s32 s6, s19  }
0x9e: {  	s9 =	simm.s32 $0x0;
	s20 =	sshll.u32 s7, $0x1;
	s7 =	sadd.s32 s21, s5  }
0x9f: {  	[timem:s9], [sflag:s22] =	dma.local [hbm:s7], s20  }
0xa0: {  	_ =	swait.ge [sflag:s22], s20  }
0xa1: {  	s6 =	ssub.s32 $0x0, s20;
	[sflag:s22] =	ssyncset.done $0x0  }
0xa2: {  	[sflag:s22] =	ssyncadd.s32 s6;
	_ =	sdelay $0x1  }
0xa3: {  	s23 =	simm.s32 $0x1B8B  }
0xa4: {  	_ =	swait.ge [sflag:s23], $0x1  }
0xa5: {  	[sflag:s23] =	ssyncset.done $0x0  }
0xa6: {  	s25 =	simm.s32 $0x1B8E;
	s24 =	sld [smem:$0x3FFE];
	[sflag:s23] =	ssyncadd.s32 $0xFFFFFFFF  }
0xa7: {  	s26 =	simm.s32 $execute0_lowered;
	[smem:$0x3FD2] =	sst s25  }
0xa8: {  	s7 =	sshll.u32 s26, $0x1;
	_ =	strace $0x80000049;
	[dreg:$0x1] =	wrdreg $0xFFFFFFFF  }
0xa9: {  	s28 =	simm.s32 $_size_execute0_lowered;
	s5 =	sadd.s32 s5, s7;
	[dreg:$0x0] =	wrdreg $0x0  }
0xaa: {  	s7 =	sshll.u32 s28, $0x1;
	[dreg:$0x2] =	wrdreg s5  }
0xab: {  	[dreg:$0x3] =	wrdreg s7  }
0xac: {  	[dreg:$0x4] =	wrdreg $0xC0  }
0xad: {  	_ =	task [dreg:s9], $0x5FFFF  }
0xae: {  	[dreg:$0x1] =	wrdreg $0xFFFFFFFF  }
0xaf: {  	[dreg:$0x0] =	wrdreg $0x60  }
0xb0: {  	[dreg:$0x2] =	wrdreg s2  }
0xb1: {  	[dreg:$0x3] =	wrdreg s18  }
0xb2: {  	[dreg:$0x4] =	wrdreg s4  }
0xb3: {  	[dreg:$0x5] =	wrdreg s24  }
0xb4: {  	[dreg:$0x6] =	wrdreg $0x76000  }
0xb5: {  	[dreg:$0x7] =	wrdreg $0x5D800  }
0xb6: {  	[dreg:$0x8] =	wrdreg $0x9  }
0xb7: {  	_ =	task.clear_ibuf [dreg:s9], $0x9FFFF;
	_ =	strace $0x90000049  }
0xb8: {  	s29 =	simm.s32 $0x9;
	_ =	strace $0x8000004B  }
0xb9: {  	_ =	swait.ge [sflag:s29], $0x1  }
0xba: {  	[sflag:s29] =	ssyncadd.s32 $0xFFFFFFFF  }
0xbb: {  	_ =	strace $0x9000004B  }
0xbc: {  	_ =	sfence  }
0xbd: {  	s30 =	sld [smem:$0x0];
	_ =	sdelay $0x2  }
0xbe: {  	s31 =	sshll.u32 s1, $0xD;
	s1 =	sshrl.u32 s1, $0x2  }
0xbf: {  	s3 =	sand.u32 $0x4000, s31;
	s1 =	sadd.s32 s1, s30  }
0xc0: {  	s0 =	sor.u32 s3, s0;
	s1 =	sshll.u32 s1, $0x11  }
0xc1: {  	s0 =	sor.u32 s1, s0  }
0xc2: {  	s0 =	sadd.s32 $0x8F2B, s0  }
0xc3: {  	[sflag:s0] =	ssyncadd.remote.s32 $0x1  }
0xc4: {  	_ =	sfence.sel $0xFFFF  }
0xc5: {  	[dreg:$0x0] =	wrdreg $0xFFFFFFFF;
	(pc) =	sbr.abs _section_cstart, $3  }
0xc6: {  	[dreg:$0x1] =	wrdreg $0xFFFFFFFF  }
0xc7: {  	_ =	task.clear_ibuf [dreg:s9], $0x2FFFF;
	_ =	strace $0x9FFFFFFF  }
0xc8: {  	(tm) =	ssettm $0x7FFFFFFF  }
0xc9: {  	_ =	shalt  }
tec
execute0_lowered:
.L_overlay_start_1:
0x0: {  	(tag) =	ssettag $0x1  }
0x1: {  	s0 =	rddreg [dreg:$0x0]  }
0x2: {  	s2 =	rddreg [dreg:$0x1]  }
0x3: {  	s1 =	rddreg [dreg:$0x2]  }
0x4: {  	s3 =	rddreg [dreg:$0x3]  }
0x5: {  	s4 =	rddreg [dreg:$0x4];
	s10 =	stileid.u32  }
0x6: {  	s5 =	rddreg [dreg:$0x5];
	s7 =	simm.s32 $0x0;
	s8 =	srdreg.scid  }
0x7: {  	s12 =	simm.s32 $0x5C;
	s14 =	simm.s32 $0x2;
	s6 =	smul.u32 $0x1880, s10  }
0x8: {  	[smem:$0x7FF] =	sst s7;
	s8 =	sand.u32 $0x1, s8;
	s11 =	sadd.s32 $0xCC00, s3  }
0x9: {  	p1 =	seq.s32 s10, $0xF;
	s13 =	smul.u32 $0x6200, s10;
	s21 =	sadd.s32 $0x61A00, s0  }
0xa: {  	s22 =	sadd.s32 $0x61A10, s0;
	_ =	strace $0x8000004A;
	[dreg:$0x7] =	wrdreg s11  }
0xb: {  	s29 =	sadd.s32 $0x61A00, s2;
	s30 =	sadd.s32 $0x61A10, s2;
	[dreg:$0xe] =	wrdreg s21  }
0xc: {  	s16 =	ssub.s32 $0x2, s8;
	p0 =	seq.s32 s8, $0x1;
	[dreg:$0xf] =	wrdreg s22  }
0xd: {  	s12 =	simm.s32 @!p1 $0x62;
	p1 =	sne.s32 s10, $0xF;
	[dreg:$0x14] =	wrdreg s29  }
0xe: {  	[dreg:$0x15] =	wrdreg s30;
	s8 =	simm.s32 $0x2C80;
	s7 =	sshrl.u32 s6, $0x3  }
0xf: {  	s17 =	sshrl.u32 s16, $0x1;
	s11 =	sadd.s32 s6, s4;
	s19 =	sadd.s32 s6, s5  }
0x10: {  	s25 =	sadd.s32 s2, s13;
	s26 =	sshll.u32 s12, $0x8;
	[dreg:$0x9] =	wrdreg s12  }
0x11: {  	s31 =	sadd.s32 $0xFFFFFFFF, s12;
	s6 =	simm.s32 $0x3;
	s12 =	simm.s32 $0x400  }
0x12: {  	s9 =	sadd.s32 s7, s3;
	s3 =	sadd.s32 $0xFE00, s3;
	[dreg:$0xc] =	wrdreg s19  }
0x13: {  	s1 =	sadd.s32 s1, s7;
	[dreg:$0x12] =	wrdreg s25;
	s25 =	sadd.s32 $0xFFFFFF00, s26  }
0x14: {  	s26 =	sadd.s32 $0x10, s2;
	s19 =	simm.s32 $0x1;
	[dreg:$0x8] =	wrdreg s3  }
0x15: {  	s3 =	ssub.s32 s16, s17;
	s18 =	sadd.s32 $0x3600, s9;
	[dreg:$0xb] =	wrdreg s1  }
0x16: {  	s16 =	sadd.s32 $0x10, s0;
	s17 =	sadd.s32 s0, s13;
	s23 =	sadd.s32 $0x6800, s9  }
.Ltmp0:
0x17: {  	s24 =	sadd.s32 $0x9A00, s9;
	[dreg:$0xa] =	wrdreg s18;
	(pc) =	sbr.rel .LBB2_1-.Ltmp0, $4  }
0x18: {  	s28 =	sadd.s32 s13, s26;
	s9 =	simm.s32 $0x80;
	[dreg:$0x10] =	wrdreg s23  }
0x19: {  	s1 =	simm.s32 $0x100;
	s20 =	sadd.s32 s13, s16;
	[dreg:$0x11] =	wrdreg s24  }
0x1a: {  	s24 =	smax.u32 s3, $0x1;
	[dreg:$0x13] =	wrdreg s28;
	s3 =	sor.u32 $0x100, s13  }
0x1b: {  	v0 =	vimm.f32 $0.0e+00;
	s18 =	simm.s32 $0x1000;
	[dreg:$0xd] =	wrdreg s20;
	s20 =	simm.s32 $0x0  }
.LBB2_19:
0x1c: {  	v2 =	vld [tilespmem:s21+$0x2C80];
	_ =	sdelay $0x1  }
0x1d: {  	v3 =	vld [tilespmem:s21+$0x4500];
	_ =	sdelay $0x2  }
0x1e: {  	v1 =	vmul.f32 v1, v2;
	_ =	sdelay $0x1  }
0x1f: {  	v1 =	vadd.f32 v3, v1;
	_ =	sdelay $0x1  }
0x20: {  	[tilespmem:s21+$0x2C80] =	vst v1;
	s21 =	rddreg [dreg:$0x8]  }
.LBB2_20:
0x21: {  	s20 =	sadd.s32 $0x1, s20  }
0x22: {  	p2 =	sne.s32 s20, s24  }
.Ltmp1:
0x23: {  	s10 =	sadd.s32 s21, s7;
	s15 =	simm.s32 $0x0;
	(pc) =	sbr.rel @!p2 .LBB2_21-.Ltmp1, $4  }
0x24: {  	[hbm4b:s10+s15] =	stream.linear.scatter [tilespmem:s8], [sflag:$0x3], $0x1880, $0x38;
	[tilespmem:$0x8E80] =	vst v63  }
0x25: {  	_ =	swait.ge [sflag:s6], $0x1880  }
0x26: {  	[sflag:s6] =	ssyncset.done $0x0  }
0x27: {  	[sflag:s6] =	ssyncadd.s32 $0xFFFFE780  }
.LBB2_1:
.Ltmp2:
0x28: {  	(pc) =	sbr.rel @!p0 .LBB2_2-.Ltmp2, $2  }
0x29: {  	_ =	sdelay $0x2  }
0x2a: {  	s21 =	simm.s32 $0x40;
	s22 =	simm.s32 $0x0  }
.LBB2_11:
0x2b: {  	p2 =	sne.s32 s21, $0x61C0;
	[tilespmem:s22+$0x4500] =	vst v0;
	s10 =	smov.u32 s21;
	s21 =	sadd.s32 $0x40, s21  }
.Ltmp3:
0x2c: {  	(pc) =	sbr.rel @p2 .LBB2_11-.Ltmp3, $2  }
0x2d: {  	_ =	sdelay $0x2  }
0x2e: {  	s22 =	sshra.s32 s10, $0x2  }
0x2f: {  	[tilespmem:s22+$0x4500] =	vst v0;
	s10 =	simm.s32 $0x4500  }
0x30: {  	[spmem:s11] =	stream.linear.scatter [tilespmem:s10], [sflag:$0x3], $0x1880, $0x38;
	[tilespmem:$0x8E80] =	vst v63  }
0x31: {  	_ =	swait.ge [sflag:s6], $0x1880  }
0x32: {  	s29 =	simm.s32 $0x0;
	[sflag:s6] =	ssyncset.done $0x0  }
0x33: {  	s21 =	simm.s32 $0x1400;
	s15 =	rddreg [dreg:$0x10];
	[sflag:s6] =	ssyncadd.s32 $0xFFFFE780  }
0x34: {  	[tilespmem:s21], [sflag:$0x3] =	stream.linear.gather [hbm4b:s15+s29], $0x1880, $0x38;
	[tilespmem:$0x8E80] =	vst v63  }
0x35: {  	_ =	swait.ge [sflag:s6], $0x1880  }
0x36: {  	[sflag:s6] =	ssyncset.done $0x0  }
0x37: {  	s30 =	rddreg [dreg:$0x11];
	[sflag:s6] =	ssyncadd.s32 $0xFFFFE780  }
0x38: {  	[tilespmem:s8], [sflag:$0x3] =	stream.linear.gather [hbm4b:s30+s29], $0x1880, $0x38;
	[tilespmem:$0x8E80] =	vst v63  }
0x39: {  	_ =	swait.ge [sflag:s6], $0x1880  }
0x3a: {  	[sflag:s6] =	ssyncset.done $0x0  }
0x3b: {  	s21 =	simm.s32 $0x0;
	[sflag:s6] =	ssyncadd.s32 $0xFFFFE780  }
0x3c: {  	v1 =	vld [tilespmem:s21+$0x1400];
	_ =	sdelay $0x4  }
0x3d: {  	v1 =	vadd.f32 $1.000000000e+00, v1;
	_ =	sdelay $0x1  }
0x3e: {  	v2 =	vshra.s32 v1, $0x1;
	v1 =	vmul.f32 $5.000000000e-01, v1  }
0x3f: {  	v2 =	vsub.s32 $0x5F3759DF, v2  }
0x40: {  	v3 =	vmul.f32 v2, v1;
	_ =	sdelay $0x1  }
0x41: {  	v3 =	vmul.f32 v2, v3;
	_ =	sdelay $0x1  }
0x42: {  	v3 =	vsub.f32 $1.500000000e+00, v3;
	_ =	sdelay $0x1  }
0x43: {  	v2 =	vmul.f32 v2, v3;
	_ =	sdelay $0x1  }
0x44: {  	v3 =	vmul.f32 v2, v1;
	_ =	sdelay $0x1  }
0x45: {  	v3 =	vmul.f32 v3, v2;
	_ =	sdelay $0x1  }
0x46: {  	v3 =	vsub.f32 $1.500000000e+00, v3;
	_ =	sdelay $0x1  }
0x47: {  	v2 =	vmul.f32 v3, v2;
	_ =	sdelay $0x1  }
0x48: {  	v1 =	vmul.f32 v2, v1;
	_ =	sdelay $0x1  }
0x49: {  	v3 =	vmul.f32 v1, v2  }
0x4a: {  	v1 =	vld [tilespmem:s21+$0x2C80]  }
0x4b: {  	s22 =	simm.s32 $0x40;
	s23 =	simm.s32 $0x80;
	v3 =	vsub.f32 $1.500000000e+00, v3  }
.LBB2_13:
0x4c: {  	p2 =	sne.s32 s23, $0x61C0  }
0x4d: {  	v2 =	vmul.f32 v3, v2;
	_ =	sdelay $0x1  }
0x4e: {  	s10 =	sshra.s32 s22, $0x2;
	s22 =	smov.u32 s23;
	[tilespmem:s21+$0x1400] =	vst v2;
	v1 =	vmul.f32 v2, v1  }
0x4f: {  	v3 =	vld [tilespmem:s10+$0x1400]  }
0x50: {  	[tilespmem:s21+$0x2C80] =	vst v1;
	v1 =	vmul.f32 v1, v2;
	_ =	sdelay $0x1  }
0x51: {  	[tilespmem:s21+$0x4500] =	vst v1;
	s21 =	smov.u32 s10;
	_ =	sdelay $0x1  }
0x52: {  	v1 =	vadd.f32 $1.000000000e+00, v3;
	_ =	sdelay $0x1  }
0x53: {  	v2 =	vshra.s32 v1, $0x1;
	v1 =	vmul.f32 $5.000000000e-01, v1  }
0x54: {  	v2 =	vsub.s32 $0x5F3759DF, v2  }
0x55: {  	v3 =	vmul.f32 v2, v1;
	_ =	sdelay $0x1  }
0x56: {  	v3 =	vmul.f32 v2, v3;
	_ =	sdelay $0x1  }
0x57: {  	v3 =	vsub.f32 $1.500000000e+00, v3;
	_ =	sdelay $0x1  }
0x58: {  	v2 =	vmul.f32 v2, v3;
	_ =	sdelay $0x1  }
0x59: {  	v3 =	vmul.f32 v2, v1;
	_ =	sdelay $0x1  }
0x5a: {  	v3 =	vmul.f32 v3, v2;
	_ =	sdelay $0x1  }
0x5b: {  	v3 =	vsub.f32 $1.500000000e+00, v3;
	_ =	sdelay $0x1  }
0x5c: {  	v2 =	vmul.f32 v3, v2;
	_ =	sdelay $0x1  }
.Ltmp4:
0x5d: {  	v1 =	vmul.f32 v2, v1;
	(pc) =	sbr.rel @p2 .LBB2_13-.Ltmp4, $4  }
0x5e: {  	_ = 	snop  }
0x5f: {  	v3 =	vmul.f32 v1, v2  }
0x60: {  	v1 =	vld [tilespmem:s21+$0x2C80]  }
0x61: {  	s23 =	sadd.s32 $0x40, s23;
	v3 =	vsub.f32 $1.500000000e+00, v3  }
0x62: {  	_ = 	snop  }
0x63: {  	v2 =	vmul.f32 v3, v2;
	_ =	sdelay $0x1  }
0x64: {  	s10 =	sshra.s32 s22, $0x2;
	[tilespmem:s21+$0x1400] =	vst v2  }
0x65: {  	v3 =	vld [tilespmem:s10+$0x1400];
	_ =	sdelay $0x4  }
0x66: {  	v3 =	vadd.f32 $1.000000000e+00, v3;
	_ =	sdelay $0x1  }
0x67: {  	v4 =	vshra.s32 v3, $0x1;
	v3 =	vmul.f32 $5.000000000e-01, v3  }
0x68: {  	v4 =	vsub.s32 $0x5F3759DF, v4  }
0x69: {  	v5 =	vmul.f32 v4, v3;
	_ =	sdelay $0x1  }
0x6a: {  	v5 =	vmul.f32 v4, v5;
	_ =	sdelay $0x1  }
0x6b: {  	v5 =	vsub.f32 $1.500000000e+00, v5;
	_ =	sdelay $0x1  }
0x6c: {  	v4 =	vmul.f32 v4, v5;
	_ =	sdelay $0x1  }
0x6d: {  	v5 =	vmul.f32 v4, v3;
	_ =	sdelay $0x1  }
0x6e: {  	v5 =	vmul.f32 v5, v4;
	_ =	sdelay $0x1  }
0x6f: {  	v5 =	vsub.f32 $1.500000000e+00, v5;
	_ =	sdelay $0x1  }
0x70: {  	v1 =	vmul.f32 v2, v1;
	v4 =	vmul.f32 v5, v4;
	_ =	sdelay $0x1  }
0x71: {  	v2 =	vmul.f32 v1, v2;
	v3 =	vmul.f32 v4, v3  }
0x72: {  	[tilespmem:s21+$0x2C80] =	vst v1  }
0x73: {  	[tilespmem:s21+$0x4500] =	vst v2;
	v1 =	vmul.f32 v3, v4  }
0x74: {  	v2 =	vld [tilespmem:s10+$0x2C80]  }
0x75: {  	v1 =	vsub.f32 $1.500000000e+00, v1;
	_ =	sdelay $0x1  }
0x76: {  	v1 =	vmul.f32 v1, v4;
	_ =	sdelay $0x1  }
0x77: {  	v2 =	vmul.f32 v1, v2;
	_ =	sdelay $0x1  }
0x78: {  	[tilespmem:s10+$0x1400] =	vst v1;
	v1 =	vmul.f32 v2, v1  }
0x79: {  	[tilespmem:s10+$0x2C80] =	vst v2  }
0x7a: {  	s21 =	rddreg [dreg:$0xc];
	[tilespmem:s10+$0x4500] =	vst v1  }
0x7b: {  	[spmem:s21] =	stream.linear.scatter [tilespmem:s8], [sflag:$0x3], $0x1880, $0x38;
	[tilespmem:$0x8E80] =	vst v63  }
0x7c: {  	_ =	swait.ge [sflag:s6], $0x1880  }
0x7d: {  	[sflag:s6] =	ssyncset.done $0x0  }
0x7e: {  	[sflag:s6] =	ssyncadd.s32 $0xFFFFE780  }
0x7f: {  	[bflag:$0x0] =	sbarrier.arrive $0xFFFF  }
0x80: {  	s22 =	simm.s32 $0x0;
	p4 =	sne.s32 s31, $0x1;
	s15 =	rddreg [dreg:$0x12]  }
0x81: {  	[tilespmem:s22], [sflag:$0x2] =	stream.strided.gather [hbm4b:s15+s9], $0x400, s1, s9, $0x38;
	[tilespmem:$0x8E80] =	vst v63  }
.Ltmp5:
0x82: {  	s28 =	smov.u32 s3;
	(pc) =	sbr.rel @!p4 .LBB2_17-.Ltmp5, $4  }
0x83: {  	s29 =	simm.s32 $0x0;
	s30 =	simm.s32 $0x1;
	s22 =	sand.u32 $0x1, s22  }
0x84: {  	s10 =	sand.u32 $0x1FFFFE00, s3;
	s23 =	rddreg [dreg:$0x13];
	p2 =	seq.s32 s22, $0x1  }
0x85: {  	[tilespmem:s12], [sflag:$0x2] =	stream.strided.gather [hbm4b:s23+s9], $0x400, s1, s9, $0x38;
	[tilespmem:$0x8E80] =	vst v63  }
0x86: {  	p3 =	por $0x0, $0x0;
	s28 =	smov.u32 @p2 s10;
	s29 =	simm.s32 @!p2 $0x800  }
0x87: {  	s10 =	sadd.s32 s2, s28  }
0x88: {  	[tilespmem:s29], [sflag:$0x2] =	stream.strided.gather [hbm4b:s10+s9], $0x400, s1, s9, $0x38;
	[tilespmem:$0x8E80] =	vst v63  }
0x89: {  	s10 =	simm.s32 $0x400  }
0x8a: {  	s15 =	sadd.s32 s28, s26;
	s10 =	simm.s32 @!p2 $0xC00  }
0x8b: {  	[tilespmem:s10], [sflag:$0x2] =	stream.strided.gather [hbm4b:s15+s9], $0x400, s1, s9, $0x38;
	[tilespmem:$0x8E80] =	vst v63  }
0x8c: {  	_ =	swait.ge [sflag:s14], $0x400  }
0x8d: {  	[sflag:s14] =	ssyncset.done $0x0  }
0x8e: {  	[sflag:s14] =	ssyncadd.s32 $0xFFFFFC00  }
0x8f: {  	s23 =	ssub.s32 $0x0, s22;
	s21 =	simm.s32 $0x2;
	_ =	swait.ge [sflag:s14], $0x400  }
0x90: {  	s22 =	sand.u32 $0x1, s30;
	p4 =	sne.s32 s31, $0x2;
	[sflag:s14] =	ssyncset.done $0x0  }
0x91: {  	p3 =	por $0x1, $0x1;
	s10 =	sand.u32 $0x800, s23;
	[sflag:s14] =	ssyncadd.s32 $0xFFFFFC00  }
0x92: {  	[tilespmem:s18], [sflag:$0x1] =	stream.indirect.gather [spmem:s5], $0x1, s10, s12, $0xb8;
	[tilespmem:$0x8E80] =	vst v63  }
0x93: {  	s29 =	simm.s32 $0x0;
	s23 =	sadd.s32 $0x100, s3;
	_ =	swait.ge [sflag:s19], $0x400  }
.Ltmp6:
0x94: {  	s10 =	simm.s32 $0xC00;
	[sflag:s19] =	ssyncset.done $0x0;
	(pc) =	sbr.rel @!p4 .LBB2_17-.Ltmp6, $4  }
0x95: {  	s28 =	smov.u32 s23;
	s10 =	simm.s32 @!p2 $0x400;
	[sflag:s19] =	ssyncadd.s32 $0xFFFFFC00  }
0x96: {  	[spmem:s4] =	stream.indirect.scatter.add.f32 [tilespmem:s18], [sflag:$0x1], $0x1, s10, s12, $0xb8;
	[tilespmem:$0x8E80] =	vst v63  }
0x97: {  	p2 =	seq.s32 s22, $0x1;
	s10 =	sand.u32 $0x1FFFFE00, s23;
	_ =	swait.ge [sflag:s19], $0x400  }
0x98: {  	s29 =	simm.s32 @!p2 $0x800;
	s28 =	smov.u32 @p2 s10;
	[sflag:s19] =	ssyncset.done $0x0  }
.LBB2_16:
0x99: {  	s10 =	ssub.s32 $0x0, s22  }
0x9a: {  	s15 =	sadd.s32 s2, s28;
	[sflag:s19] =	ssyncadd.s32 $0xFFFFFC00;
	s22 =	smov.u32 s21  }
0x9b: {  	[tilespmem:s29], [sflag:$0x2] =	stream.strided.gather [hbm4b:s15+s9], $0x400, s1, s9, $0x38;
	[tilespmem:$0x8E80] =	vst v63  }
0x9c: {  	s15 =	simm.s32 $0x400  }
0x9d: {  	s21 =	sadd.s32 $0x1, s21;
	s28 =	sadd.s32 s28, s26;
	s15 =	simm.s32 @!p2 $0xC00  }
0x9e: {  	[tilespmem:s15], [sflag:$0x2] =	stream.strided.gather [hbm4b:s28+s9], $0x400, s1, s9, $0x38;
	[tilespmem:$0x8E80] =	vst v63  }
0x9f: {  	p4 =	sne.s32 s31, s21;
	_ =	swait.ge [sflag:s14], $0x400  }
0xa0: {  	[sflag:s14] =	ssyncset.done $0x0  }
0xa1: {  	[sflag:s14] =	ssyncadd.s32 $0xFFFFFC00  }
0xa2: {  	_ =	swait.ge [sflag:s14], $0x400  }
0xa3: {  	[sflag:s14] =	ssyncset.done $0x0  }
0xa4: {  	s23 =	sadd.s32 $0x100, s23;
	s10 =	sand.u32 $0x800, s10;
	[sflag:s14] =	ssyncadd.s32 $0xFFFFFC00  }
0xa5: {  	[tilespmem:s18], [sflag:$0x1] =	stream.indirect.gather [spmem:s5], $0x1, s10, s12, $0xb8;
	[tilespmem:$0x8E80] =	vst v63  }
0xa6: {  	s22 =	sand.u32 $0x1, s22;
	s29 =	simm.s32 $0x0;
	_ =	swait.ge [sflag:s19], $0x400  }
.Ltmp7:
0xa7: {  	s10 =	simm.s32 $0xC00;
	[sflag:s19] =	ssyncset.done $0x0;
	(pc) =	sbr.rel @p4 .LBB2_16-.Ltmp7, $4  }
0xa8: {  	s28 =	smov.u32 s23;
	s10 =	simm.s32 @!p2 $0x400;
	[sflag:s19] =	ssyncadd.s32 $0xFFFFFC00  }
0xa9: {  	[spmem:s4] =	stream.indirect.scatter.add.f32 [tilespmem:s18], [sflag:$0x1], $0x1, s10, s12, $0xb8;
	[tilespmem:$0x8E80] =	vst v63  }
0xaa: {  	p2 =	seq.s32 s22, $0x1;
	s10 =	sand.u32 $0x1FFFFE00, s23;
	_ =	swait.ge [sflag:s19], $0x400  }
0xab: {  	s29 =	simm.s32 @!p2 $0x800;
	s28 =	smov.u32 @p2 s10;
	[sflag:s19] =	ssyncset.done $0x0  }
.LBB2_17:
0xac: {  	s10 =	sadd.s32 s2, s28;
	[sflag:s19] =	ssyncadd.s32 @p3 $0xFFFFFC00  }
0xad: {  	[tilespmem:s29], [sflag:$0x2] =	stream.strided.gather [hbm4b:s10+s9], $0x400, s1, s9, $0x38;
	[tilespmem:$0x8E80] =	vst v63  }
0xae: {  	s10 =	simm.s32 $0x400  }
0xaf: {  	s15 =	sadd.s32 s28, s26;
	s10 =	simm.s32 @!p2 $0xC00  }
0xb0: {  	[tilespmem:s10], [sflag:$0x2] =	stream.strided.gather [hbm4b:s15+s9], $0x400, s1, s9, $0x38;
	[tilespmem:$0x8E80] =	vst v63  }
0xb1: {  	_ =	swait.ge [sflag:s14], $0x400  }
0xb2: {  	[sflag:s14] =	ssyncset.done $0x0  }
0xb3: {  	[sflag:s14] =	ssyncadd.s32 $0xFFFFFC00  }
0xb4: {  	_ =	swait.ge [sflag:s14], $0x400  }
0xb5: {  	s28 =	ssub.s32 $0x0, s22;
	[sflag:s14] =	ssyncset.done $0x0  }
0xb6: {  	s10 =	sand.u32 $0x800, s28;
	[sflag:s14] =	ssyncadd.s32 $0xFFFFFC00  }
0xb7: {  	[tilespmem:s18], [sflag:$0x1] =	stream.indirect.gather [spmem:s5], $0x1, s10, s12, $0xb8;
	[tilespmem:$0x8E80] =	vst v63  }
0xb8: {  	_ =	swait.ge [sflag:s19], $0x400  }
0xb9: {  	s10 =	simm.s32 $0xC00;
	[sflag:s19] =	ssyncset.done $0x0  }
0xba: {  	s10 =	simm.s32 @!p2 $0x400;
	[sflag:s19] =	ssyncadd.s32 $0xFFFFFC00  }
0xbb: {  	[spmem:s4] =	stream.indirect.scatter.add.f32 [tilespmem:s18], [sflag:$0x1], $0x1, s10, s12, $0xb8;
	[tilespmem:$0x8E80] =	vst v63  }
0xbc: {  	_ =	swait.ge [sflag:s19], $0x400  }
0xbd: {  	[sflag:s19] =	ssyncset.done $0x0  }
0xbe: {  	[sflag:s19] =	ssyncadd.s32 $0xFFFFFC00  }
0xbf: {  	_ =	swait.ge [sflag:s14], $0x400  }
0xc0: {  	[sflag:s14] =	ssyncset.done $0x0  }
0xc1: {  	[sflag:s14] =	ssyncadd.s32 $0xFFFFFC00  }
0xc2: {  	_ =	swait.ge [sflag:s14], $0x400  }
0xc3: {  	[sflag:s14] =	ssyncset.done $0x0  }
0xc4: {  	s29 =	simm.s32 $0x800;
	[sflag:s14] =	ssyncadd.s32 $0xFFFFFC00  }
0xc5: {  	[tilespmem:s18], [sflag:$0x1] =	stream.indirect.gather [spmem:s5], $0x1, s29, s12, $0xb8;
	[tilespmem:$0x8E80] =	vst v63  }
0xc6: {  	_ =	swait.ge [sflag:s19], $0x400  }
0xc7: {  	[sflag:s19] =	ssyncset.done $0x0  }
0xc8: {  	s30 =	simm.s32 $0xC00;
	[sflag:s19] =	ssyncadd.s32 $0xFFFFFC00  }
0xc9: {  	[spmem:s4] =	stream.indirect.scatter.add.f32 [tilespmem:s18], [sflag:$0x1], $0x1, s30, s12, $0xb8;
	[tilespmem:$0x8E80] =	vst v63  }
0xca: {  	_ =	swait.ge [sflag:s19], $0x400  }
0xcb: {  	s21 =	simm.s32 @!p1 $0x0;
	s15 =	simm.s32 @!p1 $0x100;
	[sflag:s19] =	ssyncset.done $0x0  }
0xcc: {  	s10 =	simm.s32 @!p1 $0x80;
	s22 =	rddreg [dreg:$0x14];
	[sflag:s19] =	ssyncadd.s32 $0xFFFFFC00  }
0xcd: {  	[tilespmem:s21], [sflag:$0x3] =	stream.strided.gather @!p1 [hbm4b:s22+s10], $0x200, s15, s10, $0x38;
	[tilespmem:$0x8E80] =	vst v63  }
0xce: {  	s22 =	simm.s32 @!p1 $0x3  }
0xcf: {  	_ =	swait.ge @!p1 [sflag:s22], $0x200  }
0xd0: {  	[sflag:s22] =	ssyncset.done @!p1 $0x0  }
0xd1: {  	s23 =	simm.s32 @!p1 $0x400;
	s28 =	rddreg [dreg:$0x15];
	[sflag:s22] =	ssyncadd.s32 @!p1 $0xFFFFFE00  }
0xd2: {  	[tilespmem:s23], [sflag:$0x3] =	stream.strided.gather @!p1 [hbm4b:s28+s10], $0x200, s15, s10, $0x38;
	[tilespmem:$0x8E80] =	vst v63  }
0xd3: {  	_ =	swait.ge @!p1 [sflag:s22], $0x200  }
0xd4: {  	[sflag:s22] =	ssyncset.done @!p1 $0x0  }
0xd5: {  	s10 =	simm.s32 @!p1 $0x200;
	s15 =	simm.s32 @!p1 $0x1000;
	[sflag:s22] =	ssyncadd.s32 @!p1 $0xFFFFFE00  }
0xd6: {  	[tilespmem:s15], [sflag:$0x1] =	stream.indirect.gather @!p1 [spmem:s5], $0x1, s21, s10, $0xb8;
	[tilespmem:$0x8E80] =	vst v63  }
0xd7: {  	s21 =	simm.s32 @!p1 $0x1  }
0xd8: {  	_ =	swait.ge @!p1 [sflag:s21], $0x200  }
0xd9: {  	[sflag:s21] =	ssyncset.done @!p1 $0x0  }
0xda: {  	[sflag:s21] =	ssyncadd.s32 @!p1 $0xFFFFFE00  }
0xdb: {  	[spmem:s4] =	stream.indirect.scatter.add.f32 @!p1 [tilespmem:s15], [sflag:$0x1], $0x1, s23, s10, $0xb8;
	[tilespmem:$0x8E80] =	vst v63  }
0xdc: {  	_ =	swait.ge @!p1 [sflag:s21], $0x200  }
0xdd: {  	[sflag:s21] =	ssyncset.done @!p1 $0x0  }
0xde: {  	[sflag:s21] =	ssyncadd.s32 @!p1 $0xFFFFFE00  }
0xdf: {  	[bflag:$0x0] =	sbarrier.arrive $0xFFFF  }
0xe0: {  	[tilespmem:s8], [sflag:$0x3] =	stream.linear.gather [spmem:s11], $0x1880, $0x38;
	[tilespmem:$0x8E80] =	vst v63  }
0xe1: {  	_ =	swait.ge [sflag:s6], $0x1880  }
0xe2: {  	[sflag:s6] =	ssyncset.done $0x0  }
0xe3: {  	s21 =	simm.s32 $0x0;
	[sflag:s6] =	ssyncadd.s32 $0xFFFFE780  }
0xe4: {  	s22 =	simm.s32 $0x40;
	v1 =	vld [tilespmem:s21+$0x1400]  }
.LBB2_18:
0xe5: {  	p2 =	sne.s32 s22, $0x61C0;
	v2 =	vld [tilespmem:s21+$0x2C80];
	_ =	sdelay $0x1  }
0xe6: {  	v3 =	vld [tilespmem:s21+$0x4500];
	_ =	sdelay $0x2  }
.Ltmp8:
0xe7: {  	v1 =	vmul.f32 v1, v2;
	(pc) =	sbr.rel @p2 .LBB2_18-.Ltmp8, $4  }
0xe8: {  	_ = 	snop  }
0xe9: {  	v2 =	vadd.f32 v3, v1  }
0xea: {  	s10 =	sshra.s32 s22, $0x2  }
0xeb: {  	s22 =	sadd.s32 $0x40, s22;
	v1 =	vld [tilespmem:s10+$0x1400];
	[tilespmem:s21+$0x2C80] =	vst v2;
	s21 =	smov.u32 s10  }
.Ltmp9:
0xec: {  	_ = 	snop;
	(pc) =	sbr.rel .LBB2_19-.Ltmp9, $1  }
0xed: {  	_ =	sdelay $0x3  }
.LBB2_2:
0xee: {  	p2 =	sne.s32 s21, $0x61C0;
	[tilespmem:s22+$0x4500] =	vst v0;
	s22 =	smov.u32 s21;
	s21 =	sadd.s32 $0x40, s21  }
.Ltmp10:
0xef: {  	(pc) =	sbr.rel @p2 .LBB2_2-.Ltmp10, $2  }
0xf0: {  	_ =	sdelay $0x2  }
0xf1: {  	s22 =	sshra.s32 s22, $0x2  }
0xf2: {  	[tilespmem:s22+$0x4500] =	vst v0;
	s10 =	simm.s32 $0x4500  }
0xf3: {  	[spmem:s11] =	stream.linear.scatter [tilespmem:s10], [sflag:$0x3], $0x1880, $0x38;
	[tilespmem:$0x8E80] =	vst v63  }
0xf4: {  	_ =	swait.ge [sflag:s6], $0x1880  }
0xf5: {  	s21 =	simm.s32 $0x0;
	[sflag:s6] =	ssyncset.done $0x0  }
0xf6: {  	s15 =	simm.s32 $0x1400;
	s29 =	rddreg [dreg:$0xa];
	[sflag:s6] =	ssyncadd.s32 $0xFFFFE780  }
0xf7: {  	[tilespmem:s15], [sflag:$0x3] =	stream.linear.gather [hbm4b:s29+s21], $0x1880, $0x38;
	[tilespmem:$0x8E80] =	vst v63  }
0xf8: {  	_ =	swait.ge [sflag:s6], $0x1880  }
0xf9: {  	[sflag:s6] =	ssyncset.done $0x0  }
0xfa: {  	s30 =	rddreg [dreg:$0xb];
	[sflag:s6] =	ssyncadd.s32 $0xFFFFE780  }
0xfb: {  	[tilespmem:s8], [sflag:$0x3] =	stream.linear.gather [hbm4b:s30+s21], $0x1880, $0x38;
	[tilespmem:$0x8E80] =	vst v63  }
0xfc: {  	_ =	swait.ge [sflag:s6], $0x1880  }
0xfd: {  	[sflag:s6] =	ssyncset.done $0x0  }
0xfe: {  	s21 =	simm.s32 $0x0;
	[sflag:s6] =	ssyncadd.s32 $0xFFFFE780  }
0xff: {  	v1 =	vld [tilespmem:s21+$0x1400];
	_ =	sdelay $0x4  }
0x100: {  	v1 =	vadd.f32 $1.000000000e+00, v1;
	_ =	sdelay $0x1  }
0x101: {  	v2 =	vshra.s32 v1, $0x1;
	v1 =	vmul.f32 $5.000000000e-01, v1  }
0x102: {  	v2 =	vsub.s32 $0x5F3759DF, v2  }
0x103: {  	v3 =	vmul.f32 v2, v1;
	_ =	sdelay $0x1  }
0x104: {  	v3 =	vmul.f32 v2, v3;
	_ =	sdelay $0x1  }
0x105: {  	v3 =	vsub.f32 $1.500000000e+00, v3;
	_ =	sdelay $0x1  }
0x106: {  	v2 =	vmul.f32 v2, v3;
	_ =	sdelay $0x1  }
0x107: {  	v3 =	vmul.f32 v2, v1;
	_ =	sdelay $0x1  }
0x108: {  	v3 =	vmul.f32 v3, v2;
	_ =	sdelay $0x1  }
0x109: {  	v3 =	vsub.f32 $1.500000000e+00, v3;
	_ =	sdelay $0x1  }
0x10a: {  	v2 =	vmul.f32 v3, v2;
	_ =	sdelay $0x1  }
0x10b: {  	v1 =	vmul.f32 v2, v1;
	_ =	sdelay $0x1  }
0x10c: {  	v3 =	vmul.f32 v1, v2  }
0x10d: {  	v1 =	vld [tilespmem:s21+$0x2C80]  }
0x10e: {  	s22 =	simm.s32 $0x40;
	s23 =	simm.s32 $0x80;
	v3 =	vsub.f32 $1.500000000e+00, v3  }
.LBB2_4:
0x10f: {  	p2 =	sne.s32 s23, $0x61C0  }
0x110: {  	v2 =	vmul.f32 v3, v2;
	_ =	sdelay $0x1  }
0x111: {  	s28 =	sshra.s32 s22, $0x2;
	s22 =	smov.u32 s23;
	[tilespmem:s21+$0x1400] =	vst v2;
	v1 =	vmul.f32 v2, v1  }
0x112: {  	v3 =	vld [tilespmem:s28+$0x1400]  }
0x113: {  	[tilespmem:s21+$0x2C80] =	vst v1;
	v1 =	vmul.f32 v1, v2;
	_ =	sdelay $0x1  }
0x114: {  	[tilespmem:s21+$0x4500] =	vst v1;
	s21 =	smov.u32 s28;
	_ =	sdelay $0x1  }
0x115: {  	v1 =	vadd.f32 $1.000000000e+00, v3;
	_ =	sdelay $0x1  }
0x116: {  	v2 =	vshra.s32 v1, $0x1;
	v1 =	vmul.f32 $5.000000000e-01, v1  }
0x117: {  	v2 =	vsub.s32 $0x5F3759DF, v2  }
0x118: {  	v3 =	vmul.f32 v2, v1;
	_ =	sdelay $0x1  }
0x119: {  	v3 =	vmul.f32 v2, v3;
	_ =	sdelay $0x1  }
0x11a: {  	v3 =	vsub.f32 $1.500000000e+00, v3;
	_ =	sdelay $0x1  }
0x11b: {  	v2 =	vmul.f32 v2, v3;
	_ =	sdelay $0x1  }
0x11c: {  	v3 =	vmul.f32 v2, v1;
	_ =	sdelay $0x1  }
0x11d: {  	v3 =	vmul.f32 v3, v2;
	_ =	sdelay $0x1  }
0x11e: {  	v3 =	vsub.f32 $1.500000000e+00, v3;
	_ =	sdelay $0x1  }
0x11f: {  	v2 =	vmul.f32 v3, v2;
	_ =	sdelay $0x1  }
.Ltmp11:
0x120: {  	v1 =	vmul.f32 v2, v1;
	(pc) =	sbr.rel @p2 .LBB2_4-.Ltmp11, $4  }
0x121: {  	_ = 	snop  }
0x122: {  	v3 =	vmul.f32 v1, v2  }
0x123: {  	v1 =	vld [tilespmem:s21+$0x2C80]  }
0x124: {  	s23 =	sadd.s32 $0x40, s23;
	v3 =	vsub.f32 $1.500000000e+00, v3  }
0x125: {  	_ = 	snop  }
0x126: {  	v2 =	vmul.f32 v3, v2;
	_ =	sdelay $0x1  }
0x127: {  	s22 =	sshra.s32 s22, $0x2;
	[tilespmem:s21+$0x1400] =	vst v2  }
0x128: {  	v3 =	vld [tilespmem:s22+$0x1400];
	_ =	sdelay $0x4  }
0x129: {  	v3 =	vadd.f32 $1.000000000e+00, v3;
	_ =	sdelay $0x1  }
0x12a: {  	v4 =	vshra.s32 v3, $0x1;
	v3 =	vmul.f32 $5.000000000e-01, v3  }
0x12b: {  	v4 =	vsub.s32 $0x5F3759DF, v4  }
0x12c: {  	v5 =	vmul.f32 v4, v3;
	_ =	sdelay $0x1  }
0x12d: {  	v5 =	vmul.f32 v4, v5;
	_ =	sdelay $0x1  }
0x12e: {  	v5 =	vsub.f32 $1.500000000e+00, v5;
	_ =	sdelay $0x1  }
0x12f: {  	v4 =	vmul.f32 v4, v5;
	_ =	sdelay $0x1  }
0x130: {  	v5 =	vmul.f32 v4, v3;
	_ =	sdelay $0x1  }
0x131: {  	v5 =	vmul.f32 v5, v4;
	_ =	sdelay $0x1  }
0x132: {  	v5 =	vsub.f32 $1.500000000e+00, v5;
	_ =	sdelay $0x1  }
0x133: {  	v1 =	vmul.f32 v2, v1;
	v4 =	vmul.f32 v5, v4;
	_ =	sdelay $0x1  }
0x134: {  	v2 =	vmul.f32 v1, v2;
	v3 =	vmul.f32 v4, v3  }
0x135: {  	[tilespmem:s21+$0x2C80] =	vst v1  }
0x136: {  	[tilespmem:s21+$0x4500] =	vst v2;
	v1 =	vmul.f32 v3, v4  }
0x137: {  	v2 =	vld [tilespmem:s22+$0x2C80]  }
0x138: {  	v1 =	vsub.f32 $1.500000000e+00, v1;
	_ =	sdelay $0x1  }
0x139: {  	v1 =	vmul.f32 v1, v4;
	_ =	sdelay $0x1  }
0x13a: {  	v2 =	vmul.f32 v1, v2;
	_ =	sdelay $0x1  }
0x13b: {  	[tilespmem:s22+$0x1400] =	vst v1;
	v1 =	vmul.f32 v2, v1  }
0x13c: {  	[tilespmem:s22+$0x2C80] =	vst v2  }
0x13d: {  	s10 =	rddreg [dreg:$0xc];
	[tilespmem:s22+$0x4500] =	vst v1  }
0x13e: {  	[spmem:s10] =	stream.linear.scatter [tilespmem:s8], [sflag:$0x3], $0x1880, $0x38;
	[tilespmem:$0x8E80] =	vst v63  }
0x13f: {  	_ =	swait.ge [sflag:s6], $0x1880  }
0x140: {  	s29 =	simm.s32 $0x0;
	s23 =	simm.s32 $0x0;
	[sflag:s6] =	ssyncset.done $0x0  }
0x141: {  	p4 =	sne.s32 s25, $0x100;
	s28 =	sadd.s32 $0x100, s13;
	[sflag:s6] =	ssyncadd.s32 $0xFFFFE780  }
.Ltmp12:
0x142: {  	p3 =	por $0x0, $0x0;
	[bflag:$0x0] =	sbarrier.arrive $0xFFFF;
	(pc) =	sbr.rel @!p4 .LBB2_8-.Ltmp12, $4  }
0x143: {  	[tilespmem:s29], [sflag:$0x2] =	stream.strided.gather [hbm4b:s17+s9], $0x400, s1, s9, $0x38;
	[tilespmem:$0x8E80] =	vst v63  }
0x144: {  	s21 =	simm.s32 $0x100;
	s22 =	simm.s32 $0x1;
	s29 =	sand.u32 $0x1, s23  }
0x145: {  	s30 =	rddreg [dreg:$0xd];
	s23 =	ssub.s32 $0x0, s29;
	p2 =	seq.s32 s29, $0x1  }
0x146: {  	[tilespmem:s12], [sflag:$0x2] =	stream.strided.gather [hbm4b:s30+s9], $0x400, s1, s9, $0x38;
	[tilespmem:$0x8E80] =	vst v63  }
0x147: {  	s21 =	sand.u32 $0x1FFFFE00, s28  }
0x148: {  	s28 =	smov.u32 @p2 s21;
	s21 =	simm.s32 $0x0  }
0x149: {  	s21 =	simm.s32 @!p2 $0x800;
	s22 =	sadd.s32 s0, s28  }
0x14a: {  	[tilespmem:s21], [sflag:$0x2] =	stream.strided.gather [hbm4b:s22+s9], $0x400, s1, s9, $0x38;
	[tilespmem:$0x8E80] =	vst v63  }
0x14b: {  	s21 =	simm.s32 $0x400  }
0x14c: {  	s15 =	sadd.s32 s28, s16;
	s21 =	simm.s32 @!p2 $0xC00  }
0x14d: {  	[tilespmem:s21], [sflag:$0x2] =	stream.strided.gather [hbm4b:s15+s9], $0x400, s1, s9, $0x38;
	[tilespmem:$0x8E80] =	vst v63  }
0x14e: {  	_ =	swait.ge [sflag:s14], $0x400  }
0x14f: {  	[sflag:s14] =	ssyncset.done $0x0  }
0x150: {  	[sflag:s14] =	ssyncadd.s32 $0xFFFFFC00  }
0x151: {  	s29 =	sand.u32 $0x800, s23;
	_ =	swait.ge [sflag:s14], $0x400  }
0x152: {  	p4 =	sne.s32 s25, $0x200;
	s30 =	simm.s32 $0x1;
	[sflag:s14] =	ssyncset.done $0x0  }
0x153: {  	s23 =	simm.s32 $0xC00;
	p3 =	por $0x1, $0x1;
	[sflag:s14] =	ssyncadd.s32 $0xFFFFFC00  }
0x154: {  	[tilespmem:s18], [sflag:$0x1] =	stream.indirect.gather [spmem:s5], $0x1, s29, s12, $0xb8;
	[tilespmem:$0x8E80] =	vst v63  }
.Ltmp13:
0x155: {  	s23 =	simm.s32 @!p2 $0x400;
	_ =	swait.ge [sflag:s19], $0x400;
	(pc) =	sbr.rel @!p4 .LBB2_8-.Ltmp13, $4  }
0x156: {  	s28 =	sadd.s32 $0x200, s13;
	s22 =	simm.s32 $0x2;
	[sflag:s19] =	ssyncset.done $0x0  }
0x157: {  	s21 =	simm.s32 $0x200;
	s29 =	sand.u32 $0x1, s30;
	[sflag:s19] =	ssyncadd.s32 $0xFFFFFC00  }
0x158: {  	[spmem:s4] =	stream.indirect.scatter.add.f32 [tilespmem:s18], [sflag:$0x1], $0x1, s23, s12, $0xb8;
	[tilespmem:$0x8E80] =	vst v63  }
0x159: {  	p2 =	seq.s32 s29, $0x1;
	s23 =	ssub.s32 $0x0, s29;
	_ =	swait.ge [sflag:s19], $0x400  }
.LBB2_7:
0x15a: {  	s21 =	sadd.s32 $0x100, s21;
	s29 =	sand.u32 $0x1FFFFE00, s28  }
0x15b: {  	[sflag:s19] =	ssyncset.done $0x0;
	s28 =	smov.u32 @p2 s29;
	s29 =	simm.s32 $0x0  }
0x15c: {  	[sflag:s19] =	ssyncadd.s32 $0xFFFFFC00;
	s29 =	simm.s32 @!p2 $0x800  }
0x15d: {  	p4 =	sne.s32 s25, s21;
	s30 =	sadd.s32 s0, s28;
	s28 =	sadd.s32 s28, s16  }
0x15e: {  	[tilespmem:s29], [sflag:$0x2] =	stream.strided.gather [hbm4b:s30+s9], $0x400, s1, s9, $0x38;
	[tilespmem:$0x8E80] =	vst v63  }
0x15f: {  	s29 =	simm.s32 $0x400  }
0x160: {  	s29 =	simm.s32 @!p2 $0xC00  }
0x161: {  	[tilespmem:s29], [sflag:$0x2] =	stream.strided.gather [hbm4b:s28+s9], $0x400, s1, s9, $0x38;
	[tilespmem:$0x8E80] =	vst v63  }
0x162: {  	_ =	swait.ge [sflag:s14], $0x400  }
0x163: {  	[sflag:s14] =	ssyncset.done $0x0  }
0x164: {  	[sflag:s14] =	ssyncadd.s32 $0xFFFFFC00  }
0x165: {  	_ =	swait.ge [sflag:s14], $0x400  }
0x166: {  	s23 =	sand.u32 $0x800, s23;
	[sflag:s14] =	ssyncset.done $0x0  }
0x167: {  	s22 =	sadd.s32 $0x1, s22;
	[sflag:s14] =	ssyncadd.s32 $0xFFFFFC00  }
0x168: {  	[tilespmem:s18], [sflag:$0x1] =	stream.indirect.gather [spmem:s5], $0x1, s23, s12, $0xb8;
	[tilespmem:$0x8E80] =	vst v63  }
.Ltmp14:
0x169: {  	s29 =	simm.s32 $0xC00;
	_ =	swait.ge [sflag:s19], $0x400;
	(pc) =	sbr.rel @p4 .LBB2_7-.Ltmp14, $4  }
0x16a: {  	s29 =	simm.s32 @!p2 $0x400;
	s23 =	sadd.s32 $0xFFFFFFFF, s22;
	[sflag:s19] =	ssyncset.done $0x0  }
0x16b: {  	s28 =	sadd.s32 s13, s21;
	s30 =	sand.u32 $0x1, s23;
	[sflag:s19] =	ssyncadd.s32 $0xFFFFFC00  }
0x16c: {  	[spmem:s4] =	stream.indirect.scatter.add.f32 [tilespmem:s18], [sflag:$0x1], $0x1, s29, s12, $0xb8;
	[tilespmem:$0x8E80] =	vst v63  }
0x16d: {  	s23 =	ssub.s32 $0x0, s30;
	p2 =	seq.s32 s30, $0x1;
	_ =	swait.ge [sflag:s19], $0x400  }
.LBB2_8:
0x16e: {  	s29 =	sand.u32 $0x1FFFFE00, s28  }
0x16f: {  	[sflag:s19] =	ssyncset.done @p3 $0x0;
	s28 =	smov.u32 @p2 s29;
	s29 =	simm.s32 $0x0  }
0x170: {  	[sflag:s19] =	ssyncadd.s32 @p3 $0xFFFFFC00;
	s29 =	simm.s32 @!p2 $0x800;
	s30 =	sadd.s32 s0, s28  }
0x171: {  	[tilespmem:s29], [sflag:$0x2] =	stream.strided.gather [hbm4b:s30+s9], $0x400, s1, s9, $0x38;
	[tilespmem:$0x8E80] =	vst v63  }
0x172: {  	s30 =	simm.s32 $0x400  }
0x173: {  	s28 =	sadd.s32 s28, s16;
	s30 =	simm.s32 @!p2 $0xC00  }
0x174: {  	[tilespmem:s30], [sflag:$0x2] =	stream.strided.gather [hbm4b:s28+s9], $0x400, s1, s9, $0x38;
	[tilespmem:$0x8E80] =	vst v63  }
0x175: {  	_ =	swait.ge [sflag:s14], $0x400  }
0x176: {  	[sflag:s14] =	ssyncset.done $0x0  }
0x177: {  	[sflag:s14] =	ssyncadd.s32 $0xFFFFFC00  }
0x178: {  	_ =	swait.ge [sflag:s14], $0x400  }
0x179: {  	[sflag:s14] =	ssyncset.done $0x0  }
0x17a: {  	s23 =	sand.u32 $0x800, s23;
	[sflag:s14] =	ssyncadd.s32 $0xFFFFFC00  }
0x17b: {  	[tilespmem:s18], [sflag:$0x1] =	stream.indirect.gather [spmem:s5], $0x1, s23, s12, $0xb8;
	[tilespmem:$0x8E80] =	vst v63  }
0x17c: {  	_ =	swait.ge [sflag:s19], $0x400  }
0x17d: {  	s28 =	simm.s32 $0xC00;
	[sflag:s19] =	ssyncset.done $0x0  }
0x17e: {  	s28 =	simm.s32 @!p2 $0x400;
	[sflag:s19] =	ssyncadd.s32 $0xFFFFFC00  }
0x17f: {  	[spmem:s4] =	stream.indirect.scatter.add.f32 [tilespmem:s18], [sflag:$0x1], $0x1, s28, s12, $0xb8;
	[tilespmem:$0x8E80] =	vst v63  }
0x180: {  	_ =	swait.ge [sflag:s19], $0x400  }
0x181: {  	s22 =	sadd.s32 $0x1, s22;
	s10 =	rddreg [dreg:$0x9]  }
0x182: {  	[sflag:s19] =	ssyncset.done $0x0;
	p2 =	sge.u32 s22, s10  }
0x183: {  	[sflag:s19] =	ssyncadd.s32 $0xFFFFFC00;
	s21 =	sadd.s32 @!p2 s21, s17  }
0x184: {  	s10 =	simm.s32 @!p2 $0x80;
	s15 =	simm.s32 @!p2 $0x100;
	s22 =	sadd.s32 @!p2 $0x100, s21  }
0x185: {  	[tilespmem:s23], [sflag:$0x2] =	stream.strided.gather @!p2 [hbm4b:s22+s10], $0x400, s15, s10, $0x38;
	[tilespmem:$0x8E80] =	vst v63  }
0x186: {  	s21 =	sadd.s32 @!p2 $0x110, s21  }
0x187: {  	[tilespmem:s28], [sflag:$0x2] =	stream.strided.gather @!p2 [hbm4b:s21+s10], $0x400, s15, s10, $0x38;
	[tilespmem:$0x8E80] =	vst v63  }
0x188: {  	_ =	swait.ge [sflag:s14], $0x400  }
0x189: {  	[sflag:s14] =	ssyncset.done $0x0  }
0x18a: {  	[sflag:s14] =	ssyncadd.s32 $0xFFFFFC00  }
0x18b: {  	_ =	swait.ge [sflag:s14], $0x400  }
0x18c: {  	[sflag:s14] =	ssyncset.done $0x0  }
0x18d: {  	[sflag:s14] =	ssyncadd.s32 $0xFFFFFC00  }
0x18e: {  	[tilespmem:s18], [sflag:$0x1] =	stream.indirect.gather [spmem:s5], $0x1, s29, s12, $0xb8;
	[tilespmem:$0x8E80] =	vst v63  }
0x18f: {  	_ =	swait.ge [sflag:s19], $0x400  }
0x190: {  	[sflag:s19] =	ssyncset.done $0x0  }
0x191: {  	[sflag:s19] =	ssyncadd.s32 $0xFFFFFC00  }
0x192: {  	[spmem:s4] =	stream.indirect.scatter.add.f32 [tilespmem:s18], [sflag:$0x1], $0x1, s30, s12, $0xb8;
	[tilespmem:$0x8E80] =	vst v63  }
0x193: {  	_ =	swait.ge [sflag:s19], $0x400  }
0x194: {  	s10 =	simm.s32 @!p1 $0x80;
	s15 =	simm.s32 @!p1 $0x100;
	[sflag:s19] =	ssyncset.done $0x0  }
0x195: {  	s21 =	simm.s32 @!p1 $0x0;
	s22 =	rddreg [dreg:$0xe];
	[sflag:s19] =	ssyncadd.s32 $0xFFFFFC00  }
0x196: {  	[tilespmem:s21], [sflag:$0x3] =	stream.strided.gather @!p1 [hbm4b:s22+s10], $0x200, s15, s10, $0x38;
	[tilespmem:$0x8E80] =	vst v63  }
0x197: {  	s22 =	simm.s32 @!p1 $0x3  }
0x198: {  	_ =	swait.ge @!p1 [sflag:s22], $0x200  }
0x199: {  	[sflag:s22] =	ssyncset.done @!p1 $0x0  }
0x19a: {  	s23 =	simm.s32 @!p1 $0x400;
	s28 =	rddreg [dreg:$0xf];
	[sflag:s22] =	ssyncadd.s32 @!p1 $0xFFFFFE00  }
0x19b: {  	[tilespmem:s23], [sflag:$0x3] =	stream.strided.gather @!p1 [hbm4b:s28+s10], $0x200, s15, s10, $0x38;
	[tilespmem:$0x8E80] =	vst v63  }
0x19c: {  	_ =	swait.ge @!p1 [sflag:s22], $0x200  }
0x19d: {  	[sflag:s22] =	ssyncset.done @!p1 $0x0  }
0x19e: {  	s10 =	simm.s32 @!p1 $0x200;
	s15 =	simm.s32 @!p1 $0x1000;
	[sflag:s22] =	ssyncadd.s32 @!p1 $0xFFFFFE00  }
0x19f: {  	[tilespmem:s15], [sflag:$0x1] =	stream.indirect.gather @!p1 [spmem:s5], $0x1, s21, s10, $0xb8;
	[tilespmem:$0x8E80] =	vst v63  }
0x1a0: {  	s21 =	simm.s32 @!p1 $0x1  }
0x1a1: {  	_ =	swait.ge @!p1 [sflag:s21], $0x200  }
0x1a2: {  	[sflag:s21] =	ssyncset.done @!p1 $0x0  }
0x1a3: {  	[sflag:s21] =	ssyncadd.s32 @!p1 $0xFFFFFE00  }
0x1a4: {  	[spmem:s4] =	stream.indirect.scatter.add.f32 @!p1 [tilespmem:s15], [sflag:$0x1], $0x1, s23, s10, $0xb8;
	[tilespmem:$0x8E80] =	vst v63  }
0x1a5: {  	_ =	swait.ge @!p1 [sflag:s21], $0x200  }
0x1a6: {  	[sflag:s21] =	ssyncset.done @!p1 $0x0  }
0x1a7: {  	[sflag:s21] =	ssyncadd.s32 @!p1 $0xFFFFFE00  }
0x1a8: {  	[bflag:$0x0] =	sbarrier.arrive $0xFFFF  }
0x1a9: {  	[tilespmem:s8], [sflag:$0x3] =	stream.linear.gather [spmem:s11], $0x1880, $0x38;
	[tilespmem:$0x8E80] =	vst v63  }
0x1aa: {  	_ =	swait.ge [sflag:s6], $0x1880  }
0x1ab: {  	[sflag:s6] =	ssyncset.done $0x0  }
0x1ac: {  	s21 =	simm.s32 $0x0;
	[sflag:s6] =	ssyncadd.s32 $0xFFFFE780  }
0x1ad: {  	s22 =	simm.s32 $0x40;
	v1 =	vld [tilespmem:s21+$0x1400]  }
.LBB2_9:
0x1ae: {  	p2 =	seq.s32 s22, $0x61C0;
	v2 =	vld [tilespmem:s21+$0x2C80];
	_ =	sdelay $0x1  }
0x1af: {  	v3 =	vld [tilespmem:s21+$0x4500];
	_ =	sdelay $0x2  }
.Ltmp15:
0x1b0: {  	v1 =	vmul.f32 v1, v2;
	(pc) =	sbr.rel @!p2 .LBB2_9-.Ltmp15, $4  }
0x1b1: {  	_ = 	snop  }
0x1b2: {  	v2 =	vadd.f32 v3, v1  }
0x1b3: {  	s10 =	sshra.s32 s22, $0x2  }
0x1b4: {  	s22 =	sadd.s32 $0x40, s22;
	v1 =	vld [tilespmem:s10+$0x1400];
	[tilespmem:s21+$0x2C80] =	vst v2;
	s21 =	smov.u32 s10  }
0x1b5: {  	v2 =	vld [tilespmem:s21+$0x2C80];
	_ =	sdelay $0x1  }
0x1b6: {  	v3 =	vld [tilespmem:s21+$0x4500];
	_ =	sdelay $0x2  }
.Ltmp16:
0x1b7: {  	v1 =	vmul.f32 v1, v2;
	(pc) =	sbr.rel .LBB2_20-.Ltmp16, $3  }
0x1b8: {  	_ = 	snop  }
0x1b9: {  	v1 =	vadd.f32 v3, v1;
	_ =	sdelay $0x1  }
0x1ba: {  	[tilespmem:s21+$0x2C80] =	vst v1;
	s21 =	rddreg [dreg:$0x7]  }
.LBB2_21:
0x1bb: {  	_ =	sfence.sel $0x180000  }
0x1bc: {  	[bflag:$0x0] =	sbarrier.arrive $0xFFFF  }
0x1bd: {  	_ =	strace $0x9000004A  }
0x1be: {  	s0 =	stileid.u32;
	[bflag:$0x2] =	sbarrier.arrive $0xFFFF  }
0x1bf: {  	p0 =	sne.s32 s0, $0x0;
	s0 =	rddreg [dreg:$0x6]  }
0x1c0: {  	s0 =	sadd.s32 @!p0 $0x100000, s0  }
0x1c1: {  	[sflag:s0] =	ssyncadd.tile.s32 @!p0 $0x1;
	_ =	shalt  }
.Lfunc_end2:
_tile_overlayer_lowered:
.L_overlay_start_2:
0x1c2: {  	(tag) =	ssettag $0x2  }
0x1c3: {  	s0 =	rddreg [dreg:$0x0];
	s2 =	stileid.u32  }
0x1c4: {  	s1 =	rddreg [dreg:$0x1];
	p0 =	sne.s32 s2, $0x0  }
0x1c5: {  	s3 =	rddreg [dreg:$0x2];
	[bflag:$0x3] =	sbarrier.arrive $0xFFFF;
	s2 =	simm.s32 @!p0 $0x1C03  }
0x1c6: {  	[timem:s3], [sflag:s2] =	dma.local @!p0 [hbm:s0], s1  }
0x1c7: {  	s0 =	simm.s32 @!p0 $0x3  }
0x1c8: {  	_ =	swait.ge @!p0 [sflag:s0], s1  }
0x1c9: {  	s1 =	ssub.s32 @!p0 $0x0, s1;
	[sflag:s0] =	ssyncset.done @!p0 $0x0  }
0x1ca: {  	[sflag:s0] =	ssyncadd.s32 @!p0 s1  }
0x1cb: {  	[bflag:$0x3] =	sbarrier.arrive $0xFFFF  }
0x1cc: {  	_ =	shalt  }

// kernel: kernel.7.cloned.1.call-start
scs
__scs_entry_jumppad:
0x0: {  	(pc) =	sbr.rel $0x88, $3  }
0x1: {  	(tag) =	ssettag $0x0;
	lr =	simm.s32 $0x1  }
0x2: {  	[smem:$0x3F8D] =	sst lr;
	_ =	strace $0xD0000000  }
0x3: {  	_ = 	snop  }
0x4: {  	_ = 	snop  }
0x5: {  	_ = 	snop  }
0x6: {  	_ = 	snop  }
0x7: {  	_ = 	snop  }
__scs_overlays_trampoline_lowered:
0x8: {  	[smem:$0x3F9C] =	sst s0  }
0x9: {  	[smem:$0x3F9D] =	sst s1  }
0xa: {  	[smem:$0x3F9E] =	sst s2  }
0xb: {  	[smem:$0x3F9F] =	sst s3  }
0xc: {  	[smem:$0x3FA0] =	sst s4  }
0xd: {  	[smem:$0x3FA1] =	sst s5  }
0xe: {  	[smem:$0x3FA2] =	sst s6  }
0xf: {  	[smem:$0x3FA3] =	sst s7  }
0x10: {  	[smem:$0x3FA4] =	sst s8  }
0x11: {  	[smem:$0x3FA5] =	sst s9;
	s0 =	simm.s32 @!p0 $0x0  }
0x12: {  	s1 =	sld [smem:$0x3F8B];
	s0 =	simm.s32 @p0 $0x1  }
0x13: {  	[smem:$0x3FA6] =	sst s0;
	s0 =	simm.s32 @!p1 $0x0  }
0x14: {  	s2 =	sld [smem:$0x3F8A];
	s0 =	simm.s32 @p1 $0x1  }
0x15: {  	[smem:$0x3FA7] =	sst s0;
	s0 =	simm.s32 @!p2 $0x0  }
0x16: {  	s3 =	sld [smem:$0x3FDB];
	s0 =	simm.s32 @p2 $0x1  }
0x17: {  	s4 =	simm.s32 $0x1BF5;
	[smem:$0x3FA9] =	sst s0  }
0x18: {  	s0 =	sld [smem:$0x3F8C];
	_ =	swait.ge [sflag:s4], $0x0  }
0x19: {  	s7 =	sld [smem:$0x3F8D]  }
0x1a: {  	s8 =	sadd.s32 $0xFFFFE003, lr  }
0x1b: {  	s9 =	sadd.s32 $0xFFFFFEF7, lr;
	s5 =	simm.s32 $0xFFFFFFFF;
	p2 =	slt.u32 s8, $0xFFFFF086  }
0x1c: {  	p1 =	slt.u32 s9, $0xF7A;
	s5 =	simm.s32 @!p2 $0x0  }
0x1d: {  	s5 =	simm.s32 @p1 $0x1;
	p0 =	seq.s32 s7, s2  }
0x1e: {  	s7 =	smul.u32 @!p0 $0xF7A, s2;
	p2 =	seq.s32 @!p0 s5, $0x0  }
0x1f: {  	s9 =	smul.u32 $0xF7A, s1;
	s8 =	simm.s32 @!p0 $0x1BF5;
	p2 =	por !p2, p0  }
0x20: {  	[sflag:s8] =	ssyncset.s32 @!p0 $0xFFFFF086;
	s6 =	sadd.s32 @!p0 s3, s7;
	s7 =	simm.s32 @!p0 $0x108  }
0x21: {  	s3 =	sadd.s32 s3, s9;
	s6 =	sadd.s32 @!p0 $0x88, s6;
	s7 =	simm.s32 @p2 $0x1082  }
0x22: {  	[simem:s7], [sflag:s8] =	dma.local @!p0 [hbm:s6], $0xF7A  }
0x23: {  	s9 =	sor.u32 $0xD0000000, s2;
	s6 =	simm.s32 $0x108;
	_ =	swait.ge @!p0 [sflag:s8], $0x0  }
0x24: {  	s3 =	sadd.s32 $0x88, s3;
	s6 =	simm.s32 @!p1 $0x1082;
	[sflag:s4] =	ssyncset.s32 $0xFFFFF086  }
0x25: {  	[simem:s6], [sflag:s4] =	dma.local [hbm:s3], $0xF7A  }
0x26: {  	[smem:$0x3F8D] =	sst s1;
	(tag) =	ssettag s2;
	_ =	strace s9  }
0x27: {  	s1 =	sld [smem:$0x3F9D]  }
0x28: {  	s2 =	sld [smem:$0x3F9E]  }
0x29: {  	s4 =	sld [smem:$0x3FA0]  }
0x2a: {  	p0 =	seq.s32 s5, $0x0;
	s5 =	sld [smem:$0x3FA1]  }
0x2b: {  	s6 =	sld [smem:$0x3FA2]  }
0x2c: {  	s7 =	sld [smem:$0x3FA3]  }
0x2d: {  	s3 =	simm.s32 $0x108;
	s8 =	sld [smem:$0x3FA4]  }
0x2e: {  	s3 =	simm.s32 @!p0 $0x1082;
	s9 =	sld [smem:$0x3FA5]  }
0x2f: {  	lr =	sadd.s32 s0, s3;
	s0 =	sld [smem:$0x3F9C]  }
0x30: {  	s3 =	sld [smem:$0x3F9F]  }
0x31: {  	[smem:$0x3FA8] =	sst s10  }
0x32: {  	s10 =	sld [smem:$0x3FA6];
	_ =	sdelay $0x3  }
0x33: {  	p0 =	seq.s32 s10, $0x1;
	s10 =	sld [smem:$0x3FA8];
	_ =	sdelay $0x3  }
0x34: {  	[smem:$0x3FA8] =	sst s10  }
0x35: {  	s10 =	sld [smem:$0x3FA7];
	_ =	sdelay $0x3  }
0x36: {  	p1 =	seq.s32 s10, $0x1;
	s10 =	sld [smem:$0x3FA8];
	_ =	sdelay $0x3  }
0x37: {  	[smem:$0x3FA8] =	sst s10  }
0x38: {  	s10 =	sld [smem:$0x3FA9]  }
0x39: {  	_ = 	snop;
	(pc) =	sbr.ind lr, $3  }
0x3a: {  	_ = 	snop  }
0x3b: {  	_ = 	snop  }
0x3c: {  	p2 =	seq.s32 s10, $0x1;
	s10 =	sld [smem:$0x3FA8]  }
0x3d: {  	_ =	shalt  }
0x3e: {  	_ =	shalt  }
0x3f: {  	_ =	shalt  }
0x40: {  	_ =	shalt  }
0x41: {  	_ =	shalt  }
0x42: {  	_ =	shalt  }
0x43: {  	_ =	shalt  }
0x44: {  	_ =	shalt  }
0x45: {  	_ =	shalt  }
0x46: {  	_ =	shalt  }
0x47: {  	_ =	shalt  }
0x48: {  	_ =	shalt  }
0x49: {  	_ =	shalt  }
0x4a: {  	_ =	shalt  }
0x4b: {  	_ =	shalt  }
0x4c: {  	_ =	shalt  }
0x4d: {  	_ =	shalt  }
0x4e: {  	_ =	shalt  }
0x4f: {  	_ =	shalt  }
0x50: {  	_ =	shalt  }
0x51: {  	_ =	shalt  }
0x52: {  	_ =	shalt  }
0x53: {  	_ =	shalt  }
0x54: {  	_ =	shalt  }
0x55: {  	_ =	shalt  }
0x56: {  	_ =	shalt  }
0x57: {  	_ =	shalt  }
0x58: {  	_ =	shalt  }
0x59: {  	_ =	shalt  }
0x5a: {  	_ =	shalt  }
0x5b: {  	_ =	shalt  }
0x5c: {  	_ =	shalt  }
0x5d: {  	_ =	shalt  }
0x5e: {  	_ =	shalt  }
0x5f: {  	_ =	shalt  }
0x60: {  	_ =	shalt  }
0x61: {  	_ =	shalt  }
0x62: {  	_ =	shalt  }
0x63: {  	_ =	shalt  }
0x64: {  	_ =	shalt  }
0x65: {  	_ =	shalt  }
0x66: {  	_ =	shalt  }
0x67: {  	_ =	shalt  }
0x68: {  	_ =	shalt  }
0x69: {  	_ =	shalt  }
0x6a: {  	_ =	shalt  }
0x6b: {  	_ =	shalt  }
0x6c: {  	_ =	shalt  }
0x6d: {  	_ =	shalt  }
0x6e: {  	_ =	shalt  }
0x6f: {  	_ =	shalt  }
0x70: {  	_ =	shalt  }
0x71: {  	_ =	shalt  }
0x72: {  	_ =	shalt  }
0x73: {  	_ =	shalt  }
0x74: {  	_ =	shalt  }
0x75: {  	_ =	shalt  }
0x76: {  	_ =	shalt  }
0x77: {  	_ =	shalt  }
0x78: {  	_ =	shalt  }
0x79: {  	_ =	shalt  }
0x7a: {  	_ =	shalt  }
0x7b: {  	_ =	shalt  }
0x7c: {  	_ =	shalt  }
0x7d: {  	_ =	shalt  }
0x7e: {  	_ =	shalt  }
0x7f: {  	_ =	shalt  }
0x80: {  	_ =	shalt  }
0x81: {  	_ =	shalt  }
0x82: {  	_ =	shalt  }
0x83: {  	_ =	shalt  }
0x84: {  	_ =	shalt  }
0x85: {  	_ =	shalt  }
0x86: {  	_ =	shalt  }
0x87: {  	_ =	shalt  }
.Lfunc_end0:
.L_simem_size_0:
called_computation_lowered:
.L_overlay_start_0:
0x88: {  	s2 =	sld [smem:$0x3FD9]  }
0x89: {  	s3 =	sld [smem:$0x3FFE];
	_ =	sdelay $0x1  }
0x8a: {  	s1 =	srdreg.scid  }
0x8b: {  	s0 =	sand.u32 $0x1, s1  }
0x8c: {  	s17 =	sshll.u32 s0, $0xA;
	s2 =	sadd.s32 s3, s2  }
0x8d: {  	s2 =	sadd.s32 s2, s17  }
0x8e: {  	[smem:$0x3FB4] =	sst s2  }
0x8f: {  	_ = 	snop  }
0x90: {  	s2 =	sld [smem:$0x3FC8]  }
0x91: {  	s18 =	sld [smem:$0x3FC7];
	(tm) =	ssettm $0x1  }
0x92: {  	s4 =	sld [smem:$0x3FFB];
	_ =	sdelay $0x3  }
0x93: {  	_ =	strace s4  }
0x94: {  	s4 =	sld [smem:$0x3FFC];
	_ =	sdelay $0x3  }
0x95: {  	_ =	strace s4  }
0x96: {  	s4 =	sld [smem:$0x3FFD];
	_ =	sdelay $0x3  }
0x97: {  	_ =	strace s4  }
0x98: {  	_ =	strace $0x8FFFFFFF  }
0x99: {  	s19 =	sld [smem:$0x3FDB];
	_ =	sdelay $0x1  }
0x9a: {  	s5 =	simm.s32 $_scs_section_size  }
0x9b: {  	s6 =	simm.s32 $_size__tile_overlayer_lowered;
	s7 =	simm.s32 $_tile_overlayer_lowered  }
0x9c: {  	s22 =	simm.s32 $0x1BFF;
	s21 =	sshll.u32 s7, $0x1;
	s4 =	sadd.s32 s5, s19  }
0x9d: {  	s8 =	simm.s32 $0x0;
	s20 =	sshll.u32 s6, $0x1;
	s6 =	sadd.s32 s21, s4  }
0x9e: {  	[timem:s8], [sflag:s22] =	dma.local [hbm:s6], s20  }
0x9f: {  	_ =	swait.ge [sflag:s22], s20  }
0xa0: {  	s5 =	ssub.s32 $0x0, s20;
	[sflag:s22] =	ssyncset.done $0x0  }
0xa1: {  	[sflag:s22] =	ssyncadd.s32 s5;
	_ =	sdelay $0x1  }
0xa2: {  	s23 =	simm.s32 $0x1B8B  }
0xa3: {  	_ =	swait.ge [sflag:s23], $0x1  }
0xa4: {  	[sflag:s23] =	ssyncset.done $0x0  }
0xa5: {  	s25 =	simm.s32 $0x1B8E;
	s24 =	sld [smem:$0x3FFE];
	[sflag:s23] =	ssyncadd.s32 $0xFFFFFFFF  }
0xa6: {  	s26 =	simm.s32 $execute0_lowered;
	[smem:$0x3FD2] =	sst s25  }
0xa7: {  	s6 =	sshll.u32 s26, $0x1;
	_ =	strace $0x80000046;
	[dreg:$0x1] =	wrdreg $0xFFFFFFFF  }
0xa8: {  	s28 =	simm.s32 $_size_execute0_lowered;
	s4 =	sadd.s32 s4, s6;
	[dreg:$0x0] =	wrdreg $0x0  }
0xa9: {  	s6 =	sshll.u32 s28, $0x1;
	[dreg:$0x2] =	wrdreg s4  }
0xaa: {  	[dreg:$0x3] =	wrdreg s6  }
0xab: {  	[dreg:$0x4] =	wrdreg $0xC0  }
0xac: {  	_ =	task [dreg:s8], $0x5FFFF  }
0xad: {  	[dreg:$0x1] =	wrdreg $0xFFFFFFFF  }
0xae: {  	[dreg:$0x0] =	wrdreg $0x60  }
0xaf: {  	[dreg:$0x2] =	wrdreg s2  }
0xb0: {  	[dreg:$0x3] =	wrdreg s18  }
0xb1: {  	[dreg:$0x4] =	wrdreg s24  }
0xb2: {  	[dreg:$0x5] =	wrdreg $0x24800  }
0xb3: {  	[dreg:$0x6] =	wrdreg $0x9  }
0xb4: {  	_ =	task.clear_ibuf [dreg:s8], $0x7FFFF;
	_ =	strace $0x90000046  }
0xb5: {  	s29 =	simm.s32 $0x9;
	_ =	strace $0x80000048  }
0xb6: {  	_ =	swait.ge [sflag:s29], $0x1  }
0xb7: {  	[sflag:s29] =	ssyncadd.s32 $0xFFFFFFFF  }
0xb8: {  	_ =	strace $0x90000048  }
0xb9: {  	_ =	sfence  }
0xba: {  	s30 =	sld [smem:$0x0];
	_ =	sdelay $0x2  }
0xbb: {  	s31 =	sshll.u32 s1, $0xD;
	s1 =	sshrl.u32 s1, $0x2  }
0xbc: {  	s3 =	sand.u32 $0x4000, s31;
	s1 =	sadd.s32 s1, s30  }
0xbd: {  	s0 =	sor.u32 s3, s0;
	s1 =	sshll.u32 s1, $0x11  }
0xbe: {  	s0 =	sor.u32 s1, s0  }
0xbf: {  	s0 =	sadd.s32 $0x8F2B, s0  }
0xc0: {  	[sflag:s0] =	ssyncadd.remote.s32 $0x1  }
0xc1: {  	_ =	sfence.sel $0xFFFF  }
0xc2: {  	[dreg:$0x0] =	wrdreg $0xFFFFFFFF;
	(pc) =	sbr.abs _section_cstart, $3  }
0xc3: {  	[dreg:$0x1] =	wrdreg $0xFFFFFFFF  }
0xc4: {  	_ =	task.clear_ibuf [dreg:s8], $0x2FFFF;
	_ =	strace $0x9FFFFFFF  }
0xc5: {  	(tm) =	ssettm $0x7FFFFFFF  }
tec
execute0_lowered:
.L_overlay_start_1:
0x0: {  	(tag) =	ssettag $0x1  }
0x1: {  	s1 =	rddreg [dreg:$0x0]  }
0x2: {  	s3 =	rddreg [dreg:$0x1]  }
0x3: {  	s2 =	rddreg [dreg:$0x2]  }
0x4: {  	s4 =	rddreg [dreg:$0x3]  }
0x5: {  	s0 =	stileid.u32;
	s6 =	srdreg.scid;
	s5 =	simm.s32 $0x0  }
0x6: {  	s17 =	simm.s32 $0xC00;
	s18 =	simm.s32 $0x3;
	s19 =	simm.s32 $0x80  }
0x7: {  	s20 =	simm.s32 $0x100;
	s21 =	simm.s32 $0x2;
	s22 =	simm.s32 $0x400  }
0x8: {  	s23 =	simm.s32 $0x800;
	s24 =	simm.s32 $0x1;
	s25 =	simm.s32 $0x200  }
0x9: {  	s26 =	simm.s32 $0x0;
	s7 =	smul.u32 $0x1880, s0;
	s8 =	sand.u32 $0x1, s6  }
0xa: {  	[smem:$0x7FF] =	sst s5;
	p0 =	seq.s32 s0, $0xF;
	s6 =	simm.s32 $0x5C  }
0xb: {  	s15 =	smul.u32 $0x6200, s0;
	p2 =	sne.s32 s0, $0xF;
	s9 =	ssub.s32 $0x2, s8  }
0xc: {  	_ =	strace $0x80000047;
	p1 =	seq.s32 s8, $0x1;
	s6 =	simm.s32 @!p0 $0x62  }
.Ltmp0:
0xd: {  	s8 =	sadd.s32 $0x10, s1;
	s30 =	sshrl.u32 s7, $0x3;
	(pc) =	sbr.rel .LBB2_1-.Ltmp0, $4  }
0xe: {  	s31 =	sshrl.u32 s9, $0x1;
	s7 =	sadd.s32 s7, s4;
	s10 =	sadd.s32 s15, s8  }
0xf: {  	s2 =	sadd.s32 s30, s2;
	s14 =	ssub.s32 s9, s31;
	s9 =	sadd.s32 $0x10, s3  }
0x10: {  	s16 =	sadd.s32 $0xFFFFFFFF, s6;
	s11 =	sadd.s32 $0x3600, s2;
	s12 =	sadd.s32 s15, s9  }
0x11: {  	v0 =	vimm.f32 $0.0e+00;
	v1 =	vimm.f32 $1.000000000e+00;
	s13 =	sadd.s32 $0x6800, s2;
	s14 =	smax.u32 s14, $0x1;
	s15 =	sor.u32 $0x100, s15  }
.LBB2_18:
0x12: {  	s0 =	sadd.s32 $0x61A10, s28  }
0x13: {  	[tilespmem:s5], [sflag:$0x3] =	stream.strided.gather [hbm4b:s0+s19], $0x200, s20, s19, $0x38;
	[tilespmem:$0x3D00] =	vst v63  }
0x14: {  	_ =	swait.ge [sflag:s18], $0x200  }
0x15: {  	[sflag:s18] =	ssyncset.done $0x0  }
0x16: {  	[sflag:s18] =	ssyncadd.s32 $0xFFFFFE00  }
0x17: {  	[spmem:s4] =	stream.indirect.scatter.add.f32 [tilespmem:s23], [sflag:$0x1], $0x1, s5, s25, $0xb8;
	[tilespmem:$0x3D00] =	vst v63  }
0x18: {  	_ =	swait.ge [sflag:s24], $0x200  }
0x19: {  	[sflag:s24] =	ssyncset.done $0x0  }
0x1a: {  	[sflag:s24] =	ssyncadd.s32 $0xFFFFFE00  }
.LBB2_19:
0x1b: {  	[bflag:$0x0] =	sbarrier.arrive $0xFFFF  }
0x1c: {  	[tilespmem:s17], [sflag:$0x3] =	stream.linear.gather [spmem:s7], $0x1880, $0x38;
	[tilespmem:$0x3D00] =	vst v63  }
0x1d: {  	s26 =	sadd.s32 $0x1, s26;
	_ =	swait.ge [sflag:s18], $0x1880  }
0x1e: {  	p3 =	sne.s32 s26, s14;
	[sflag:s18] =	ssyncset.done $0x0  }
.Ltmp1:
0x1f: {  	[sflag:s18] =	ssyncadd.s32 $0xFFFFE780;
	(pc) =	sbr.rel @!p3 .LBB2_20-.Ltmp1, $4  }
0x20: {  	[hbm4b:s2+s5] =	stream.linear.scatter [tilespmem:s17], [sflag:$0x3], $0x1880, $0x38;
	[tilespmem:$0x3D00] =	vst v63  }
0x21: {  	_ =	swait.ge [sflag:s18], $0x1880  }
0x22: {  	[sflag:s18] =	ssyncset.done $0x0  }
0x23: {  	[sflag:s18] =	ssyncadd.s32 $0xFFFFE780  }
.LBB2_1:
.Ltmp2:
0x24: {  	(pc) =	sbr.rel @!p1 .LBB2_2-.Ltmp2, $2  }
0x25: {  	_ =	sdelay $0x2  }
0x26: {  	s2 =	simm.s32 $0x40;
	s28 =	simm.s32 $0x0  }
.LBB2_10:
0x27: {  	p3 =	sne.s32 s2, $0x61C0;
	[tilespmem:s28+$0xC00] =	vst v0;
	s0 =	smov.u32 s2;
	s2 =	sadd.s32 $0x40, s2  }
.Ltmp3:
0x28: {  	(pc) =	sbr.rel @p3 .LBB2_10-.Ltmp3, $2  }
0x29: {  	_ =	sdelay $0x2  }
0x2a: {  	s28 =	sshra.s32 s0, $0x2  }
0x2b: {  	[tilespmem:s28+$0xC00] =	vst v0  }
0x2c: {  	[spmem:s7] =	stream.linear.scatter [tilespmem:s17], [sflag:$0x3], $0x1880, $0x38;
	[tilespmem:$0x3D00] =	vst v63  }
0x2d: {  	_ =	swait.ge [sflag:s18], $0x1880  }
0x2e: {  	[sflag:s18] =	ssyncset.done $0x0  }
0x2f: {  	s2 =	simm.s32 $0x40;
	s28 =	simm.s32 $0x0;
	[sflag:s18] =	ssyncadd.s32 $0xFFFFE780  }
.LBB2_12:
0x30: {  	p3 =	sne.s32 s2, $0xFC0;
	[tilespmem:s28+$0x800] =	vst v1;
	s0 =	smov.u32 s2;
	s2 =	sadd.s32 $0x40, s2  }
.Ltmp4:
0x31: {  	(pc) =	sbr.rel @p3 .LBB2_12-.Ltmp4, $2  }
0x32: {  	_ =	sdelay $0x2  }
0x33: {  	s28 =	sshra.s32 s0, $0x2  }
0x34: {  	p5 =	sne.s32 s16, $0x1  }
.Ltmp5:
0x35: {  	[tilespmem:s28+$0x800] =	vst v1;
	(pc) =	sbr.rel @!p5 .LBB2_14-.Ltmp5, $4  }
0x36: {  	s0 =	simm.s32 $0x0;
	[bflag:$0x0] =	sbarrier.arrive $0xFFFF  }
0x37: {  	[tilespmem:s0], [sflag:$0x2] =	stream.strided.gather [hbm4b:s12+s19], $0x400, s20, s19, $0x38;
	[tilespmem:$0x3D00] =	vst v63  }
0x38: {  	s2 =	simm.s32 $0x1;
	s31 =	sand.u32 $0x1FFFFE00, s15;
	s0 =	sand.u32 $0x1, s0  }
0x39: {  	p3 =	por $0x0, $0x0;
	s28 =	ssub.s32 $0x0, s0;
	p4 =	seq.s32 s0, $0x1  }
0x3a: {  	s0 =	smov.u32 s15  }
0x3b: {  	s29 =	simm.s32 $0x0;
	s0 =	smov.u32 @p4 s31  }
0x3c: {  	s29 =	simm.s32 @!p4 $0x400;
	s0 =	sadd.s32 s0, s9  }
0x3d: {  	[tilespmem:s29], [sflag:$0x2] =	stream.strided.gather [hbm4b:s0+s19], $0x400, s20, s19, $0x38;
	[tilespmem:$0x3D00] =	vst v63  }
0x3e: {  	s30 =	simm.s32 $0x2;
	p5 =	sne.s32 s16, $0x2;
	_ =	swait.ge [sflag:s21], $0x400  }
.Ltmp6:
0x3f: {  	s2 =	sand.u32 $0x1, s2;
	[sflag:s21] =	ssyncset.done $0x0;
	(pc) =	sbr.rel @!p5 .LBB2_17-.Ltmp6, $4  }
0x40: {  	p3 =	por $0x1, $0x1;
	s0 =	sand.u32 $0x400, s28;
	[sflag:s21] =	ssyncadd.s32 $0xFFFFFC00  }
0x41: {  	[spmem:s4] =	stream.indirect.scatter.add.f32 [tilespmem:s23], [sflag:$0x1], $0x1, s0, s22, $0xb8;
	[tilespmem:$0x3D00] =	vst v63  }
0x42: {  	p4 =	seq.s32 s2, $0x1;
	s29 =	sadd.s32 $0x100, s15;
	_ =	swait.ge [sflag:s24], $0x400  }
0x43: {  	s28 =	ssub.s32 $0x0, s2;
	s31 =	sand.u32 $0x1FFFFE00, s29;
	[sflag:s24] =	ssyncset.done $0x0  }
.LBB2_16:
0x44: {  	s0 =	smov.u32 s29;
	[sflag:s24] =	ssyncadd.s32 $0xFFFFFC00;
	s2 =	smov.u32 s30  }
0x45: {  	s30 =	sadd.s32 $0x1, s30;
	s0 =	smov.u32 @p4 s31;
	s31 =	simm.s32 $0x0  }
0x46: {  	p5 =	sne.s32 s16, s30;
	s31 =	simm.s32 @!p4 $0x400;
	s0 =	sadd.s32 s0, s9  }
0x47: {  	[tilespmem:s31], [sflag:$0x2] =	stream.strided.gather [hbm4b:s0+s19], $0x400, s20, s19, $0x38;
	[tilespmem:$0x3D00] =	vst v63  }
0x48: {  	_ =	swait.ge [sflag:s21], $0x400  }
.Ltmp7:
0x49: {  	[sflag:s21] =	ssyncset.done $0x0;
	(pc) =	sbr.rel @p5 .LBB2_16-.Ltmp7, $4  }
0x4a: {  	s29 =	sadd.s32 $0x100, s29;
	s0 =	sand.u32 $0x400, s28;
	[sflag:s21] =	ssyncadd.s32 $0xFFFFFC00  }
0x4b: {  	[spmem:s4] =	stream.indirect.scatter.add.f32 [tilespmem:s23], [sflag:$0x1], $0x1, s0, s22, $0xb8;
	[tilespmem:$0x3D00] =	vst v63  }
0x4c: {  	s31 =	sand.u32 $0x1FFFFE00, s29;
	s0 =	sand.u32 $0x1, s2;
	_ =	swait.ge [sflag:s24], $0x400  }
0x4d: {  	s28 =	ssub.s32 $0x0, s0;
	p4 =	seq.s32 s0, $0x1;
	[sflag:s24] =	ssyncset.done $0x0  }
.LBB2_17:
0x4e: {  	s29 =	smov.u32 @p4 s31;
	s0 =	simm.s32 $0x0  }
0x4f: {  	[sflag:s24] =	ssyncadd.s32 @p3 $0xFFFFFC00;
	s0 =	simm.s32 @!p4 $0x400;
	s2 =	sadd.s32 s29, s9  }
0x50: {  	[tilespmem:s0], [sflag:$0x2] =	stream.strided.gather [hbm4b:s2+s19], $0x400, s20, s19, $0x38;
	[tilespmem:$0x3D00] =	vst v63  }
0x51: {  	_ =	swait.ge [sflag:s21], $0x400  }
0x52: {  	[sflag:s21] =	ssyncset.done $0x0  }
0x53: {  	s31 =	sand.u32 $0x400, s28;
	[sflag:s21] =	ssyncadd.s32 $0xFFFFFC00  }
0x54: {  	[spmem:s4] =	stream.indirect.scatter.add.f32 [tilespmem:s23], [sflag:$0x1], $0x1, s31, s22, $0xb8;
	[tilespmem:$0x3D00] =	vst v63  }
0x55: {  	_ =	swait.ge [sflag:s24], $0x400  }
0x56: {  	[sflag:s24] =	ssyncset.done $0x0  }
0x57: {  	[sflag:s24] =	ssyncadd.s32 $0xFFFFFC00  }
0x58: {  	_ =	swait.ge [sflag:s21], $0x400  }
0x59: {  	[sflag:s21] =	ssyncset.done $0x0  }
0x5a: {  	[sflag:s21] =	ssyncadd.s32 $0xFFFFFC00  }
0x5b: {  	[spmem:s4] =	stream.indirect.scatter.add.f32 [tilespmem:s23], [sflag:$0x1], $0x1, s22, s22, $0xb8;
	[tilespmem:$0x3D00] =	vst v63  }
.Ltmp8:
0x5c: {  	_ = 	snop;
	(pc) =	sbr.rel @p2 .LBB2_19-.Ltmp8, $4  }
.Ltmp9:
0x5d: {  	_ = 	snop;
	(pc) =	sbr.rel @!p2 .LBB2_18-.Ltmp9, $4  }
0x5e: {  	_ =	swait.ge [sflag:s24], $0x400  }
0x5f: {  	[sflag:s24] =	ssyncset.done $0x0  }
0x60: {  	s28 =	smov.u32 s3;
	s2 =	smov.u32 s13;
	[sflag:s24] =	ssyncadd.s32 $0xFFFFFC00  }
0x61: {  	_ = 	snop  }
.LBB2_2:
0x62: {  	p3 =	sne.s32 s2, $0x61C0;
	[tilespmem:s28+$0xC00] =	vst v0;
	s28 =	smov.u32 s2;
	s2 =	sadd.s32 $0x40, s2  }
.Ltmp10:
0x63: {  	(pc) =	sbr.rel @p3 .LBB2_2-.Ltmp10, $2  }
0x64: {  	_ =	sdelay $0x2  }
0x65: {  	s28 =	sshra.s32 s28, $0x2  }
0x66: {  	[tilespmem:s28+$0xC00] =	vst v0  }
0x67: {  	[spmem:s7] =	stream.linear.scatter [tilespmem:s17], [sflag:$0x3], $0x1880, $0x38;
	[tilespmem:$0x3D00] =	vst v63  }
0x68: {  	_ =	swait.ge [sflag:s18], $0x1880  }
0x69: {  	[sflag:s18] =	ssyncset.done $0x0  }
0x6a: {  	s2 =	simm.s32 $0x40;
	s28 =	simm.s32 $0x0;
	[sflag:s18] =	ssyncadd.s32 $0xFFFFE780  }
.LBB2_4:
0x6b: {  	p3 =	sne.s32 s2, $0xFC0;
	[tilespmem:s28+$0x800] =	vst v1;
	s28 =	smov.u32 s2;
	s2 =	sadd.s32 $0x40, s2  }
.Ltmp11:
0x6c: {  	(pc) =	sbr.rel @p3 .LBB2_4-.Ltmp11, $2  }
0x6d: {  	_ =	sdelay $0x2  }
0x6e: {  	s28 =	sshra.s32 s28, $0x2  }
0x6f: {  	p5 =	sne.s32 s6, $0x2  }
.Ltmp12:
0x70: {  	_ = 	snop;
	(pc) =	sbr.rel @!p5 .LBB2_6-.Ltmp12, $4  }
0x71: {  	[tilespmem:s28+$0x800] =	vst v1;
	s2 =	simm.s32 $0x0  }
0x72: {  	s31 =	sand.u32 $0x1FFFFE00, s15;
	[bflag:$0x0] =	sbarrier.arrive $0xFFFF;
	s2 =	sand.u32 $0x1, s2  }
0x73: {  	[tilespmem:s5], [sflag:$0x2] =	stream.strided.gather [hbm4b:s10+s19], $0x400, s20, s19, $0x38;
	[tilespmem:$0x3D00] =	vst v63  }
0x74: {  	p3 =	por $0x0, $0x0;
	s28 =	ssub.s32 $0x0, s2;
	p4 =	seq.s32 s2, $0x0  }
0x75: {  	s31 =	smov.u32 @p4 s15;
	s2 =	simm.s32 $0x400  }
0x76: {  	s0 =	simm.s32 $0x1;
	s2 =	simm.s32 @!p4 $0x0;
	s29 =	sadd.s32 s31, s8  }
0x77: {  	[tilespmem:s2], [sflag:$0x2] =	stream.strided.gather [hbm4b:s29+s19], $0x400, s20, s19, $0x38;
	[tilespmem:$0x3D00] =	vst v63  }
0x78: {  	s28 =	sand.u32 $0x400, s28;
	p5 =	sne.s32 s6, $0x3;
	_ =	swait.ge [sflag:s21], $0x400  }
.Ltmp13:
0x79: {  	s30 =	sadd.s32 $0x100, s15;
	[sflag:s21] =	ssyncset.done $0x0;
	(pc) =	sbr.rel @!p5 .LBB2_9-.Ltmp13, $4  }
0x7a: {  	p3 =	por $0x1, $0x1;
	s31 =	sand.u32 $0x1FFFFE00, s30;
	[sflag:s21] =	ssyncadd.s32 $0xFFFFFC00  }
0x7b: {  	[spmem:s4] =	stream.indirect.scatter.add.f32 [tilespmem:s23], [sflag:$0x1], $0x1, s28, s22, $0xb8;
	[tilespmem:$0x3D00] =	vst v63  }
0x7c: {  	s29 =	simm.s32 $0x3;
	s2 =	sand.u32 $0x1, s0;
	_ =	swait.ge [sflag:s24], $0x400  }
0x7d: {  	p4 =	seq.s32 s2, $0x0;
	s28 =	ssub.s32 $0x0, s2;
	[sflag:s24] =	ssyncset.done $0x0  }
.LBB2_8:
0x7e: {  	s31 =	smov.u32 @p4 s30;
	[sflag:s24] =	ssyncadd.s32 $0xFFFFFC00  }
0x7f: {  	s2 =	smov.u32 s29;
	s29 =	sadd.s32 $0x1, s29;
	s0 =	simm.s32 $0x400  }
0x80: {  	p5 =	sne.s32 s6, s29;
	s0 =	simm.s32 @!p4 $0x0;
	s31 =	sadd.s32 s31, s8  }
0x81: {  	[tilespmem:s0], [sflag:$0x2] =	stream.strided.gather [hbm4b:s31+s19], $0x400, s20, s19, $0x38;
	[tilespmem:$0x3D00] =	vst v63  }
0x82: {  	_ =	swait.ge [sflag:s21], $0x400  }
.Ltmp14:
0x83: {  	s30 =	sadd.s32 $0x100, s30;
	[sflag:s21] =	ssyncset.done $0x0;
	(pc) =	sbr.rel @p5 .LBB2_8-.Ltmp14, $4  }
0x84: {  	s0 =	sadd.s32 $0xFFFFFFFF, s2;
	s2 =	sand.u32 $0x400, s28;
	[sflag:s21] =	ssyncadd.s32 $0xFFFFFC00  }
0x85: {  	[spmem:s4] =	stream.indirect.scatter.add.f32 [tilespmem:s23], [sflag:$0x1], $0x1, s2, s22, $0xb8;
	[tilespmem:$0x3D00] =	vst v63  }
0x86: {  	s31 =	sand.u32 $0x1FFFFE00, s30;
	s0 =	sand.u32 $0x1, s0;
	_ =	swait.ge [sflag:s24], $0x400  }
0x87: {  	s28 =	ssub.s32 $0x0, s0;
	p4 =	seq.s32 s0, $0x0;
	[sflag:s24] =	ssyncset.done $0x0  }
.LBB2_9:
0x88: {  	s31 =	smov.u32 @p4 s30;
	s0 =	simm.s32 $0x400  }
0x89: {  	[sflag:s24] =	ssyncadd.s32 @p3 $0xFFFFFC00;
	s0 =	simm.s32 @!p4 $0x0;
	s2 =	sadd.s32 s31, s8  }
0x8a: {  	[tilespmem:s0], [sflag:$0x2] =	stream.strided.gather [hbm4b:s2+s19], $0x400, s20, s19, $0x38;
	[tilespmem:$0x3D00] =	vst v63  }
0x8b: {  	_ =	swait.ge [sflag:s21], $0x400  }
0x8c: {  	[sflag:s21] =	ssyncset.done $0x0  }
0x8d: {  	s31 =	sand.u32 $0x400, s28;
	[sflag:s21] =	ssyncadd.s32 $0xFFFFFC00  }
0x8e: {  	[spmem:s4] =	stream.indirect.scatter.add.f32 [tilespmem:s23], [sflag:$0x1], $0x1, s31, s22, $0xb8;
	[tilespmem:$0x3D00] =	vst v63  }
0x8f: {  	_ =	swait.ge [sflag:s24], $0x400  }
0x90: {  	[sflag:s24] =	ssyncset.done $0x0  }
0x91: {  	[sflag:s24] =	ssyncadd.s32 $0xFFFFFC00  }
0x92: {  	_ =	swait.ge [sflag:s21], $0x400  }
0x93: {  	[sflag:s21] =	ssyncset.done $0x0  }
0x94: {  	[sflag:s21] =	ssyncadd.s32 $0xFFFFFC00  }
0x95: {  	[spmem:s4] =	stream.indirect.scatter.add.f32 [tilespmem:s23], [sflag:$0x1], $0x1, s0, s22, $0xb8;
	[tilespmem:$0x3D00] =	vst v63  }
.Ltmp15:
0x96: {  	_ = 	snop;
	(pc) =	sbr.rel @p0 .LBB2_18-.Ltmp15, $4  }
.Ltmp16:
0x97: {  	_ = 	snop;
	(pc) =	sbr.rel @!p0 .LBB2_19-.Ltmp16, $4  }
0x98: {  	_ =	swait.ge [sflag:s24], $0x400  }
0x99: {  	[sflag:s24] =	ssyncset.done $0x0  }
0x9a: {  	s28 =	smov.u32 s1;
	s2 =	smov.u32 s11;
	[sflag:s24] =	ssyncadd.s32 $0xFFFFFC00  }
0x9b: {  	_ = 	snop  }
.LBB2_14:
.Ltmp17:
0x9c: {  	(pc) =	sbr.rel .LBB2_17-.Ltmp17, $2  }
0x9d: {  	_ =	sdelay $0x2  }
0x9e: {  	s29 =	smov.u32 s15  }
.LBB2_6:
.Ltmp18:
0x9f: {  	(pc) =	sbr.rel .LBB2_9-.Ltmp18, $2  }
0xa0: {  	_ =	sdelay $0x2  }
0xa1: {  	s30 =	smov.u32 s15  }
.LBB2_20:
0xa2: {  	_ =	sfence.sel $0x180000  }
0xa3: {  	[bflag:$0x0] =	sbarrier.arrive $0xFFFF  }
0xa4: {  	_ =	strace $0x90000047  }
0xa5: {  	s0 =	stileid.u32;
	[bflag:$0x2] =	sbarrier.arrive $0xFFFF  }
0xa6: {  	p0 =	sne.s32 s0, $0x0;
	s0 =	rddreg [dreg:$0x4]  }
0xa7: {  	s0 =	sadd.s32 @!p0 $0x100000, s0  }
0xa8: {  	[sflag:s0] =	ssyncadd.tile.s32 @!p0 $0x1;
	_ =	shalt  }
.Lfunc_end2:
_tile_overlayer_lowered:
.L_overlay_start_2:
0xa9: {  	(tag) =	ssettag $0x2  }
0xaa: {  	s0 =	rddreg [dreg:$0x0];
	s2 =	stileid.u32  }
0xab: {  	s1 =	rddreg [dreg:$0x1];
	p0 =	sne.s32 s2, $0x0  }
0xac: {  	s3 =	rddreg [dreg:$0x2];
	[bflag:$0x3] =	sbarrier.arrive $0xFFFF;
	s2 =	simm.s32 @!p0 $0x1C03  }
0xad: {  	[timem:s3], [sflag:s2] =	dma.local @!p0 [hbm:s0], s1  }
0xae: {  	s0 =	simm.s32 @!p0 $0x3  }
0xaf: {  	_ =	swait.ge @!p0 [sflag:s0], s1  }
0xb0: {  	s1 =	ssub.s32 @!p0 $0x0, s1;
	[sflag:s0] =	ssyncset.done @!p0 $0x0  }
0xb1: {  	[sflag:s0] =	ssyncadd.s32 @!p0 s1  }
0xb2: {  	[bflag:$0x3] =	sbarrier.arrive $0xFFFF  }
0xb3: {  	_ =	shalt  }

</sc_bundles>
